<compile_context>
chip_gen: v7x
topology: tpu7x:2x2x1
jax: 0.10.2.dev20260603
libtpu: 0.0.44.dev20260713+nightly
codegen_flags: <defaults>
</compile_context>

<pallas_src>
import functools

import jax
import jax.numpy as jnp
from jax import lax
from jax.experimental import pallas as pl
from jax.experimental.pallas import tpu as pltpu
from jax.experimental.pallas import tpu_sc as plsc

_NC = 2
_NS = 16
_NW = _NC * _NS

_LANES = 16
_UNROLL = 16


def _sc_gather_t_body(idxT_hbm, tableT_hbm, out_hbm, col_v, idx_v, out_v,
                      sem_i0, sem_i1, sem_o0, sem_o1):
  h_n = idxT_hbm.shape[0]
  b = idxT_hbm.shape[1]
  d_n = tableT_hbm.shape[0]
  n_pass = d_n // _NW

  wid = lax.axis_index("s") * _NC + lax.axis_index("c")
  sem_i = (sem_i0, sem_i1)
  sem_o = (sem_o0, sem_o1)
  n_tc = b // 128

  pltpu.async_copy(idxT_hbm.at[0], idx_v.at[0], sem_i[0])
  pltpu.async_copy(idxT_hbm.at[1], idx_v.at[1], sem_i[1])

  n_chunk = b // (_LANES * _UNROLL)

  for p in range(n_pass):
    d = p * _NW + wid
    tr = d // 8
    r = d % 8
    pltpu.sync_copy(tableT_hbm.at[d], col_v)

    def pair(i, carry, p=p, tr=tr, r=r):
      for sb in range(2):
        h = 2 * i + sb

        pltpu.make_async_copy(idxT_hbm.at[0], idx_v.at[sb], sem_i[sb]).wait()

        if p == 0:
          @pl.when(i > 0)
          def _(sb=sb):
            pltpu.make_async_copy(
                out_v.at[sb], out_hbm.at[pl.ds(0, n_tc), 0], sem_o[sb]).wait()
        else:
          pltpu.make_async_copy(out_v.at[sb], out_hbm.at[pl.ds(0, n_tc), 0], sem_o[sb]).wait()

        def chunk(j, c, sb=sb):
          base = j * (_LANES * _UNROLL)
          ivs = [idx_v.at[sb][pl.ds(base + u * _LANES, _LANES)]
                 for u in range(_UNROLL)]
          vals = [plsc.load_gather(col_v, [iv]) for iv in ivs]
          for u in range(_UNROLL):
            row = j * (_LANES * _UNROLL // 128) + u // 8
            out_v.at[sb].at[row][pl.ds((u % 8) * _LANES, _LANES)] = vals[u]
          return c

        lax.fori_loop(0, n_chunk, chunk, 0)

        g0 = (h * (d_n // 8) + tr) * n_tc
        pltpu.async_copy(out_v.at[sb], out_hbm.at[pl.ds(g0, n_tc), r],
                         sem_o[sb])

        nh = h + 2
        nh = jnp.where(nh >= h_n, nh - h_n, nh)
        pltpu.async_copy(idxT_hbm.at[nh], idx_v.at[sb], sem_i[sb])
      return carry

    lax.fori_loop(0, h_n // 2, pair, 0)

  for sb in range(2):
    pltpu.make_async_copy(out_v.at[sb], out_hbm.at[pl.ds(0, n_tc), 0], sem_o[sb]).wait()
    pltpu.make_async_copy(idxT_hbm.at[0], idx_v.at[sb], sem_i[sb]).wait()


def _sc_gather_t(idxT, tableT):
  h_n, b = idxT.shape
  d_n, v = tableT.shape
  mesh = plsc.VectorSubcoreMesh(core_axis_name="c", subcore_axis_name="s")
  f = functools.partial(
      pl.kernel,
      out_type=jax.ShapeDtypeStruct((h_n * d_n * b // 1024, 8, 128),
                                    jnp.float32),
      mesh=mesh,
      scratch_types=[
          pltpu.VMEM((v,), jnp.float32),
          pltpu.VMEM((2, b), jnp.int32),
          pltpu.VMEM((2, b // 128, 128), jnp.float32),
          pltpu.SemaphoreType.DMA,
          pltpu.SemaphoreType.DMA,
          pltpu.SemaphoreType.DMA,
          pltpu.SemaphoreType.DMA,
      ],
      compiler_params=pltpu.CompilerParams(
          use_tc_tiling_on_sc=False, needs_layout_passes=False),
  )(_sc_gather_t_body)
  return f(idxT, tableT)


def _transpose_body(x_ref, y_ref):
  y_ref[...] = x_ref[...].T


def _tc_transpose(x, rb):
  n, m = x.shape
  grid = (n // rb,)
  return pl.pallas_call(
      _transpose_body,
      grid=grid,
      in_specs=[pl.BlockSpec((rb, m), lambda i: (i, 0))],
      out_specs=pl.BlockSpec((m, rb), lambda i: (0, i)),
      out_shape=jax.ShapeDtypeStruct((m, n), x.dtype),
  )(x)


def _masklen_body(x_ref, mask_ref, len_ref):
  x = x_ref[...]
  m = x != 0
  mask_ref[...] = m
  len_ref[...] = jnp.sum(m.astype(jnp.int32), axis=1)


def _tc_masklen(inputs):
  b, h = inputs.shape
  rb = 512
  grid = (b // rb,)
  return pl.pallas_call(
      _masklen_body,
      grid=grid,
      in_specs=[pl.BlockSpec((rb, h), lambda i: (i, 0))],
      out_specs=[
          pl.BlockSpec((rb, h), lambda i: (i, 0)),
          pl.BlockSpec((rb,), lambda i: (i,)),
      ],
      out_shape=[
          jax.ShapeDtypeStruct((b, h), jnp.bool_),
          jax.ShapeDtypeStruct((b,), jnp.int32),
      ],
  )(inputs)


@jax.jit
def kernel(inputs, emb_table):
  b, h = inputs.shape
  v, d = emb_table.shape
  idxT = _tc_transpose(inputs, 512)
  vp = (v + 2047) // 2048 * 2048
  table_p = jnp.pad(emb_table, ((0, vp - v), (0, 0)))
  tableT = _tc_transpose(table_p, 2048)
  out3 = _sc_gather_t(idxT, tableT)
  masks, lengths = _tc_masklen(inputs)
  out5 = out3.reshape(h, d // 8, b // 128, 8, 128)
  emb = jnp.transpose(out5, (2, 4, 0, 1, 3)).reshape(b, h, d)
  return emb, lengths, masks

# --- scband reference (transcript-rebuilt; emitter-appended) ---
"""Pipeline reference for scband-embedding-89687507076047 (READ-ONLY COPY).

The authoritative reference and input builder live on the scoring server;
editing this copy changes nothing except your own understanding.
"""

import jax, jax.numpy as jnp
import numpy as np

VOCAB = 100000
EMB_DIM = 64
BATCH = 4096
HIST = 200

def setup_inputs(seed: int = 0) -> dict:
    key = jax.random.key(seed)
    k1, k2 = jax.random.split(key)
    inputs = jax.random.randint(k1, (BATCH, HIST), 0, VOCAB, dtype=jnp.int64 if jax.config.jax_enable_x64 else jnp.int32).astype(jnp.int32)
    emb_table = jax.random.normal(k2, (VOCAB, EMB_DIM), dtype=jnp.float32)
    return {"inputs": inputs, "emb_table": emb_table}

def reference(inputs, emb_table):
    # emb lookup (dropout p=0.0 -> identity in both train/eval semantics here)
    input_emb = jnp.take(emb_table, inputs, axis=0)
    masks = inputs != 0
    lengths = masks.sum(axis=-1)
    return (input_emb, lengths, masks)

if __name__ == "__main__":
    import jax
    _d = setup_inputs()
    print(jax.jit(kernel)(*tuple(_d.values())))

</pallas_src>

<mosaic_0001>
#map = affine_map<(d0, d1) -> (0, 0)>
#map1 = affine_map<(d0, d1) -> (0, 0, 0)>
module attributes {stable_mosaic.version = 14 : i64} {
  func.func @_sc_gather_t_body(%arg0: i32, %arg1: i32, %arg2: memref<200x4096xi32, #tpu.memory_space<hbm>>, %arg3: memref<64x100352xf32, #tpu.memory_space<hbm>>, %arg4: memref<51200x8x128xf32, #tpu.memory_space<hbm>>, %arg5: memref<100352xf32, #tpu.memory_space<vmem>>, %arg6: memref<2x4096xi32, #tpu.memory_space<vmem>>, %arg7: memref<2x32x128xf32, #tpu.memory_space<vmem>>, %arg8: memref<!tpu.dma_semaphore, #tpu.memory_space<semaphore_mem>>, %arg9: memref<!tpu.dma_semaphore, #tpu.memory_space<semaphore_mem>>, %arg10: memref<!tpu.dma_semaphore, #tpu.memory_space<semaphore_mem>>, %arg11: memref<!tpu.dma_semaphore, #tpu.memory_space<semaphore_mem>>) attributes {dimension_semantics = [#tpu.dimension_semantics<core_parallel>, #tpu.dimension_semantics<subcore_parallel>], iteration_bounds = array<i64: 2, 16>, scalar_prefetch = 0 : i64, scratch_operands = 7 : i64, tpu.core_type = #tpu.core_type<sc_vector_subcore>, window_params = [{transform_indices = #map}, {transform_indices = #map}, {transform_indices = #map1}]} {
    %mul3A = arith.constant 2 : i32
    %mul3A_0 = arith.muli %arg1, %mul3A : i32
    %add3A = arith.addi %mul3A_0, %arg0 : i32
    %dma_start3A = arith.constant 0 : i32
    %dma_start3A_1 = arith.constant 0 : i32
    %dma_start3A_2 = arith.constant 0 : i32
    %dma_start3A_3 = tpu.memref_slice %arg6[%dma_start3A_1, %dma_start3A_2] : memref<2x4096xi32, #tpu.memory_space<vmem>> -> memref<1x4096xi32, #tpu.memory_space<vmem>>
    %dma_start3A_4 = tpu.memref_squeeze %dma_start3A_3 : memref<1x4096xi32, #tpu.memory_space<vmem>> -> memref<4096xi32, #tpu.memory_space<vmem>>
    %dma_start3A_5 = arith.constant 0 : i32
    %dma_start3A_6 = tpu.memref_slice %arg2[%dma_start3A, %dma_start3A_5] : memref<200x4096xi32, #tpu.memory_space<hbm>> -> memref<1x4096xi32, #tpu.memory_space<hbm>>
    %dma_start3A_7 = tpu.memref_squeeze %dma_start3A_6 : memref<1x4096xi32, #tpu.memory_space<hbm>> -> memref<4096xi32, #tpu.memory_space<hbm>>
    %dma_start3A_8 = arith.constant 0 : i32
    %dma_start3A_9 = tpu.memref_slice %arg6[%dma_start3A_1, %dma_start3A_8] : memref<2x4096xi32, #tpu.memory_space<vmem>> -> memref<1x4096xi32, #tpu.memory_space<vmem>>
    %dma_start3A_10 = tpu.memref_squeeze %dma_start3A_9 : memref<1x4096xi32, #tpu.memory_space<vmem>> -> memref<4096xi32, #tpu.memory_space<vmem>>
    %dma_start3A_11 = arith.constant 0 : i32
    %dma_start3A_12 = tpu.memref_slice %arg2[%dma_start3A, %dma_start3A_11] : memref<200x4096xi32, #tpu.memory_space<hbm>> -> memref<1x4096xi32, #tpu.memory_space<hbm>>
    %dma_start3A_13 = tpu.memref_squeeze %dma_start3A_12 : memref<1x4096xi32, #tpu.memory_space<hbm>> -> memref<4096xi32, #tpu.memory_space<hbm>>
    tpu.enqueue_dma source(%dma_start3A_13 : memref<4096xi32, #tpu.memory_space<hbm>>) target(%dma_start3A_10 : memref<4096xi32, #tpu.memory_space<vmem>>) target_semaphore(%arg8 : memref<!tpu.dma_semaphore, #tpu.memory_space<semaphore_mem>>)
    %dma_start3A_14 = arith.constant 1 : i32
    %dma_start3A_15 = arith.constant 1 : i32
    %dma_start3A_16 = arith.constant 0 : i32
    %dma_start3A_17 = tpu.memref_slice %arg6[%dma_start3A_15, %dma_start3A_16] : memref<2x4096xi32, #tpu.memory_space<vmem>> -> memref<1x4096xi32, #tpu.memory_space<vmem>>
    %dma_start3A_18 = tpu.memref_squeeze %dma_start3A_17 : memref<1x4096xi32, #tpu.memory_space<vmem>> -> memref<4096xi32, #tpu.memory_space<vmem>>
    %dma_start3A_19 = arith.constant 0 : i32
    %dma_start3A_20 = tpu.memref_slice %arg2[%dma_start3A_14, %dma_start3A_19] : memref<200x4096xi32, #tpu.memory_space<hbm>> -> memref<1x4096xi32, #tpu.memory_space<hbm>>
    %dma_start3A_21 = tpu.memref_squeeze %dma_start3A_20 : memref<1x4096xi32, #tpu.memory_space<hbm>> -> memref<4096xi32, #tpu.memory_space<hbm>>
    %dma_start3A_22 = arith.constant 0 : i32
    %dma_start3A_23 = tpu.memref_slice %arg6[%dma_start3A_15, %dma_start3A_22] : memref<2x4096xi32, #tpu.memory_space<vmem>> -> memref<1x4096xi32, #tpu.memory_space<vmem>>
    %dma_start3A_24 = tpu.memref_squeeze %dma_start3A_23 : memref<1x4096xi32, #tpu.memory_space<vmem>> -> memref<4096xi32, #tpu.memory_space<vmem>>
    %dma_start3A_25 = arith.constant 0 : i32
    %dma_start3A_26 = tpu.memref_slice %arg2[%dma_start3A_14, %dma_start3A_25] : memref<200x4096xi32, #tpu.memory_space<hbm>> -> memref<1x4096xi32, #tpu.memory_space<hbm>>
    %dma_start3A_27 = tpu.memref_squeeze %dma_start3A_26 : memref<1x4096xi32, #tpu.memory_space<hbm>> -> memref<4096xi32, #tpu.memory_space<hbm>>
    tpu.enqueue_dma source(%dma_start3A_27 : memref<4096xi32, #tpu.memory_space<hbm>>) target(%dma_start3A_24 : memref<4096xi32, #tpu.memory_space<vmem>>) target_semaphore(%arg9 : memref<!tpu.dma_semaphore, #tpu.memory_space<semaphore_mem>>)
    %add3A_28 = arith.constant 0 : i32
    %add3A_29 = arith.addi %add3A_28, %add3A : i32
    %jit3A = arith.constant 8 : i32
    %div3A = arith.divsi %add3A_29, %jit3A : i32
    %sign3A = arith.constant 0 : i32
    %sign3A_30 = arith.cmpi sgt, %add3A_29, %sign3A : i32
    %sign3A_31 = arith.extui %sign3A_30 : i1 to i32
    %sign3A_32 = arith.constant 0 : i32
    %sign3A_33 = arith.cmpi slt, %add3A_29, %sign3A_32 : i32
    %sign3A_34 = arith.extui %sign3A_33 : i1 to i32
    %sign3A_35 = arith.subi %sign3A_31, %sign3A_34 : i32
    %sign3A_36 = arith.constant 0 : i32
    %sign3A_37 = arith.cmpi sgt, %jit3A, %sign3A_36 : i32
    %sign3A_38 = arith.extui %sign3A_37 : i1 to i32
    %sign3A_39 = arith.constant 0 : i32
    %sign3A_40 = arith.cmpi slt, %jit3A, %sign3A_39 : i32
    %sign3A_41 = arith.extui %sign3A_40 : i1 to i32
    %sign3A_42 = arith.subi %sign3A_38, %sign3A_41 : i32
    %ne3A = arith.cmpi ne, %sign3A_35, %sign3A_42 : i32
    %rem3A = arith.remsi %add3A_29, %jit3A : i32
    %ne3A_43 = arith.constant 0 : i32
    %ne3A_44 = arith.cmpi ne, %rem3A, %ne3A_43 : i32
    %and3A = arith.andi %ne3A, %ne3A_44 : i1
    %sub3A = arith.constant 1 : i32
    %sub3A_45 = arith.subi %div3A, %sub3A : i32
    %select_n3A = arith.select %and3A, %sub3A_45, %div3A : i32
    %jit3A_46 = arith.constant 8 : i32
    %eq3A = arith.constant 0 : i32
    %eq3A_47 = arith.cmpi eq, %jit3A_46, %eq3A : i32
    %jit3A_48 = arith.constant 1 : i32
    %select_n3A_49 = arith.select %eq3A_47, %jit3A_48, %jit3A_46 : i32
    %rem3A_50 = arith.remsi %add3A_29, %select_n3A_49 : i32
    %ne3A_51 = arith.constant 0 : i32
    %ne3A_52 = arith.cmpi ne, %rem3A_50, %ne3A_51 : i32
    %lt3A = arith.constant 0 : i32
    %lt3A_53 = arith.cmpi slt, %rem3A_50, %lt3A : i32
    %lt3A_54 = arith.constant 0 : i32
    %lt3A_55 = arith.cmpi slt, %select_n3A_49, %lt3A_54 : i32
    %ne3A_56 = arith.xori %lt3A_53, %lt3A_55 : i1
    %and3A_57 = arith.andi %ne3A_56, %ne3A_52 : i1
    %add3A_58 = arith.addi %rem3A_50, %select_n3A_49 : i32
    %select_n3A_59 = arith.select %and3A_57, %add3A_58, %rem3A_50 : i32
    "tpu.region"() ({
      %run_scoped3A = tpu.sem_alloc : memref<!tpu.dma_semaphore, #tpu.memory_space<semaphore_mem>>
      %dma_start3A_176 = arith.constant 0 : i32
      %dma_start3A_177 = tpu.memref_slice %arg3[%add3A_29, %dma_start3A_176] : memref<64x100352xf32, #tpu.memory_space<hbm>> -> memref<1x100352xf32, #tpu.memory_space<hbm>>
      %dma_start3A_178 = tpu.memref_squeeze %dma_start3A_177 : memref<1x100352xf32, #tpu.memory_space<hbm>> -> memref<100352xf32, #tpu.memory_space<hbm>>
      %dma_start3A_179 = arith.constant 0 : i32
      %dma_start3A_180 = tpu.memref_slice %arg3[%add3A_29, %dma_start3A_179] : memref<64x100352xf32, #tpu.memory_space<hbm>> -> memref<1x100352xf32, #tpu.memory_space<hbm>>
      %dma_start3A_181 = tpu.memref_squeeze %dma_start3A_180 : memref<1x100352xf32, #tpu.memory_space<hbm>> -> memref<100352xf32, #tpu.memory_space<hbm>>
      tpu.enqueue_dma source(%dma_start3A_181 : memref<100352xf32, #tpu.memory_space<hbm>>) target(%arg5 : memref<100352xf32, #tpu.memory_space<vmem>>) target_semaphore(%run_scoped3A : memref<!tpu.dma_semaphore, #tpu.memory_space<semaphore_mem>>)
      %dma_wait3A_182 = arith.constant 0 : i32
      %dma_wait3A_183 = tpu.memref_slice %arg3[%add3A_29, %dma_wait3A_182] : memref<64x100352xf32, #tpu.memory_space<hbm>> -> memref<1x100352xf32, #tpu.memory_space<hbm>>
      %dma_wait3A_184 = tpu.memref_squeeze %dma_wait3A_183 : memref<1x100352xf32, #tpu.memory_space<hbm>> -> memref<100352xf32, #tpu.memory_space<hbm>>
      %dma_wait3A_185 = arith.constant 0 : i32
      %dma_wait3A_186 = tpu.memref_slice %arg3[%add3A_29, %dma_wait3A_185] : memref<64x100352xf32, #tpu.memory_space<hbm>> -> memref<1x100352xf32, #tpu.memory_space<hbm>>
      %dma_wait3A_187 = tpu.memref_squeeze %dma_wait3A_186 : memref<1x100352xf32, #tpu.memory_space<hbm>> -> memref<100352xf32, #tpu.memory_space<hbm>>
      tpu.wait_dma2 semaphore(%run_scoped3A : memref<!tpu.dma_semaphore, #tpu.memory_space<semaphore_mem>>) src(%dma_wait3A_187 : memref<100352xf32, #tpu.memory_space<hbm>>) dst(%arg5 : memref<100352xf32, #tpu.memory_space<vmem>>)
      tpu.yield
    }) : () -> ()
    %scan3A = arith.constant 0 : i32
    %scan3A_60 = arith.constant 0 : i32
    %scan3A_61 = arith.constant 100 : i32
    %scan3A_62 = arith.addi %scan3A_60, %scan3A_61 : i32
    %scan3A_63 = arith.constant 1 : i32
    scf.for %scan3A_176 = %scan3A_60 to %scan3A_62 step %scan3A_63  : i32 {
      %mul3A_177 = arith.constant 2 : i32
      %mul3A_178 = arith.muli %mul3A_177, %scan3A_176 : i32
      %add3A_179 = arith.constant 0 : i32
      %add3A_180 = arith.addi %mul3A_178, %add3A_179 : i32
      %dma_wait3A_181 = arith.constant 0 : i32
      %dma_wait3A_182 = arith.constant 0 : i32
      %dma_wait3A_183 = arith.constant 0 : i32
      %dma_wait3A_184 = tpu.memref_slice %arg6[%dma_wait3A_182, %dma_wait3A_183] : memref<2x4096xi32, #tpu.memory_space<vmem>> -> memref<1x4096xi32, #tpu.memory_space<vmem>>
      %dma_wait3A_185 = tpu.memref_squeeze %dma_wait3A_184 : memref<1x4096xi32, #tpu.memory_space<vmem>> -> memref<4096xi32, #tpu.memory_space<vmem>>
      %dma_wait3A_186 = arith.constant 0 : i32
      %dma_wait3A_187 = tpu.memref_slice %arg2[%dma_wait3A_181, %dma_wait3A_186] : memref<200x4096xi32, #tpu.memory_space<hbm>> -> memref<1x4096xi32, #tpu.memory_space<hbm>>
      %dma_wait3A_188 = tpu.memref_squeeze %dma_wait3A_187 : memref<1x4096xi32, #tpu.memory_space<hbm>> -> memref<4096xi32, #tpu.memory_space<hbm>>
      %dma_wait3A_189 = arith.constant 0 : i32
      %dma_wait3A_190 = tpu.memref_slice %arg6[%dma_wait3A_182, %dma_wait3A_189] : memref<2x4096xi32, #tpu.memory_space<vmem>> -> memref<1x4096xi32, #tpu.memory_space<vmem>>
      %dma_wait3A_191 = tpu.memref_squeeze %dma_wait3A_190 : memref<1x4096xi32, #tpu.memory_space<vmem>> -> memref<4096xi32, #tpu.memory_space<vmem>>
      %dma_wait3A_192 = arith.constant 0 : i32
      %dma_wait3A_193 = tpu.memref_slice %arg2[%dma_wait3A_181, %dma_wait3A_192] : memref<200x4096xi32, #tpu.memory_space<hbm>> -> memref<1x4096xi32, #tpu.memory_space<hbm>>
      %dma_wait3A_194 = tpu.memref_squeeze %dma_wait3A_193 : memref<1x4096xi32, #tpu.memory_space<hbm>> -> memref<4096xi32, #tpu.memory_space<hbm>>
      tpu.wait_dma2 semaphore(%arg8 : memref<!tpu.dma_semaphore, #tpu.memory_space<semaphore_mem>>) src(%dma_wait3A_194 : memref<4096xi32, #tpu.memory_space<hbm>>) dst(%dma_wait3A_191 : memref<4096xi32, #tpu.memory_space<vmem>>)
      %gt3A = arith.constant 0 : i32
      %gt3A_195 = arith.cmpi sgt, %scan3A_176, %gt3A : i32
      %convert_element_type3A = arith.extui %gt3A_195 : i1 to i32
      %cond3A = arith.constant 0 : i32
      %cond3A_196 = arith.cmpi ne, %convert_element_type3A, %cond3A : i32
      scf.if %cond3A_196 {
        %dma_wait3A_311 = arith.constant 0 : i32
        %dma_wait3A_312 = arith.constant 0 : i32
        %dma_wait3A_313 = arith.constant 0 : i32
        %dma_wait3A_314 = arith.constant 0 : i32
        %dma_wait3A_315 = tpu.memref_slice %arg7[%dma_wait3A_311, %dma_wait3A_313, %dma_wait3A_314] : memref<2x32x128xf32, #tpu.memory_space<vmem>> -> memref<1x32x128xf32, #tpu.memory_space<vmem>>
        %dma_wait3A_316 = tpu.memref_squeeze %dma_wait3A_315 : memref<1x32x128xf32, #tpu.memory_space<vmem>> -> memref<32x128xf32, #tpu.memory_space<vmem>>
        %dma_wait3A_317 = arith.constant 0 : i32
        %dma_wait3A_318 = arith.constant 0 : i32
        %dma_wait3A_319 = tpu.memref_slice %arg4[%dma_wait3A_317, %dma_wait3A_312, %dma_wait3A_318] : memref<51200x8x128xf32, #tpu.memory_space<hbm>> -> memref<32x1x128xf32, #tpu.memory_space<hbm>>
        %dma_wait3A_320 = tpu.memref_squeeze %dma_wait3A_319 : memref<32x1x128xf32, #tpu.memory_space<hbm>> -> memref<32x128xf32, #tpu.memory_space<hbm>>
        %dma_wait3A_321 = arith.constant 0 : i32
        %dma_wait3A_322 = arith.constant 0 : i32
        %dma_wait3A_323 = tpu.memref_slice %arg4[%dma_wait3A_321, %dma_wait3A_312, %dma_wait3A_322] : memref<51200x8x128xf32, #tpu.memory_space<hbm>> -> memref<32x1x128xf32, #tpu.memory_space<hbm>>
        %dma_wait3A_324 = tpu.memref_squeeze %dma_wait3A_323 : memref<32x1x128xf32, #tpu.memory_space<hbm>> -> memref<32x128xf32, #tpu.memory_space<hbm>>
        %dma_wait3A_325 = arith.constant 0 : i32
        %dma_wait3A_326 = arith.constant 0 : i32
        %dma_wait3A_327 = tpu.memref_slice %arg7[%dma_wait3A_311, %dma_wait3A_325, %dma_wait3A_326] : memref<2x32x128xf32, #tpu.memory_space<vmem>> -> memref<1x32x128xf32, #tpu.memory_space<vmem>>
        %dma_wait3A_328 = tpu.memref_squeeze %dma_wait3A_327 : memref<1x32x128xf32, #tpu.memory_space<vmem>> -> memref<32x128xf32, #tpu.memory_space<vmem>>
        tpu.wait_dma2 semaphore(%arg10 : memref<!tpu.dma_semaphore, #tpu.memory_space<semaphore_mem>>) src(%dma_wait3A_328 : memref<32x128xf32, #tpu.memory_space<vmem>>) dst(%dma_wait3A_324 : memref<32x128xf32, #tpu.memory_space<hbm>>)
      } else {
      }
      %scan3A_197 = arith.constant 0 : i32
      %scan3A_198 = arith.constant 0 : i32
      %scan3A_199 = arith.constant 16 : i32
      %scan3A_200 = arith.addi %scan3A_198, %scan3A_199 : i32
      %scan3A_201 = arith.constant 1 : i32
      scf.for %scan3A_311 = %scan3A_198 to %scan3A_200 step %scan3A_201  : i32 {
        %mul3A_312 = arith.constant 256 : i32
        %mul3A_313 = arith.muli %scan3A_311, %mul3A_312 : i32
        %add3A_314 = arith.constant 0 : i32
        %add3A_315 = arith.addi %mul3A_313, %add3A_314 : i32
        %get3A = arith.constant 0 : i32
        %get3A_316 = arith.constant 0 : i32
        %get3A_317 = tpu.memref_slice %arg6[%get3A, %get3A_316] : memref<2x4096xi32, #tpu.memory_space<vmem>> -> memref<1x4096xi32, #tpu.memory_space<vmem>>
        %get3A_318 = tpu.memref_squeeze %get3A_317 : memref<1x4096xi32, #tpu.memory_space<vmem>> -> memref<4096xi32, #tpu.memory_space<vmem>>
        %get3A_319 = arith.index_cast %add3A_315 : i32 to index
        %get3A_320 = tpu.vector_load %get3A_318[%get3A_319] {strides = array<i32>} : memref<4096xi32, #tpu.memory_space<vmem>>, vector<16xi32>,
        %add3A_321 = arith.constant 16 : i32
        %add3A_322 = arith.addi %mul3A_313, %add3A_321 : i32
        %get3A_323 = arith.constant 0 : i32
        %get3A_324 = arith.constant 0 : i32
        %get3A_325 = tpu.memref_slice %arg6[%get3A_323, %get3A_324] : memref<2x4096xi32, #tpu.memory_space<vmem>> -> memref<1x4096xi32, #tpu.memory_space<vmem>>
        %get3A_326 = tpu.memref_squeeze %get3A_325 : memref<1x4096xi32, #tpu.memory_space<vmem>> -> memref<4096xi32, #tpu.memory_space<vmem>>
        %get3A_327 = arith.index_cast %add3A_322 : i32 to index
        %get3A_328 = tpu.vector_load %get3A_326[%get3A_327] {strides = array<i32>} : memref<4096xi32, #tpu.memory_space<vmem>>, vector<16xi32>,
        %add3A_329 = arith.constant 32 : i32
        %add3A_330 = arith.addi %mul3A_313, %add3A_329 : i32
        %get3A_331 = arith.constant 0 : i32
        %get3A_332 = arith.constant 0 : i32
        %get3A_333 = tpu.memref_slice %arg6[%get3A_331, %get3A_332] : memref<2x4096xi32, #tpu.memory_space<vmem>> -> memref<1x4096xi32, #tpu.memory_space<vmem>>
        %get3A_334 = tpu.memref_squeeze %get3A_333 : memref<1x4096xi32, #tpu.memory_space<vmem>> -> memref<4096xi32, #tpu.memory_space<vmem>>
        %get3A_335 = arith.index_cast %add3A_330 : i32 to index
        %get3A_336 = tpu.vector_load %get3A_334[%get3A_335] {strides = array<i32>} : memref<4096xi32, #tpu.memory_space<vmem>>, vector<16xi32>,
        %add3A_337 = arith.constant 48 : i32
        %add3A_338 = arith.addi %mul3A_313, %add3A_337 : i32
        %get3A_339 = arith.constant 0 : i32
        %get3A_340 = arith.constant 0 : i32
        %get3A_341 = tpu.memref_slice %arg6[%get3A_339, %get3A_340] : memref<2x4096xi32, #tpu.memory_space<vmem>> -> memref<1x4096xi32, #tpu.memory_space<vmem>>
        %get3A_342 = tpu.memref_squeeze %get3A_341 : memref<1x4096xi32, #tpu.memory_space<vmem>> -> memref<4096xi32, #tpu.memory_space<vmem>>
        %get3A_343 = arith.index_cast %add3A_338 : i32 to index
        %get3A_344 = tpu.vector_load %get3A_342[%get3A_343] {strides = array<i32>} : memref<4096xi32, #tpu.memory_space<vmem>>, vector<16xi32>,
        %add3A_345 = arith.constant 64 : i32
        %add3A_346 = arith.addi %mul3A_313, %add3A_345 : i32
        %get3A_347 = arith.constant 0 : i32
        %get3A_348 = arith.constant 0 : i32
        %get3A_349 = tpu.memref_slice %arg6[%get3A_347, %get3A_348] : memref<2x4096xi32, #tpu.memory_space<vmem>> -> memref<1x4096xi32, #tpu.memory_space<vmem>>
        %get3A_350 = tpu.memref_squeeze %get3A_349 : memref<1x4096xi32, #tpu.memory_space<vmem>> -> memref<4096xi32, #tpu.memory_space<vmem>>
        %get3A_351 = arith.index_cast %add3A_346 : i32 to index
        %get3A_352 = tpu.vector_load %get3A_350[%get3A_351] {strides = array<i32>} : memref<4096xi32, #tpu.memory_space<vmem>>, vector<16xi32>,
        %add3A_353 = arith.constant 80 : i32
        %add3A_354 = arith.addi %mul3A_313, %add3A_353 : i32
        %get3A_355 = arith.constant 0 : i32
        %get3A_356 = arith.constant 0 : i32
        %get3A_357 = tpu.memref_slice %arg6[%get3A_355, %get3A_356] : memref<2x4096xi32, #tpu.memory_space<vmem>> -> memref<1x4096xi32, #tpu.memory_space<vmem>>
        %get3A_358 = tpu.memref_squeeze %get3A_357 : memref<1x4096xi32, #tpu.memory_space<vmem>> -> memref<4096xi32, #tpu.memory_space<vmem>>
        %get3A_359 = arith.index_cast %add3A_354 : i32 to index
        %get3A_360 = tpu.vector_load %get3A_358[%get3A_359] {strides = array<i32>} : memref<4096xi32, #tpu.memory_space<vmem>>, vector<16xi32>,
        %add3A_361 = arith.constant 96 : i32
        %add3A_362 = arith.addi %mul3A_313, %add3A_361 : i32
        %get3A_363 = arith.constant 0 : i32
        %get3A_364 = arith.constant 0 : i32
        %get3A_365 = tpu.memref_slice %arg6[%get3A_363, %get3A_364] : memref<2x4096xi32, #tpu.memory_space<vmem>> -> memref<1x4096xi32, #tpu.memory_space<vmem>>
        %get3A_366 = tpu.memref_squeeze %get3A_365 : memref<1x4096xi32, #tpu.memory_space<vmem>> -> memref<4096xi32, #tpu.memory_space<vmem>>
        %get3A_367 = arith.index_cast %add3A_362 : i32 to index
        %get3A_368 = tpu.vector_load %get3A_366[%get3A_367] {strides = array<i32>} : memref<4096xi32, #tpu.memory_space<vmem>>, vector<16xi32>,
        %add3A_369 = arith.constant 112 : i32
        %add3A_370 = arith.addi %mul3A_313, %add3A_369 : i32
        %get3A_371 = arith.constant 0 : i32
        %get3A_372 = arith.constant 0 : i32
        %get3A_373 = tpu.memref_slice %arg6[%get3A_371, %get3A_372] : memref<2x4096xi32, #tpu.memory_space<vmem>> -> memref<1x4096xi32, #tpu.memory_space<vmem>>
        %get3A_374 = tpu.memref_squeeze %get3A_373 : memref<1x4096xi32, #tpu.memory_space<vmem>> -> memref<4096xi32, #tpu.memory_space<vmem>>
        %get3A_375 = arith.index_cast %add3A_370 : i32 to index
        %get3A_376 = tpu.vector_load %get3A_374[%get3A_375] {strides = array<i32>} : memref<4096xi32, #tpu.memory_space<vmem>>, vector<16xi32>,
        %add3A_377 = arith.constant 128 : i32
        %add3A_378 = arith.addi %mul3A_313, %add3A_377 : i32
        %get3A_379 = arith.constant 0 : i32
        %get3A_380 = arith.constant 0 : i32
        %get3A_381 = tpu.memref_slice %arg6[%get3A_379, %get3A_380] : memref<2x4096xi32, #tpu.memory_space<vmem>> -> memref<1x4096xi32, #tpu.memory_space<vmem>>
        %get3A_382 = tpu.memref_squeeze %get3A_381 : memref<1x4096xi32, #tpu.memory_space<vmem>> -> memref<4096xi32, #tpu.memory_space<vmem>>
        %get3A_383 = arith.index_cast %add3A_378 : i32 to index
        %get3A_384 = tpu.vector_load %get3A_382[%get3A_383] {strides = array<i32>} : memref<4096xi32, #tpu.memory_space<vmem>>, vector<16xi32>,
        %add3A_385 = arith.constant 144 : i32
        %add3A_386 = arith.addi %mul3A_313, %add3A_385 : i32
        %get3A_387 = arith.constant 0 : i32
        %get3A_388 = arith.constant 0 : i32
        %get3A_389 = tpu.memref_slice %arg6[%get3A_387, %get3A_388] : memref<2x4096xi32, #tpu.memory_space<vmem>> -> memref<1x4096xi32, #tpu.memory_space<vmem>>
        %get3A_390 = tpu.memref_squeeze %get3A_389 : memref<1x4096xi32, #tpu.memory_space<vmem>> -> memref<4096xi32, #tpu.memory_space<vmem>>
        %get3A_391 = arith.index_cast %add3A_386 : i32 to index
        %get3A_392 = tpu.vector_load %get3A_390[%get3A_391] {strides = array<i32>} : memref<4096xi32, #tpu.memory_space<vmem>>, vector<16xi32>,
        %add3A_393 = arith.constant 160 : i32
        %add3A_394 = arith.addi %mul3A_313, %add3A_393 : i32
        %get3A_395 = arith.constant 0 : i32
        %get3A_396 = arith.constant 0 : i32
        %get3A_397 = tpu.memref_slice %arg6[%get3A_395, %get3A_396] : memref<2x4096xi32, #tpu.memory_space<vmem>> -> memref<1x4096xi32, #tpu.memory_space<vmem>>
        %get3A_398 = tpu.memref_squeeze %get3A_397 : memref<1x4096xi32, #tpu.memory_space<vmem>> -> memref<4096xi32, #tpu.memory_space<vmem>>
        %get3A_399 = arith.index_cast %add3A_394 : i32 to index
        %get3A_400 = tpu.vector_load %get3A_398[%get3A_399] {strides = array<i32>} : memref<4096xi32, #tpu.memory_space<vmem>>, vector<16xi32>,
        %add3A_401 = arith.constant 176 : i32
        %add3A_402 = arith.addi %mul3A_313, %add3A_401 : i32
        %get3A_403 = arith.constant 0 : i32
        %get3A_404 = arith.constant 0 : i32
        %get3A_405 = tpu.memref_slice %arg6[%get3A_403, %get3A_404] : memref<2x4096xi32, #tpu.memory_space<vmem>> -> memref<1x4096xi32, #tpu.memory_space<vmem>>
        %get3A_406 = tpu.memref_squeeze %get3A_405 : memref<1x4096xi32, #tpu.memory_space<vmem>> -> memref<4096xi32, #tpu.memory_space<vmem>>
        %get3A_407 = arith.index_cast %add3A_402 : i32 to index
        %get3A_408 = tpu.vector_load %get3A_406[%get3A_407] {strides = array<i32>} : memref<4096xi32, #tpu.memory_space<vmem>>, vector<16xi32>,
        %add3A_409 = arith.constant 192 : i32
        %add3A_410 = arith.addi %mul3A_313, %add3A_409 : i32
        %get3A_411 = arith.constant 0 : i32
        %get3A_412 = arith.constant 0 : i32
        %get3A_413 = tpu.memref_slice %arg6[%get3A_411, %get3A_412] : memref<2x4096xi32, #tpu.memory_space<vmem>> -> memref<1x4096xi32, #tpu.memory_space<vmem>>
        %get3A_414 = tpu.memref_squeeze %get3A_413 : memref<1x4096xi32, #tpu.memory_space<vmem>> -> memref<4096xi32, #tpu.memory_space<vmem>>
        %get3A_415 = arith.index_cast %add3A_410 : i32 to index
        %get3A_416 = tpu.vector_load %get3A_414[%get3A_415] {strides = array<i32>} : memref<4096xi32, #tpu.memory_space<vmem>>, vector<16xi32>,
        %add3A_417 = arith.constant 208 : i32
        %add3A_418 = arith.addi %mul3A_313, %add3A_417 : i32
        %get3A_419 = arith.constant 0 : i32
        %get3A_420 = arith.constant 0 : i32
        %get3A_421 = tpu.memref_slice %arg6[%get3A_419, %get3A_420] : memref<2x4096xi32, #tpu.memory_space<vmem>> -> memref<1x4096xi32, #tpu.memory_space<vmem>>
        %get3A_422 = tpu.memref_squeeze %get3A_421 : memref<1x4096xi32, #tpu.memory_space<vmem>> -> memref<4096xi32, #tpu.memory_space<vmem>>
        %get3A_423 = arith.index_cast %add3A_418 : i32 to index
        %get3A_424 = tpu.vector_load %get3A_422[%get3A_423] {strides = array<i32>} : memref<4096xi32, #tpu.memory_space<vmem>>, vector<16xi32>,
        %add3A_425 = arith.constant 224 : i32
        %add3A_426 = arith.addi %mul3A_313, %add3A_425 : i32
        %get3A_427 = arith.constant 0 : i32
        %get3A_428 = arith.constant 0 : i32
        %get3A_429 = tpu.memref_slice %arg6[%get3A_427, %get3A_428] : memref<2x4096xi32, #tpu.memory_space<vmem>> -> memref<1x4096xi32, #tpu.memory_space<vmem>>
        %get3A_430 = tpu.memref_squeeze %get3A_429 : memref<1x4096xi32, #tpu.memory_space<vmem>> -> memref<4096xi32, #tpu.memory_space<vmem>>
        %get3A_431 = arith.index_cast %add3A_426 : i32 to index
        %get3A_432 = tpu.vector_load %get3A_430[%get3A_431] {strides = array<i32>} : memref<4096xi32, #tpu.memory_space<vmem>>, vector<16xi32>,
        %add3A_433 = arith.constant 240 : i32
        %add3A_434 = arith.addi %mul3A_313, %add3A_433 : i32
        %get3A_435 = arith.constant 0 : i32
        %get3A_436 = arith.constant 0 : i32
        %get3A_437 = tpu.memref_slice %arg6[%get3A_435, %get3A_436] : memref<2x4096xi32, #tpu.memory_space<vmem>> -> memref<1x4096xi32, #tpu.memory_space<vmem>>
        %get3A_438 = tpu.memref_squeeze %get3A_437 : memref<1x4096xi32, #tpu.memory_space<vmem>> -> memref<4096xi32, #tpu.memory_space<vmem>>
        %get3A_439 = arith.index_cast %add3A_434 : i32 to index
        %get3A_440 = tpu.vector_load %get3A_438[%get3A_439] {strides = array<i32>} : memref<4096xi32, #tpu.memory_space<vmem>>, vector<16xi32>,
        %gather3A = tpu.vector_load_idx %arg5[%get3A_320] : memref<100352xf32, #tpu.memory_space<vmem>>[vector<16xi32>], vector<16xf32>,
        %gather3A_441 = tpu.vector_load_idx %arg5[%get3A_328] : memref<100352xf32, #tpu.memory_space<vmem>>[vector<16xi32>], vector<16xf32>,
        %gather3A_442 = tpu.vector_load_idx %arg5[%get3A_336] : memref<100352xf32, #tpu.memory_space<vmem>>[vector<16xi32>], vector<16xf32>,
        %gather3A_443 = tpu.vector_load_idx %arg5[%get3A_344] : memref<100352xf32, #tpu.memory_space<vmem>>[vector<16xi32>], vector<16xf32>,
        %gather3A_444 = tpu.vector_load_idx %arg5[%get3A_352] : memref<100352xf32, #tpu.memory_space<vmem>>[vector<16xi32>], vector<16xf32>,
        %gather3A_445 = tpu.vector_load_idx %arg5[%get3A_360] : memref<100352xf32, #tpu.memory_space<vmem>>[vector<16xi32>], vector<16xf32>,
        %gather3A_446 = tpu.vector_load_idx %arg5[%get3A_368] : memref<100352xf32, #tpu.memory_space<vmem>>[vector<16xi32>], vector<16xf32>,
        %gather3A_447 = tpu.vector_load_idx %arg5[%get3A_376] : memref<100352xf32, #tpu.memory_space<vmem>>[vector<16xi32>], vector<16xf32>,
        %gather3A_448 = tpu.vector_load_idx %arg5[%get3A_384] : memref<100352xf32, #tpu.memory_space<vmem>>[vector<16xi32>], vector<16xf32>,
        %gather3A_449 = tpu.vector_load_idx %arg5[%get3A_392] : memref<100352xf32, #tpu.memory_space<vmem>>[vector<16xi32>], vector<16xf32>,
        %gather3A_450 = tpu.vector_load_idx %arg5[%get3A_400] : memref<100352xf32, #tpu.memory_space<vmem>>[vector<16xi32>], vector<16xf32>,
        %gather3A_451 = tpu.vector_load_idx %arg5[%get3A_408] : memref<100352xf32, #tpu.memory_space<vmem>>[vector<16xi32>], vector<16xf32>,
        %gather3A_452 = tpu.vector_load_idx %arg5[%get3A_416] : memref<100352xf32, #tpu.memory_space<vmem>>[vector<16xi32>], vector<16xf32>,
        %gather3A_453 = tpu.vector_load_idx %arg5[%get3A_424] : memref<100352xf32, #tpu.memory_space<vmem>>[vector<16xi32>], vector<16xf32>,
        %gather3A_454 = tpu.vector_load_idx %arg5[%get3A_432] : memref<100352xf32, #tpu.memory_space<vmem>>[vector<16xi32>], vector<16xf32>,
        %gather3A_455 = tpu.vector_load_idx %arg5[%get3A_440] : memref<100352xf32, #tpu.memory_space<vmem>>[vector<16xi32>], vector<16xf32>,
        %mul3A_456 = arith.constant 2 : i32
        %mul3A_457 = arith.muli %scan3A_311, %mul3A_456 : i32
        %add3A_458 = arith.constant 0 : i32
        %add3A_459 = arith.addi %mul3A_457, %add3A_458 : i32
        %swap3A = arith.constant 0 : i32
        %swap3A_460 = arith.constant 0 : i32
        %swap3A_461 = arith.constant 0 : i32
        %swap3A_462 = tpu.memref_slice %arg7[%swap3A, %swap3A_460, %swap3A_461] : memref<2x32x128xf32, #tpu.memory_space<vmem>> -> memref<1x32x128xf32, #tpu.memory_space<vmem>>
        %swap3A_463 = tpu.memref_squeeze %swap3A_462 : memref<1x32x128xf32, #tpu.memory_space<vmem>> -> memref<32x128xf32, #tpu.memory_space<vmem>>
        %swap3A_464 = arith.constant 0 : i32
        %swap3A_465 = tpu.memref_slice %swap3A_463[%add3A_459, %swap3A_464] : memref<32x128xf32, #tpu.memory_space<vmem>> -> memref<1x128xf32, #tpu.memory_space<vmem>>
        %swap3A_466 = tpu.memref_squeeze %swap3A_465 : memref<1x128xf32, #tpu.memory_space<vmem>> -> memref<128xf32, #tpu.memory_space<vmem>>
        %swap3A_467 = arith.constant 0 : index
        %swap3A_468 = tpu.vector_load %swap3A_466[%swap3A_467] {strides = array<i32>} : memref<128xf32, #tpu.memory_space<vmem>>, vector<16xf32>,
        tpu.vector_store %swap3A_466[%swap3A_467], %gather3A {strides = array<i32>} : memref<128xf32, #tpu.memory_space<vmem>>, vector<16xf32>,
        %mul3A_469 = arith.constant 2 : i32
        %mul3A_470 = arith.muli %scan3A_311, %mul3A_469 : i32
        %add3A_471 = arith.constant 0 : i32
        %add3A_472 = arith.addi %mul3A_470, %add3A_471 : i32
        %swap3A_473 = arith.constant 0 : i32
        %swap3A_474 = arith.constant 0 : i32
        %swap3A_475 = arith.constant 0 : i32
        %swap3A_476 = tpu.memref_slice %arg7[%swap3A_473, %swap3A_474, %swap3A_475] : memref<2x32x128xf32, #tpu.memory_space<vmem>> -> memref<1x32x128xf32, #tpu.memory_space<vmem>>
        %swap3A_477 = tpu.memref_squeeze %swap3A_476 : memref<1x32x128xf32, #tpu.memory_space<vmem>> -> memref<32x128xf32, #tpu.memory_space<vmem>>
        %swap3A_478 = arith.constant 0 : i32
        %swap3A_479 = tpu.memref_slice %swap3A_477[%add3A_472, %swap3A_478] : memref<32x128xf32, #tpu.memory_space<vmem>> -> memref<1x128xf32, #tpu.memory_space<vmem>>
        %swap3A_480 = tpu.memref_squeeze %swap3A_479 : memref<1x128xf32, #tpu.memory_space<vmem>> -> memref<128xf32, #tpu.memory_space<vmem>>
        %swap3A_481 = arith.constant 16 : index
        %swap3A_482 = tpu.vector_load %swap3A_480[%swap3A_481] {strides = array<i32>} : memref<128xf32, #tpu.memory_space<vmem>>, vector<16xf32>,
        tpu.vector_store %swap3A_480[%swap3A_481], %gather3A_441 {strides = array<i32>} : memref<128xf32, #tpu.memory_space<vmem>>, vector<16xf32>,
        %mul3A_483 = arith.constant 2 : i32
        %mul3A_484 = arith.muli %scan3A_311, %mul3A_483 : i32
        %add3A_485 = arith.constant 0 : i32
        %add3A_486 = arith.addi %mul3A_484, %add3A_485 : i32
        %swap3A_487 = arith.constant 0 : i32
        %swap3A_488 = arith.constant 0 : i32
        %swap3A_489 = arith.constant 0 : i32
        %swap3A_490 = tpu.memref_slice %arg7[%swap3A_487, %swap3A_488, %swap3A_489] : memref<2x32x128xf32, #tpu.memory_space<vmem>> -> memref<1x32x128xf32, #tpu.memory_space<vmem>>
        %swap3A_491 = tpu.memref_squeeze %swap3A_490 : memref<1x32x128xf32, #tpu.memory_space<vmem>> -> memref<32x128xf32, #tpu.memory_space<vmem>>
        %swap3A_492 = arith.constant 0 : i32
        %swap3A_493 = tpu.memref_slice %swap3A_491[%add3A_486, %swap3A_492] : memref<32x128xf32, #tpu.memory_space<vmem>> -> memref<1x128xf32, #tpu.memory_space<vmem>>
        %swap3A_494 = tpu.memref_squeeze %swap3A_493 : memref<1x128xf32, #tpu.memory_space<vmem>> -> memref<128xf32, #tpu.memory_space<vmem>>
        %swap3A_495 = arith.constant 32 : index
        %swap3A_496 = tpu.vector_load %swap3A_494[%swap3A_495] {strides = array<i32>} : memref<128xf32, #tpu.memory_space<vmem>>, vector<16xf32>,
        tpu.vector_store %swap3A_494[%swap3A_495], %gather3A_442 {strides = array<i32>} : memref<128xf32, #tpu.memory_space<vmem>>, vector<16xf32>,
        %mul3A_497 = arith.constant 2 : i32
        %mul3A_498 = arith.muli %scan3A_311, %mul3A_497 : i32
        %add3A_499 = arith.constant 0 : i32
        %add3A_500 = arith.addi %mul3A_498, %add3A_499 : i32
        %swap3A_501 = arith.constant 0 : i32
        %swap3A_502 = arith.constant 0 : i32
        %swap3A_503 = arith.constant 0 : i32
        %swap3A_504 = tpu.memref_slice %arg7[%swap3A_501, %swap3A_502, %swap3A_503] : memref<2x32x128xf32, #tpu.memory_space<vmem>> -> memref<1x32x128xf32, #tpu.memory_space<vmem>>
        %swap3A_505 = tpu.memref_squeeze %swap3A_504 : memref<1x32x128xf32, #tpu.memory_space<vmem>> -> memref<32x128xf32, #tpu.memory_space<vmem>>
        %swap3A_506 = arith.constant 0 : i32
        %swap3A_507 = tpu.memref_slice %swap3A_505[%add3A_500, %swap3A_506] : memref<32x128xf32, #tpu.memory_space<vmem>> -> memref<1x128xf32, #tpu.memory_space<vmem>>
        %swap3A_508 = tpu.memref_squeeze %swap3A_507 : memref<1x128xf32, #tpu.memory_space<vmem>> -> memref<128xf32, #tpu.memory_space<vmem>>
        %swap3A_509 = arith.constant 48 : index
        %swap3A_510 = tpu.vector_load %swap3A_508[%swap3A_509] {strides = array<i32>} : memref<128xf32, #tpu.memory_space<vmem>>, vector<16xf32>,
        tpu.vector_store %swap3A_508[%swap3A_509], %gather3A_443 {strides = array<i32>} : memref<128xf32, #tpu.memory_space<vmem>>, vector<16xf32>,
        %mul3A_511 = arith.constant 2 : i32
        %mul3A_512 = arith.muli %scan3A_311, %mul3A_511 : i32
        %add3A_513 = arith.constant 0 : i32
        %add3A_514 = arith.addi %mul3A_512, %add3A_513 : i32
        %swap3A_515 = arith.constant 0 : i32
        %swap3A_516 = arith.constant 0 : i32
        %swap3A_517 = arith.constant 0 : i32
        %swap3A_518 = tpu.memref_slice %arg7[%swap3A_515, %swap3A_516, %swap3A_517] : memref<2x32x128xf32, #tpu.memory_space<vmem>> -> memref<1x32x128xf32, #tpu.memory_space<vmem>>
        %swap3A_519 = tpu.memref_squeeze %swap3A_518 : memref<1x32x128xf32, #tpu.memory_space<vmem>> -> memref<32x128xf32, #tpu.memory_space<vmem>>
        %swap3A_520 = arith.constant 0 : i32
        %swap3A_521 = tpu.memref_slice %swap3A_519[%add3A_514, %swap3A_520] : memref<32x128xf32, #tpu.memory_space<vmem>> -> memref<1x128xf32, #tpu.memory_space<vmem>>
        %swap3A_522 = tpu.memref_squeeze %swap3A_521 : memref<1x128xf32, #tpu.memory_space<vmem>> -> memref<128xf32, #tpu.memory_space<vmem>>
        %swap3A_523 = arith.constant 64 : index
        %swap3A_524 = tpu.vector_load %swap3A_522[%swap3A_523] {strides = array<i32>} : memref<128xf32, #tpu.memory_space<vmem>>, vector<16xf32>,
        tpu.vector_store %swap3A_522[%swap3A_523], %gather3A_444 {strides = array<i32>} : memref<128xf32, #tpu.memory_space<vmem>>, vector<16xf32>,
        %mul3A_525 = arith.constant 2 : i32
        %mul3A_526 = arith.muli %scan3A_311, %mul3A_525 : i32
        %add3A_527 = arith.constant 0 : i32
        %add3A_528 = arith.addi %mul3A_526, %add3A_527 : i32
        %swap3A_529 = arith.constant 0 : i32
        %swap3A_530 = arith.constant 0 : i32
        %swap3A_531 = arith.constant 0 : i32
        %swap3A_532 = tpu.memref_slice %arg7[%swap3A_529, %swap3A_530, %swap3A_531] : memref<2x32x128xf32, #tpu.memory_space<vmem>> -> memref<1x32x128xf32, #tpu.memory_space<vmem>>
        %swap3A_533 = tpu.memref_squeeze %swap3A_532 : memref<1x32x128xf32, #tpu.memory_space<vmem>> -> memref<32x128xf32, #tpu.memory_space<vmem>>
        %swap3A_534 = arith.constant 0 : i32
        %swap3A_535 = tpu.memref_slice %swap3A_533[%add3A_528, %swap3A_534] : memref<32x128xf32, #tpu.memory_space<vmem>> -> memref<1x128xf32, #tpu.memory_space<vmem>>
        %swap3A_536 = tpu.memref_squeeze %swap3A_535 : memref<1x128xf32, #tpu.memory_space<vmem>> -> memref<128xf32, #tpu.memory_space<vmem>>
        %swap3A_537 = arith.constant 80 : index
        %swap3A_538 = tpu.vector_load %swap3A_536[%swap3A_537] {strides = array<i32>} : memref<128xf32, #tpu.memory_space<vmem>>, vector<16xf32>,
        tpu.vector_store %swap3A_536[%swap3A_537], %gather3A_445 {strides = array<i32>} : memref<128xf32, #tpu.memory_space<vmem>>, vector<16xf32>,
        %mul3A_539 = arith.constant 2 : i32
        %mul3A_540 = arith.muli %scan3A_311, %mul3A_539 : i32
        %add3A_541 = arith.constant 0 : i32
        %add3A_542 = arith.addi %mul3A_540, %add3A_541 : i32
        %swap3A_543 = arith.constant 0 : i32
        %swap3A_544 = arith.constant 0 : i32
        %swap3A_545 = arith.constant 0 : i32
        %swap3A_546 = tpu.memref_slice %arg7[%swap3A_543, %swap3A_544, %swap3A_545] : memref<2x32x128xf32, #tpu.memory_space<vmem>> -> memref<1x32x128xf32, #tpu.memory_space<vmem>>
        %swap3A_547 = tpu.memref_squeeze %swap3A_546 : memref<1x32x128xf32, #tpu.memory_space<vmem>> -> memref<32x128xf32, #tpu.memory_space<vmem>>
        %swap3A_548 = arith.constant 0 : i32
        %swap3A_549 = tpu.memref_slice %swap3A_547[%add3A_542, %swap3A_548] : memref<32x128xf32, #tpu.memory_space<vmem>> -> memref<1x128xf32, #tpu.memory_space<vmem>>
        %swap3A_550 = tpu.memref_squeeze %swap3A_549 : memref<1x128xf32, #tpu.memory_space<vmem>> -> memref<128xf32, #tpu.memory_space<vmem>>
        %swap3A_551 = arith.constant 96 : index
        %swap3A_552 = tpu.vector_load %swap3A_550[%swap3A_551] {strides = array<i32>} : memref<128xf32, #tpu.memory_space<vmem>>, vector<16xf32>,
        tpu.vector_store %swap3A_550[%swap3A_551], %gather3A_446 {strides = array<i32>} : memref<128xf32, #tpu.memory_space<vmem>>, vector<16xf32>,
        %mul3A_553 = arith.constant 2 : i32
        %mul3A_554 = arith.muli %scan3A_311, %mul3A_553 : i32
        %add3A_555 = arith.constant 0 : i32
        %add3A_556 = arith.addi %mul3A_554, %add3A_555 : i32
        %swap3A_557 = arith.constant 0 : i32
        %swap3A_558 = arith.constant 0 : i32
        %swap3A_559 = arith.constant 0 : i32
        %swap3A_560 = tpu.memref_slice %arg7[%swap3A_557, %swap3A_558, %swap3A_559] : memref<2x32x128xf32, #tpu.memory_space<vmem>> -> memref<1x32x128xf32, #tpu.memory_space<vmem>>
        %swap3A_561 = tpu.memref_squeeze %swap3A_560 : memref<1x32x128xf32, #tpu.memory_space<vmem>> -> memref<32x128xf32, #tpu.memory_space<vmem>>
        %swap3A_562 = arith.constant 0 : i32
        %swap3A_563 = tpu.memref_slice %swap3A_561[%add3A_556, %swap3A_562] : memref<32x128xf32, #tpu.memory_space<vmem>> -> memref<1x128xf32, #tpu.memory_space<vmem>>
        %swap3A_564 = tpu.memref_squeeze %swap3A_563 : memref<1x128xf32, #tpu.memory_space<vmem>> -> memref<128xf32, #tpu.memory_space<vmem>>
        %swap3A_565 = arith.constant 112 : index
        %swap3A_566 = tpu.vector_load %swap3A_564[%swap3A_565] {strides = array<i32>} : memref<128xf32, #tpu.memory_space<vmem>>, vector<16xf32>,
        tpu.vector_store %swap3A_564[%swap3A_565], %gather3A_447 {strides = array<i32>} : memref<128xf32, #tpu.memory_space<vmem>>, vector<16xf32>,
        %mul3A_567 = arith.constant 2 : i32
        %mul3A_568 = arith.muli %scan3A_311, %mul3A_567 : i32
        %add3A_569 = arith.constant 1 : i32
        %add3A_570 = arith.addi %mul3A_568, %add3A_569 : i32
        %swap3A_571 = arith.constant 0 : i32
        %swap3A_572 = arith.constant 0 : i32
        %swap3A_573 = arith.constant 0 : i32
        %swap3A_574 = tpu.memref_slice %arg7[%swap3A_571, %swap3A_572, %swap3A_573] : memref<2x32x128xf32, #tpu.memory_space<vmem>> -> memref<1x32x128xf32, #tpu.memory_space<vmem>>
        %swap3A_575 = tpu.memref_squeeze %swap3A_574 : memref<1x32x128xf32, #tpu.memory_space<vmem>> -> memref<32x128xf32, #tpu.memory_space<vmem>>
        %swap3A_576 = arith.constant 0 : i32
        %swap3A_577 = tpu.memref_slice %swap3A_575[%add3A_570, %swap3A_576] : memref<32x128xf32, #tpu.memory_space<vmem>> -> memref<1x128xf32, #tpu.memory_space<vmem>>
        %swap3A_578 = tpu.memref_squeeze %swap3A_577 : memref<1x128xf32, #tpu.memory_space<vmem>> -> memref<128xf32, #tpu.memory_space<vmem>>
        %swap3A_579 = arith.constant 0 : index
        %swap3A_580 = tpu.vector_load %swap3A_578[%swap3A_579] {strides = array<i32>} : memref<128xf32, #tpu.memory_space<vmem>>, vector<16xf32>,
        tpu.vector_store %swap3A_578[%swap3A_579], %gather3A_448 {strides = array<i32>} : memref<128xf32, #tpu.memory_space<vmem>>, vector<16xf32>,
        %mul3A_581 = arith.constant 2 : i32
        %mul3A_582 = arith.muli %scan3A_311, %mul3A_581 : i32
        %add3A_583 = arith.constant 1 : i32
        %add3A_584 = arith.addi %mul3A_582, %add3A_583 : i32
        %swap3A_585 = arith.constant 0 : i32
        %swap3A_586 = arith.constant 0 : i32
        %swap3A_587 = arith.constant 0 : i32
        %swap3A_588 = tpu.memref_slice %arg7[%swap3A_585, %swap3A_586, %swap3A_587] : memref<2x32x128xf32, #tpu.memory_space<vmem>> -> memref<1x32x128xf32, #tpu.memory_space<vmem>>
        %swap3A_589 = tpu.memref_squeeze %swap3A_588 : memref<1x32x128xf32, #tpu.memory_space<vmem>> -> memref<32x128xf32, #tpu.memory_space<vmem>>
        %swap3A_590 = arith.constant 0 : i32
        %swap3A_591 = tpu.memref_slice %swap3A_589[%add3A_584, %swap3A_590] : memref<32x128xf32, #tpu.memory_space<vmem>> -> memref<1x128xf32, #tpu.memory_space<vmem>>
        %swap3A_592 = tpu.memref_squeeze %swap3A_591 : memref<1x128xf32, #tpu.memory_space<vmem>> -> memref<128xf32, #tpu.memory_space<vmem>>
        %swap3A_593 = arith.constant 16 : index
        %swap3A_594 = tpu.vector_load %swap3A_592[%swap3A_593] {strides = array<i32>} : memref<128xf32, #tpu.memory_space<vmem>>, vector<16xf32>,
        tpu.vector_store %swap3A_592[%swap3A_593], %gather3A_449 {strides = array<i32>} : memref<128xf32, #tpu.memory_space<vmem>>, vector<16xf32>,
        %mul3A_595 = arith.constant 2 : i32
        %mul3A_596 = arith.muli %scan3A_311, %mul3A_595 : i32
        %add3A_597 = arith.constant 1 : i32
        %add3A_598 = arith.addi %mul3A_596, %add3A_597 : i32
        %swap3A_599 = arith.constant 0 : i32
        %swap3A_600 = arith.constant 0 : i32
        %swap3A_601 = arith.constant 0 : i32
        %swap3A_602 = tpu.memref_slice %arg7[%swap3A_599, %swap3A_600, %swap3A_601] : memref<2x32x128xf32, #tpu.memory_space<vmem>> -> memref<1x32x128xf32, #tpu.memory_space<vmem>>
        %swap3A_603 = tpu.memref_squeeze %swap3A_602 : memref<1x32x128xf32, #tpu.memory_space<vmem>> -> memref<32x128xf32, #tpu.memory_space<vmem>>
        %swap3A_604 = arith.constant 0 : i32
        %swap3A_605 = tpu.memref_slice %swap3A_603[%add3A_598, %swap3A_604] : memref<32x128xf32, #tpu.memory_space<vmem>> -> memref<1x128xf32, #tpu.memory_space<vmem>>
        %swap3A_606 = tpu.memref_squeeze %swap3A_605 : memref<1x128xf32, #tpu.memory_space<vmem>> -> memref<128xf32, #tpu.memory_space<vmem>>
        %swap3A_607 = arith.constant 32 : index
        %swap3A_608 = tpu.vector_load %swap3A_606[%swap3A_607] {strides = array<i32>} : memref<128xf32, #tpu.memory_space<vmem>>, vector<16xf32>,
        tpu.vector_store %swap3A_606[%swap3A_607], %gather3A_450 {strides = array<i32>} : memref<128xf32, #tpu.memory_space<vmem>>, vector<16xf32>,
        %mul3A_609 = arith.constant 2 : i32
        %mul3A_610 = arith.muli %scan3A_311, %mul3A_609 : i32
        %add3A_611 = arith.constant 1 : i32
        %add3A_612 = arith.addi %mul3A_610, %add3A_611 : i32
        %swap3A_613 = arith.constant 0 : i32
        %swap3A_614 = arith.constant 0 : i32
        %swap3A_615 = arith.constant 0 : i32
        %swap3A_616 = tpu.memref_slice %arg7[%swap3A_613, %swap3A_614, %swap3A_615] : memref<2x32x128xf32, #tpu.memory_space<vmem>> -> memref<1x32x128xf32, #tpu.memory_space<vmem>>
        %swap3A_617 = tpu.memref_squeeze %swap3A_616 : memref<1x32x128xf32, #tpu.memory_space<vmem>> -> memref<32x128xf32, #tpu.memory_space<vmem>>
        %swap3A_618 = arith.constant 0 : i32
        %swap3A_619 = tpu.memref_slice %swap3A_617[%add3A_612, %swap3A_618] : memref<32x128xf32, #tpu.memory_space<vmem>> -> memref<1x128xf32, #tpu.memory_space<vmem>>
        %swap3A_620 = tpu.memref_squeeze %swap3A_619 : memref<1x128xf32, #tpu.memory_space<vmem>> -> memref<128xf32, #tpu.memory_space<vmem>>
        %swap3A_621 = arith.constant 48 : index
        %swap3A_622 = tpu.vector_load %swap3A_620[%swap3A_621] {strides = array<i32>} : memref<128xf32, #tpu.memory_space<vmem>>, vector<16xf32>,
        tpu.vector_store %swap3A_620[%swap3A_621], %gather3A_451 {strides = array<i32>} : memref<128xf32, #tpu.memory_space<vmem>>, vector<16xf32>,
        %mul3A_623 = arith.constant 2 : i32
        %mul3A_624 = arith.muli %scan3A_311, %mul3A_623 : i32
        %add3A_625 = arith.constant 1 : i32
        %add3A_626 = arith.addi %mul3A_624, %add3A_625 : i32
        %swap3A_627 = arith.constant 0 : i32
        %swap3A_628 = arith.constant 0 : i32
        %swap3A_629 = arith.constant 0 : i32
        %swap3A_630 = tpu.memref_slice %arg7[%swap3A_627, %swap3A_628, %swap3A_629] : memref<2x32x128xf32, #tpu.memory_space<vmem>> -> memref<1x32x128xf32, #tpu.memory_space<vmem>>
        %swap3A_631 = tpu.memref_squeeze %swap3A_630 : memref<1x32x128xf32, #tpu.memory_space<vmem>> -> memref<32x128xf32, #tpu.memory_space<vmem>>
        %swap3A_632 = arith.constant 0 : i32
        %swap3A_633 = tpu.memref_slice %swap3A_631[%add3A_626, %swap3A_632] : memref<32x128xf32, #tpu.memory_space<vmem>> -> memref<1x128xf32, #tpu.memory_space<vmem>>
        %swap3A_634 = tpu.memref_squeeze %swap3A_633 : memref<1x128xf32, #tpu.memory_space<vmem>> -> memref<128xf32, #tpu.memory_space<vmem>>
        %swap3A_635 = arith.constant 64 : index
        %swap3A_636 = tpu.vector_load %swap3A_634[%swap3A_635] {strides = array<i32>} : memref<128xf32, #tpu.memory_space<vmem>>, vector<16xf32>,
        tpu.vector_store %swap3A_634[%swap3A_635], %gather3A_452 {strides = array<i32>} : memref<128xf32, #tpu.memory_space<vmem>>, vector<16xf32>,
        %mul3A_637 = arith.constant 2 : i32
        %mul3A_638 = arith.muli %scan3A_311, %mul3A_637 : i32
        %add3A_639 = arith.constant 1 : i32
        %add3A_640 = arith.addi %mul3A_638, %add3A_639 : i32
        %swap3A_641 = arith.constant 0 : i32
        %swap3A_642 = arith.constant 0 : i32
        %swap3A_643 = arith.constant 0 : i32
        %swap3A_644 = tpu.memref_slice %arg7[%swap3A_641, %swap3A_642, %swap3A_643] : memref<2x32x128xf32, #tpu.memory_space<vmem>> -> memref<1x32x128xf32, #tpu.memory_space<vmem>>
        %swap3A_645 = tpu.memref_squeeze %swap3A_644 : memref<1x32x128xf32, #tpu.memory_space<vmem>> -> memref<32x128xf32, #tpu.memory_space<vmem>>
        %swap3A_646 = arith.constant 0 : i32
        %swap3A_647 = tpu.memref_slice %swap3A_645[%add3A_640, %swap3A_646] : memref<32x128xf32, #tpu.memory_space<vmem>> -> memref<1x128xf32, #tpu.memory_space<vmem>>
        %swap3A_648 = tpu.memref_squeeze %swap3A_647 : memref<1x128xf32, #tpu.memory_space<vmem>> -> memref<128xf32, #tpu.memory_space<vmem>>
        %swap3A_649 = arith.constant 80 : index
        %swap3A_650 = tpu.vector_load %swap3A_648[%swap3A_649] {strides = array<i32>} : memref<128xf32, #tpu.memory_space<vmem>>, vector<16xf32>,
        tpu.vector_store %swap3A_648[%swap3A_649], %gather3A_453 {strides = array<i32>} : memref<128xf32, #tpu.memory_space<vmem>>, vector<16xf32>,
        %mul3A_651 = arith.constant 2 : i32
        %mul3A_652 = arith.muli %scan3A_311, %mul3A_651 : i32
        %add3A_653 = arith.constant 1 : i32
        %add3A_654 = arith.addi %mul3A_652, %add3A_653 : i32
        %swap3A_655 = arith.constant 0 : i32
        %swap3A_656 = arith.constant 0 : i32
        %swap3A_657 = arith.constant 0 : i32
        %swap3A_658 = tpu.memref_slice %arg7[%swap3A_655, %swap3A_656, %swap3A_657] : memref<2x32x128xf32, #tpu.memory_space<vmem>> -> memref<1x32x128xf32, #tpu.memory_space<vmem>>
        %swap3A_659 = tpu.memref_squeeze %swap3A_658 : memref<1x32x128xf32, #tpu.memory_space<vmem>> -> memref<32x128xf32, #tpu.memory_space<vmem>>
        %swap3A_660 = arith.constant 0 : i32
        %swap3A_661 = tpu.memref_slice %swap3A_659[%add3A_654, %swap3A_660] : memref<32x128xf32, #tpu.memory_space<vmem>> -> memref<1x128xf32, #tpu.memory_space<vmem>>
        %swap3A_662 = tpu.memref_squeeze %swap3A_661 : memref<1x128xf32, #tpu.memory_space<vmem>> -> memref<128xf32, #tpu.memory_space<vmem>>
        %swap3A_663 = arith.constant 96 : index
        %swap3A_664 = tpu.vector_load %swap3A_662[%swap3A_663] {strides = array<i32>} : memref<128xf32, #tpu.memory_space<vmem>>, vector<16xf32>,
        tpu.vector_store %swap3A_662[%swap3A_663], %gather3A_454 {strides = array<i32>} : memref<128xf32, #tpu.memory_space<vmem>>, vector<16xf32>,
        %mul3A_665 = arith.constant 2 : i32
        %mul3A_666 = arith.muli %scan3A_311, %mul3A_665 : i32
        %add3A_667 = arith.constant 1 : i32
        %add3A_668 = arith.addi %mul3A_666, %add3A_667 : i32
        %swap3A_669 = arith.constant 0 : i32
        %swap3A_670 = arith.constant 0 : i32
        %swap3A_671 = arith.constant 0 : i32
        %swap3A_672 = tpu.memref_slice %arg7[%swap3A_669, %swap3A_670, %swap3A_671] : memref<2x32x128xf32, #tpu.memory_space<vmem>> -> memref<1x32x128xf32, #tpu.memory_space<vmem>>
        %swap3A_673 = tpu.memref_squeeze %swap3A_672 : memref<1x32x128xf32, #tpu.memory_space<vmem>> -> memref<32x128xf32, #tpu.memory_space<vmem>>
        %swap3A_674 = arith.constant 0 : i32
        %swap3A_675 = tpu.memref_slice %swap3A_673[%add3A_668, %swap3A_674] : memref<32x128xf32, #tpu.memory_space<vmem>> -> memref<1x128xf32, #tpu.memory_space<vmem>>
        %swap3A_676 = tpu.memref_squeeze %swap3A_675 : memref<1x128xf32, #tpu.memory_space<vmem>> -> memref<128xf32, #tpu.memory_space<vmem>>
        %swap3A_677 = arith.constant 112 : index
        %swap3A_678 = tpu.vector_load %swap3A_676[%swap3A_677] {strides = array<i32>} : memref<128xf32, #tpu.memory_space<vmem>>, vector<16xf32>,
        tpu.vector_store %swap3A_676[%swap3A_677], %gather3A_455 {strides = array<i32>} : memref<128xf32, #tpu.memory_space<vmem>>, vector<16xf32>,
      }
      %scan3A_202 = arith.constant 16 : i32
      %mul3A_203 = arith.constant 8 : i32
      %mul3A_204 = arith.muli %add3A_180, %mul3A_203 : i32
      %add3A_205 = arith.addi %mul3A_204, %select_n3A : i32
      %mul3A_206 = arith.constant 32 : i32
      %mul3A_207 = arith.muli %add3A_205, %mul3A_206 : i32
      %dma_start3A_208 = arith.constant 0 : i32
      %dma_start3A_209 = arith.constant 0 : i32
      %dma_start3A_210 = arith.constant 0 : i32
      %dma_start3A_211 = tpu.memref_slice %arg7[%dma_start3A_208, %dma_start3A_209, %dma_start3A_210] : memref<2x32x128xf32, #tpu.memory_space<vmem>> -> memref<1x32x128xf32, #tpu.memory_space<vmem>>
      %dma_start3A_212 = tpu.memref_squeeze %dma_start3A_211 : memref<1x32x128xf32, #tpu.memory_space<vmem>> -> memref<32x128xf32, #tpu.memory_space<vmem>>
      %dma_start3A_213 = arith.constant 0 : i32
      %dma_start3A_214 = tpu.memref_slice %arg4[%mul3A_207, %select_n3A_59, %dma_start3A_213] : memref<51200x8x128xf32, #tpu.memory_space<hbm>> -> memref<32x1x128xf32, #tpu.memory_space<hbm>>
      %dma_start3A_215 = tpu.memref_squeeze %dma_start3A_214 : memref<32x1x128xf32, #tpu.memory_space<hbm>> -> memref<32x128xf32, #tpu.memory_space<hbm>>
      %dma_start3A_216 = arith.constant 0 : i32
      %dma_start3A_217 = tpu.memref_slice %arg4[%mul3A_207, %select_n3A_59, %dma_start3A_216] : memref<51200x8x128xf32, #tpu.memory_space<hbm>> -> memref<32x1x128xf32, #tpu.memory_space<hbm>>
      %dma_start3A_218 = tpu.memref_squeeze %dma_start3A_217 : memref<32x1x128xf32, #tpu.memory_space<hbm>> -> memref<32x128xf32, #tpu.memory_space<hbm>>
      %dma_start3A_219 = arith.constant 0 : i32
      %dma_start3A_220 = arith.constant 0 : i32
      %dma_start3A_221 = tpu.memref_slice %arg7[%dma_start3A_208, %dma_start3A_219, %dma_start3A_220] : memref<2x32x128xf32, #tpu.memory_space<vmem>> -> memref<1x32x128xf32, #tpu.memory_space<vmem>>
      %dma_start3A_222 = tpu.memref_squeeze %dma_start3A_221 : memref<1x32x128xf32, #tpu.memory_space<vmem>> -> memref<32x128xf32, #tpu.memory_space<vmem>>
      tpu.enqueue_dma source(%dma_start3A_222 : memref<32x128xf32, #tpu.memory_space<vmem>>) target(%dma_start3A_218 : memref<32x128xf32, #tpu.memory_space<hbm>>) target_semaphore(%arg10 : memref<!tpu.dma_semaphore, #tpu.memory_space<semaphore_mem>>)
      %add3A_223 = arith.constant 2 : i32
      %add3A_224 = arith.addi %add3A_180, %add3A_223 : i32
      %ge3A = arith.constant 200 : i32
      %ge3A_225 = arith.cmpi sge, %add3A_224, %ge3A : i32
      %sub3A_226 = arith.constant 200 : i32
      %sub3A_227 = arith.subi %add3A_224, %sub3A_226 : i32
      %select_n3A_228 = arith.select %ge3A_225, %sub3A_227, %add3A_224 : i32
      %dma_start3A_229 = arith.constant 0 : i32
      %dma_start3A_230 = arith.constant 0 : i32
      %dma_start3A_231 = tpu.memref_slice %arg6[%dma_start3A_229, %dma_start3A_230] : memref<2x4096xi32, #tpu.memory_space<vmem>> -> memref<1x4096xi32, #tpu.memory_space<vmem>>
      %dma_start3A_232 = tpu.memref_squeeze %dma_start3A_231 : memref<1x4096xi32, #tpu.memory_space<vmem>> -> memref<4096xi32, #tpu.memory_space<vmem>>
      %dma_start3A_233 = arith.constant 0 : i32
      %dma_start3A_234 = tpu.memref_slice %arg2[%select_n3A_228, %dma_start3A_233] : memref<200x4096xi32, #tpu.memory_space<hbm>> -> memref<1x4096xi32, #tpu.memory_space<hbm>>
      %dma_start3A_235 = tpu.memref_squeeze %dma_start3A_234 : memref<1x4096xi32, #tpu.memory_space<hbm>> -> memref<4096xi32, #tpu.memory_space<hbm>>
      %dma_start3A_236 = arith.constant 0 : i32
      %dma_start3A_237 = tpu.memref_slice %arg6[%dma_start3A_229, %dma_start3A_236] : memref<2x4096xi32, #tpu.memory_space<vmem>> -> memref<1x4096xi32, #tpu.memory_space<vmem>>
      %dma_start3A_238 = tpu.memref_squeeze %dma_start3A_237 : memref<1x4096xi32, #tpu.memory_space<vmem>> -> memref<4096xi32, #tpu.memory_space<vmem>>
      %dma_start3A_239 = arith.constant 0 : i32
      %dma_start3A_240 = tpu.memref_slice %arg2[%select_n3A_228, %dma_start3A_239] : memref<200x4096xi32, #tpu.memory_space<hbm>> -> memref<1x4096xi32, #tpu.memory_space<hbm>>
      %dma_start3A_241 = tpu.memref_squeeze %dma_start3A_240 : memref<1x4096xi32, #tpu.memory_space<hbm>> -> memref<4096xi32, #tpu.memory_space<hbm>>
      tpu.enqueue_dma source(%dma_start3A_241 : memref<4096xi32, #tpu.memory_space<hbm>>) target(%dma_start3A_238 : memref<4096xi32, #tpu.memory_space<vmem>>) target_semaphore(%arg8 : memref<!tpu.dma_semaphore, #tpu.memory_space<semaphore_mem>>)
      %mul3A_242 = arith.constant 2 : i32
      %mul3A_243 = arith.muli %mul3A_242, %scan3A_176 : i32
      %add3A_244 = arith.constant 1 : i32
      %add3A_245 = arith.addi %mul3A_243, %add3A_244 : i32
      %dma_wait3A_246 = arith.constant 0 : i32
      %dma_wait3A_247 = arith.constant 1 : i32
      %dma_wait3A_248 = arith.constant 0 : i32
      %dma_wait3A_249 = tpu.memref_slice %arg6[%dma_wait3A_247, %dma_wait3A_248] : memref<2x4096xi32, #tpu.memory_space<vmem>> -> memref<1x4096xi32, #tpu.memory_space<vmem>>
      %dma_wait3A_250 = tpu.memref_squeeze %dma_wait3A_249 : memref<1x4096xi32, #tpu.memory_space<vmem>> -> memref<4096xi32, #tpu.memory_space<vmem>>
      %dma_wait3A_251 = arith.constant 0 : i32
      %dma_wait3A_252 = tpu.memref_slice %arg2[%dma_wait3A_246, %dma_wait3A_251] : memref<200x4096xi32, #tpu.memory_space<hbm>> -> memref<1x4096xi32, #tpu.memory_space<hbm>>
      %dma_wait3A_253 = tpu.memref_squeeze %dma_wait3A_252 : memref<1x4096xi32, #tpu.memory_space<hbm>> -> memref<4096xi32, #tpu.memory_space<hbm>>
      %dma_wait3A_254 = arith.constant 0 : i32
      %dma_wait3A_255 = tpu.memref_slice %arg6[%dma_wait3A_247, %dma_wait3A_254] : memref<2x4096xi32, #tpu.memory_space<vmem>> -> memref<1x4096xi32, #tpu.memory_space<vmem>>
      %dma_wait3A_256 = tpu.memref_squeeze %dma_wait3A_255 : memref<1x4096xi32, #tpu.memory_space<vmem>> -> memref<4096xi32, #tpu.memory_space<vmem>>
      %dma_wait3A_257 = arith.constant 0 : i32
      %dma_wait3A_258 = tpu.memref_slice %arg2[%dma_wait3A_246, %dma_wait3A_257] : memref<200x4096xi32, #tpu.memory_space<hbm>> -> memref<1x4096xi32, #tpu.memory_space<hbm>>
      %dma_wait3A_259 = tpu.memref_squeeze %dma_wait3A_258 : memref<1x4096xi32, #tpu.memory_space<hbm>> -> memref<4096xi32, #tpu.memory_space<hbm>>
      tpu.wait_dma2 semaphore(%arg9 : memref<!tpu.dma_semaphore, #tpu.memory_space<semaphore_mem>>) src(%dma_wait3A_259 : memref<4096xi32, #tpu.memory_space<hbm>>) dst(%dma_wait3A_256 : memref<4096xi32, #tpu.memory_space<vmem>>)
      %gt3A_260 = arith.constant 0 : i32
      %gt3A_261 = arith.cmpi sgt, %scan3A_176, %gt3A_260 : i32
      %convert_element_type3A_262 = arith.extui %gt3A_261 : i1 to i32
      %cond3A_263 = arith.constant 0 : i32
      %cond3A_264 = arith.cmpi ne, %convert_element_type3A_262, %cond3A_263 : i32
      scf.if %cond3A_264 {
        %dma_wait3A_311 = arith.constant 1 : i32
        %dma_wait3A_312 = arith.constant 0 : i32
        %dma_wait3A_313 = arith.constant 0 : i32
        %dma_wait3A_314 = arith.constant 0 : i32
        %dma_wait3A_315 = tpu.memref_slice %arg7[%dma_wait3A_311, %dma_wait3A_313, %dma_wait3A_314] : memref<2x32x128xf32, #tpu.memory_space<vmem>> -> memref<1x32x128xf32, #tpu.memory_space<vmem>>
        %dma_wait3A_316 = tpu.memref_squeeze %dma_wait3A_315 : memref<1x32x128xf32, #tpu.memory_space<vmem>> -> memref<32x128xf32, #tpu.memory_space<vmem>>
        %dma_wait3A_317 = arith.constant 0 : i32
        %dma_wait3A_318 = arith.constant 0 : i32
        %dma_wait3A_319 = tpu.memref_slice %arg4[%dma_wait3A_317, %dma_wait3A_312, %dma_wait3A_318] : memref<51200x8x128xf32, #tpu.memory_space<hbm>> -> memref<32x1x128xf32, #tpu.memory_space<hbm>>
        %dma_wait3A_320 = tpu.memref_squeeze %dma_wait3A_319 : memref<32x1x128xf32, #tpu.memory_space<hbm>> -> memref<32x128xf32, #tpu.memory_space<hbm>>
        %dma_wait3A_321 = arith.constant 0 : i32
        %dma_wait3A_322 = arith.constant 0 : i32
        %dma_wait3A_323 = tpu.memref_slice %arg4[%dma_wait3A_321, %dma_wait3A_312, %dma_wait3A_322] : memref<51200x8x128xf32, #tpu.memory_space<hbm>> -> memref<32x1x128xf32, #tpu.memory_space<hbm>>
        %dma_wait3A_324 = tpu.memref_squeeze %dma_wait3A_323 : memref<32x1x128xf32, #tpu.memory_space<hbm>> -> memref<32x128xf32, #tpu.memory_space<hbm>>
        %dma_wait3A_325 = arith.constant 0 : i32
        %dma_wait3A_326 = arith.constant 0 : i32
        %dma_wait3A_327 = tpu.memref_slice %arg7[%dma_wait3A_311, %dma_wait3A_325, %dma_wait3A_326] : memref<2x32x128xf32, #tpu.memory_space<vmem>> -> memref<1x32x128xf32, #tpu.memory_space<vmem>>
        %dma_wait3A_328 = tpu.memref_squeeze %dma_wait3A_327 : memref<1x32x128xf32, #tpu.memory_space<vmem>> -> memref<32x128xf32, #tpu.memory_space<vmem>>
        tpu.wait_dma2 semaphore(%arg11 : memref<!tpu.dma_semaphore, #tpu.memory_space<semaphore_mem>>) src(%dma_wait3A_328 : memref<32x128xf32, #tpu.memory_space<vmem>>) dst(%dma_wait3A_324 : memref<32x128xf32, #tpu.memory_space<hbm>>)
      } else {
      }
      %scan3A_265 = arith.constant 0 : i32
      %scan3A_266 = arith.constant 0 : i32
      %scan3A_267 = arith.constant 16 : i32
      %scan3A_268 = arith.addi %scan3A_266, %scan3A_267 : i32
      %scan3A_269 = arith.constant 1 : i32
      scf.for %scan3A_311 = %scan3A_266 to %scan3A_268 step %scan3A_269  : i32 {
        %mul3A_312 = arith.constant 256 : i32
        %mul3A_313 = arith.muli %scan3A_311, %mul3A_312 : i32
        %add3A_314 = arith.constant 0 : i32
        %add3A_315 = arith.addi %mul3A_313, %add3A_314 : i32
        %get3A = arith.constant 1 : i32
        %get3A_316 = arith.constant 0 : i32
        %get3A_317 = tpu.memref_slice %arg6[%get3A, %get3A_316] : memref<2x4096xi32, #tpu.memory_space<vmem>> -> memref<1x4096xi32, #tpu.memory_space<vmem>>
        %get3A_318 = tpu.memref_squeeze %get3A_317 : memref<1x4096xi32, #tpu.memory_space<vmem>> -> memref<4096xi32, #tpu.memory_space<vmem>>
        %get3A_319 = arith.index_cast %add3A_315 : i32 to index
        %get3A_320 = tpu.vector_load %get3A_318[%get3A_319] {strides = array<i32>} : memref<4096xi32, #tpu.memory_space<vmem>>, vector<16xi32>,
        %add3A_321 = arith.constant 16 : i32
        %add3A_322 = arith.addi %mul3A_313, %add3A_321 : i32
        %get3A_323 = arith.constant 1 : i32
        %get3A_324 = arith.constant 0 : i32
        %get3A_325 = tpu.memref_slice %arg6[%get3A_323, %get3A_324] : memref<2x4096xi32, #tpu.memory_space<vmem>> -> memref<1x4096xi32, #tpu.memory_space<vmem>>
        %get3A_326 = tpu.memref_squeeze %get3A_325 : memref<1x4096xi32, #tpu.memory_space<vmem>> -> memref<4096xi32, #tpu.memory_space<vmem>>
        %get3A_327 = arith.index_cast %add3A_322 : i32 to index
        %get3A_328 = tpu.vector_load %get3A_326[%get3A_327] {strides = array<i32>} : memref<4096xi32, #tpu.memory_space<vmem>>, vector<16xi32>,
        %add3A_329 = arith.constant 32 : i32
        %add3A_330 = arith.addi %mul3A_313, %add3A_329 : i32
        %get3A_331 = arith.constant 1 : i32
        %get3A_332 = arith.constant 0 : i32
        %get3A_333 = tpu.memref_slice %arg6[%get3A_331, %get3A_332] : memref<2x4096xi32, #tpu.memory_space<vmem>> -> memref<1x4096xi32, #tpu.memory_space<vmem>>
        %get3A_334 = tpu.memref_squeeze %get3A_333 : memref<1x4096xi32, #tpu.memory_space<vmem>> -> memref<4096xi32, #tpu.memory_space<vmem>>
        %get3A_335 = arith.index_cast %add3A_330 : i32 to index
        %get3A_336 = tpu.vector_load %get3A_334[%get3A_335] {strides = array<i32>} : memref<4096xi32, #tpu.memory_space<vmem>>, vector<16xi32>,
        %add3A_337 = arith.constant 48 : i32
        %add3A_338 = arith.addi %mul3A_313, %add3A_337 : i32
        %get3A_339 = arith.constant 1 : i32
        %get3A_340 = arith.constant 0 : i32
        %get3A_341 = tpu.memref_slice %arg6[%get3A_339, %get3A_340] : memref<2x4096xi32, #tpu.memory_space<vmem>> -> memref<1x4096xi32, #tpu.memory_space<vmem>>
        %get3A_342 = tpu.memref_squeeze %get3A_341 : memref<1x4096xi32, #tpu.memory_space<vmem>> -> memref<4096xi32, #tpu.memory_space<vmem>>
        %get3A_343 = arith.index_cast %add3A_338 : i32 to index
        %get3A_344 = tpu.vector_load %get3A_342[%get3A_343] {strides = array<i32>} : memref<4096xi32, #tpu.memory_space<vmem>>, vector<16xi32>,
        %add3A_345 = arith.constant 64 : i32
        %add3A_346 = arith.addi %mul3A_313, %add3A_345 : i32
        %get3A_347 = arith.constant 1 : i32
        %get3A_348 = arith.constant 0 : i32
        %get3A_349 = tpu.memref_slice %arg6[%get3A_347, %get3A_348] : memref<2x4096xi32, #tpu.memory_space<vmem>> -> memref<1x4096xi32, #tpu.memory_space<vmem>>
        %get3A_350 = tpu.memref_squeeze %get3A_349 : memref<1x4096xi32, #tpu.memory_space<vmem>> -> memref<4096xi32, #tpu.memory_space<vmem>>
        %get3A_351 = arith.index_cast %add3A_346 : i32 to index
        %get3A_352 = tpu.vector_load %get3A_350[%get3A_351] {strides = array<i32>} : memref<4096xi32, #tpu.memory_space<vmem>>, vector<16xi32>,
        %add3A_353 = arith.constant 80 : i32
        %add3A_354 = arith.addi %mul3A_313, %add3A_353 : i32
        %get3A_355 = arith.constant 1 : i32
        %get3A_356 = arith.constant 0 : i32
        %get3A_357 = tpu.memref_slice %arg6[%get3A_355, %get3A_356] : memref<2x4096xi32, #tpu.memory_space<vmem>> -> memref<1x4096xi32, #tpu.memory_space<vmem>>
        %get3A_358 = tpu.memref_squeeze %get3A_357 : memref<1x4096xi32, #tpu.memory_space<vmem>> -> memref<4096xi32, #tpu.memory_space<vmem>>
        %get3A_359 = arith.index_cast %add3A_354 : i32 to index
        %get3A_360 = tpu.vector_load %get3A_358[%get3A_359] {strides = array<i32>} : memref<4096xi32, #tpu.memory_space<vmem>>, vector<16xi32>,
        %add3A_361 = arith.constant 96 : i32
        %add3A_362 = arith.addi %mul3A_313, %add3A_361 : i32
        %get3A_363 = arith.constant 1 : i32
        %get3A_364 = arith.constant 0 : i32
        %get3A_365 = tpu.memref_slice %arg6[%get3A_363, %get3A_364] : memref<2x4096xi32, #tpu.memory_space<vmem>> -> memref<1x4096xi32, #tpu.memory_space<vmem>>
        %get3A_366 = tpu.memref_squeeze %get3A_365 : memref<1x4096xi32, #tpu.memory_space<vmem>> -> memref<4096xi32, #tpu.memory_space<vmem>>
        %get3A_367 = arith.index_cast %add3A_362 : i32 to index
        %get3A_368 = tpu.vector_load %get3A_366[%get3A_367] {strides = array<i32>} : memref<4096xi32, #tpu.memory_space<vmem>>, vector<16xi32>,
        %add3A_369 = arith.constant 112 : i32
        %add3A_370 = arith.addi %mul3A_313, %add3A_369 : i32
        %get3A_371 = arith.constant 1 : i32
        %get3A_372 = arith.constant 0 : i32
        %get3A_373 = tpu.memref_slice %arg6[%get3A_371, %get3A_372] : memref<2x4096xi32, #tpu.memory_space<vmem>> -> memref<1x4096xi32, #tpu.memory_space<vmem>>
        %get3A_374 = tpu.memref_squeeze %get3A_373 : memref<1x4096xi32, #tpu.memory_space<vmem>> -> memref<4096xi32, #tpu.memory_space<vmem>>
        %get3A_375 = arith.index_cast %add3A_370 : i32 to index
        %get3A_376 = tpu.vector_load %get3A_374[%get3A_375] {strides = array<i32>} : memref<4096xi32, #tpu.memory_space<vmem>>, vector<16xi32>,
        %add3A_377 = arith.constant 128 : i32
        %add3A_378 = arith.addi %mul3A_313, %add3A_377 : i32
        %get3A_379 = arith.constant 1 : i32
        %get3A_380 = arith.constant 0 : i32
        %get3A_381 = tpu.memref_slice %arg6[%get3A_379, %get3A_380] : memref<2x4096xi32, #tpu.memory_space<vmem>> -> memref<1x4096xi32, #tpu.memory_space<vmem>>
        %get3A_382 = tpu.memref_squeeze %get3A_381 : memref<1x4096xi32, #tpu.memory_space<vmem>> -> memref<4096xi32, #tpu.memory_space<vmem>>
        %get3A_383 = arith.index_cast %add3A_378 : i32 to index
        %get3A_384 = tpu.vector_load %get3A_382[%get3A_383] {strides = array<i32>} : memref<4096xi32, #tpu.memory_space<vmem>>, vector<16xi32>,
        %add3A_385 = arith.constant 144 : i32
        %add3A_386 = arith.addi %mul3A_313, %add3A_385 : i32
        %get3A_387 = arith.constant 1 : i32
        %get3A_388 = arith.constant 0 : i32
        %get3A_389 = tpu.memref_slice %arg6[%get3A_387, %get3A_388] : memref<2x4096xi32, #tpu.memory_space<vmem>> -> memref<1x4096xi32, #tpu.memory_space<vmem>>
        %get3A_390 = tpu.memref_squeeze %get3A_389 : memref<1x4096xi32, #tpu.memory_space<vmem>> -> memref<4096xi32, #tpu.memory_space<vmem>>
        %get3A_391 = arith.index_cast %add3A_386 : i32 to index
        %get3A_392 = tpu.vector_load %get3A_390[%get3A_391] {strides = array<i32>} : memref<4096xi32, #tpu.memory_space<vmem>>, vector<16xi32>,
        %add3A_393 = arith.constant 160 : i32
        %add3A_394 = arith.addi %mul3A_313, %add3A_393 : i32
        %get3A_395 = arith.constant 1 : i32
        %get3A_396 = arith.constant 0 : i32
        %get3A_397 = tpu.memref_slice %arg6[%get3A_395, %get3A_396] : memref<2x4096xi32, #tpu.memory_space<vmem>> -> memref<1x4096xi32, #tpu.memory_space<vmem>>
        %get3A_398 = tpu.memref_squeeze %get3A_397 : memref<1x4096xi32, #tpu.memory_space<vmem>> -> memref<4096xi32, #tpu.memory_space<vmem>>
        %get3A_399 = arith.index_cast %add3A_394 : i32 to index
        %get3A_400 = tpu.vector_load %get3A_398[%get3A_399] {strides = array<i32>} : memref<4096xi32, #tpu.memory_space<vmem>>, vector<16xi32>,
        %add3A_401 = arith.constant 176 : i32
        %add3A_402 = arith.addi %mul3A_313, %add3A_401 : i32
        %get3A_403 = arith.constant 1 : i32
        %get3A_404 = arith.constant 0 : i32
        %get3A_405 = tpu.memref_slice %arg6[%get3A_403, %get3A_404] : memref<2x4096xi32, #tpu.memory_space<vmem>> -> memref<1x4096xi32, #tpu.memory_space<vmem>>
        %get3A_406 = tpu.memref_squeeze %get3A_405 : memref<1x4096xi32, #tpu.memory_space<vmem>> -> memref<4096xi32, #tpu.memory_space<vmem>>
        %get3A_407 = arith.index_cast %add3A_402 : i32 to index
        %get3A_408 = tpu.vector_load %get3A_406[%get3A_407] {strides = array<i32>} : memref<4096xi32, #tpu.memory_space<vmem>>, vector<16xi32>,
        %add3A_409 = arith.constant 192 : i32
        %add3A_410 = arith.addi %mul3A_313, %add3A_409 : i32
        %get3A_411 = arith.constant 1 : i32
        %get3A_412 = arith.constant 0 : i32
        %get3A_413 = tpu.memref_slice %arg6[%get3A_411, %get3A_412] : memref<2x4096xi32, #tpu.memory_space<vmem>> -> memref<1x4096xi32, #tpu.memory_space<vmem>>
        %get3A_414 = tpu.memref_squeeze %get3A_413 : memref<1x4096xi32, #tpu.memory_space<vmem>> -> memref<4096xi32, #tpu.memory_space<vmem>>
        %get3A_415 = arith.index_cast %add3A_410 : i32 to index
        %get3A_416 = tpu.vector_load %get3A_414[%get3A_415] {strides = array<i32>} : memref<4096xi32, #tpu.memory_space<vmem>>, vector<16xi32>,
        %add3A_417 = arith.constant 208 : i32
        %add3A_418 = arith.addi %mul3A_313, %add3A_417 : i32
        %get3A_419 = arith.constant 1 : i32
        %get3A_420 = arith.constant 0 : i32
        %get3A_421 = tpu.memref_slice %arg6[%get3A_419, %get3A_420] : memref<2x4096xi32, #tpu.memory_space<vmem>> -> memref<1x4096xi32, #tpu.memory_space<vmem>>
        %get3A_422 = tpu.memref_squeeze %get3A_421 : memref<1x4096xi32, #tpu.memory_space<vmem>> -> memref<4096xi32, #tpu.memory_space<vmem>>
        %get3A_423 = arith.index_cast %add3A_418 : i32 to index
        %get3A_424 = tpu.vector_load %get3A_422[%get3A_423] {strides = array<i32>} : memref<4096xi32, #tpu.memory_space<vmem>>, vector<16xi32>,
        %add3A_425 = arith.constant 224 : i32
        %add3A_426 = arith.addi %mul3A_313, %add3A_425 : i32
        %get3A_427 = arith.constant 1 : i32
        %get3A_428 = arith.constant 0 : i32
        %get3A_429 = tpu.memref_slice %arg6[%get3A_427, %get3A_428] : memref<2x4096xi32, #tpu.memory_space<vmem>> -> memref<1x4096xi32, #tpu.memory_space<vmem>>
        %get3A_430 = tpu.memref_squeeze %get3A_429 : memref<1x4096xi32, #tpu.memory_space<vmem>> -> memref<4096xi32, #tpu.memory_space<vmem>>
        %get3A_431 = arith.index_cast %add3A_426 : i32 to index
        %get3A_432 = tpu.vector_load %get3A_430[%get3A_431] {strides = array<i32>} : memref<4096xi32, #tpu.memory_space<vmem>>, vector<16xi32>,
        %add3A_433 = arith.constant 240 : i32
        %add3A_434 = arith.addi %mul3A_313, %add3A_433 : i32
        %get3A_435 = arith.constant 1 : i32
        %get3A_436 = arith.constant 0 : i32
        %get3A_437 = tpu.memref_slice %arg6[%get3A_435, %get3A_436] : memref<2x4096xi32, #tpu.memory_space<vmem>> -> memref<1x4096xi32, #tpu.memory_space<vmem>>
        %get3A_438 = tpu.memref_squeeze %get3A_437 : memref<1x4096xi32, #tpu.memory_space<vmem>> -> memref<4096xi32, #tpu.memory_space<vmem>>
        %get3A_439 = arith.index_cast %add3A_434 : i32 to index
        %get3A_440 = tpu.vector_load %get3A_438[%get3A_439] {strides = array<i32>} : memref<4096xi32, #tpu.memory_space<vmem>>, vector<16xi32>,
        %gather3A = tpu.vector_load_idx %arg5[%get3A_320] : memref<100352xf32, #tpu.memory_space<vmem>>[vector<16xi32>], vector<16xf32>,
        %gather3A_441 = tpu.vector_load_idx %arg5[%get3A_328] : memref<100352xf32, #tpu.memory_space<vmem>>[vector<16xi32>], vector<16xf32>,
        %gather3A_442 = tpu.vector_load_idx %arg5[%get3A_336] : memref<100352xf32, #tpu.memory_space<vmem>>[vector<16xi32>], vector<16xf32>,
        %gather3A_443 = tpu.vector_load_idx %arg5[%get3A_344] : memref<100352xf32, #tpu.memory_space<vmem>>[vector<16xi32>], vector<16xf32>,
        %gather3A_444 = tpu.vector_load_idx %arg5[%get3A_352] : memref<100352xf32, #tpu.memory_space<vmem>>[vector<16xi32>], vector<16xf32>,
        %gather3A_445 = tpu.vector_load_idx %arg5[%get3A_360] : memref<100352xf32, #tpu.memory_space<vmem>>[vector<16xi32>], vector<16xf32>,
        %gather3A_446 = tpu.vector_load_idx %arg5[%get3A_368] : memref<100352xf32, #tpu.memory_space<vmem>>[vector<16xi32>], vector<16xf32>,
        %gather3A_447 = tpu.vector_load_idx %arg5[%get3A_376] : memref<100352xf32, #tpu.memory_space<vmem>>[vector<16xi32>], vector<16xf32>,
        %gather3A_448 = tpu.vector_load_idx %arg5[%get3A_384] : memref<100352xf32, #tpu.memory_space<vmem>>[vector<16xi32>], vector<16xf32>,
        %gather3A_449 = tpu.vector_load_idx %arg5[%get3A_392] : memref<100352xf32, #tpu.memory_space<vmem>>[vector<16xi32>], vector<16xf32>,
        %gather3A_450 = tpu.vector_load_idx %arg5[%get3A_400] : memref<100352xf32, #tpu.memory_space<vmem>>[vector<16xi32>], vector<16xf32>,
        %gather3A_451 = tpu.vector_load_idx %arg5[%get3A_408] : memref<100352xf32, #tpu.memory_space<vmem>>[vector<16xi32>], vector<16xf32>,
        %gather3A_452 = tpu.vector_load_idx %arg5[%get3A_416] : memref<100352xf32, #tpu.memory_space<vmem>>[vector<16xi32>], vector<16xf32>,
        %gather3A_453 = tpu.vector_load_idx %arg5[%get3A_424] : memref<100352xf32, #tpu.memory_space<vmem>>[vector<16xi32>], vector<16xf32>,
        %gather3A_454 = tpu.vector_load_idx %arg5[%get3A_432] : memref<100352xf32, #tpu.memory_space<vmem>>[vector<16xi32>], vector<16xf32>,
        %gather3A_455 = tpu.vector_load_idx %arg5[%get3A_440] : memref<100352xf32, #tpu.memory_space<vmem>>[vector<16xi32>], vector<16xf32>,
        %mul3A_456 = arith.constant 2 : i32
        %mul3A_457 = arith.muli %scan3A_311, %mul3A_456 : i32
        %add3A_458 = arith.constant 0 : i32
        %add3A_459 = arith.addi %mul3A_457, %add3A_458 : i32
        %swap3A = arith.constant 1 : i32
        %swap3A_460 = arith.constant 0 : i32
        %swap3A_461 = arith.constant 0 : i32
        %swap3A_462 = tpu.memref_slice %arg7[%swap3A, %swap3A_460, %swap3A_461] : memref<2x32x128xf32, #tpu.memory_space<vmem>> -> memref<1x32x128xf32, #tpu.memory_space<vmem>>
        %swap3A_463 = tpu.memref_squeeze %swap3A_462 : memref<1x32x128xf32, #tpu.memory_space<vmem>> -> memref<32x128xf32, #tpu.memory_space<vmem>>
        %swap3A_464 = arith.constant 0 : i32
        %swap3A_465 = tpu.memref_slice %swap3A_463[%add3A_459, %swap3A_464] : memref<32x128xf32, #tpu.memory_space<vmem>> -> memref<1x128xf32, #tpu.memory_space<vmem>>
        %swap3A_466 = tpu.memref_squeeze %swap3A_465 : memref<1x128xf32, #tpu.memory_space<vmem>> -> memref<128xf32, #tpu.memory_space<vmem>>
        %swap3A_467 = arith.constant 0 : index
        %swap3A_468 = tpu.vector_load %swap3A_466[%swap3A_467] {strides = array<i32>} : memref<128xf32, #tpu.memory_space<vmem>>, vector<16xf32>,
        tpu.vector_store %swap3A_466[%swap3A_467], %gather3A {strides = array<i32>} : memref<128xf32, #tpu.memory_space<vmem>>, vector<16xf32>,
        %mul3A_469 = arith.constant 2 : i32
        %mul3A_470 = arith.muli %scan3A_311, %mul3A_469 : i32
        %add3A_471 = arith.constant 0 : i32
        %add3A_472 = arith.addi %mul3A_470, %add3A_471 : i32
        %swap3A_473 = arith.constant 1 : i32
        %swap3A_474 = arith.constant 0 : i32
        %swap3A_475 = arith.constant 0 : i32
        %swap3A_476 = tpu.memref_slice %arg7[%swap3A_473, %swap3A_474, %swap3A_475] : memref<2x32x128xf32, #tpu.memory_space<vmem>> -> memref<1x32x128xf32, #tpu.memory_space<vmem>>
        %swap3A_477 = tpu.memref_squeeze %swap3A_476 : memref<1x32x128xf32, #tpu.memory_space<vmem>> -> memref<32x128xf32, #tpu.memory_space<vmem>>
        %swap3A_478 = arith.constant 0 : i32
        %swap3A_479 = tpu.memref_slice %swap3A_477[%add3A_472, %swap3A_478] : memref<32x128xf32, #tpu.memory_space<vmem>> -> memref<1x128xf32, #tpu.memory_space<vmem>>
        %swap3A_480 = tpu.memref_squeeze %swap3A_479 : memref<1x128xf32, #tpu.memory_space<vmem>> -> memref<128xf32, #tpu.memory_space<vmem>>
        %swap3A_481 = arith.constant 16 : index
        %swap3A_482 = tpu.vector_load %swap3A_480[%swap3A_481] {strides = array<i32>} : memref<128xf32, #tpu.memory_space<vmem>>, vector<16xf32>,
        tpu.vector_store %swap3A_480[%swap3A_481], %gather3A_441 {strides = array<i32>} : memref<128xf32, #tpu.memory_space<vmem>>, vector<16xf32>,
        %mul3A_483 = arith.constant 2 : i32
        %mul3A_484 = arith.muli %scan3A_311, %mul3A_483 : i32
        %add3A_485 = arith.constant 0 : i32
        %add3A_486 = arith.addi %mul3A_484, %add3A_485 : i32
        %swap3A_487 = arith.constant 1 : i32
        %swap3A_488 = arith.constant 0 : i32
        %swap3A_489 = arith.constant 0 : i32
        %swap3A_490 = tpu.memref_slice %arg7[%swap3A_487, %swap3A_488, %swap3A_489] : memref<2x32x128xf32, #tpu.memory_space<vmem>> -> memref<1x32x128xf32, #tpu.memory_space<vmem>>
        %swap3A_491 = tpu.memref_squeeze %swap3A_490 : memref<1x32x128xf32, #tpu.memory_space<vmem>> -> memref<32x128xf32, #tpu.memory_space<vmem>>
        %swap3A_492 = arith.constant 0 : i32
        %swap3A_493 = tpu.memref_slice %swap3A_491[%add3A_486, %swap3A_492] : memref<32x128xf32, #tpu.memory_space<vmem>> -> memref<1x128xf32, #tpu.memory_space<vmem>>
        %swap3A_494 = tpu.memref_squeeze %swap3A_493 : memref<1x128xf32, #tpu.memory_space<vmem>> -> memref<128xf32, #tpu.memory_space<vmem>>
        %swap3A_495 = arith.constant 32 : index
        %swap3A_496 = tpu.vector_load %swap3A_494[%swap3A_495] {strides = array<i32>} : memref<128xf32, #tpu.memory_space<vmem>>, vector<16xf32>,
        tpu.vector_store %swap3A_494[%swap3A_495], %gather3A_442 {strides = array<i32>} : memref<128xf32, #tpu.memory_space<vmem>>, vector<16xf32>,
        %mul3A_497 = arith.constant 2 : i32
        %mul3A_498 = arith.muli %scan3A_311, %mul3A_497 : i32
        %add3A_499 = arith.constant 0 : i32
        %add3A_500 = arith.addi %mul3A_498, %add3A_499 : i32
        %swap3A_501 = arith.constant 1 : i32
        %swap3A_502 = arith.constant 0 : i32
        %swap3A_503 = arith.constant 0 : i32
        %swap3A_504 = tpu.memref_slice %arg7[%swap3A_501, %swap3A_502, %swap3A_503] : memref<2x32x128xf32, #tpu.memory_space<vmem>> -> memref<1x32x128xf32, #tpu.memory_space<vmem>>
        %swap3A_505 = tpu.memref_squeeze %swap3A_504 : memref<1x32x128xf32, #tpu.memory_space<vmem>> -> memref<32x128xf32, #tpu.memory_space<vmem>>
        %swap3A_506 = arith.constant 0 : i32
        %swap3A_507 = tpu.memref_slice %swap3A_505[%add3A_500, %swap3A_506] : memref<32x128xf32, #tpu.memory_space<vmem>> -> memref<1x128xf32, #tpu.memory_space<vmem>>
        %swap3A_508 = tpu.memref_squeeze %swap3A_507 : memref<1x128xf32, #tpu.memory_space<vmem>> -> memref<128xf32, #tpu.memory_space<vmem>>
        %swap3A_509 = arith.constant 48 : index
        %swap3A_510 = tpu.vector_load %swap3A_508[%swap3A_509] {strides = array<i32>} : memref<128xf32, #tpu.memory_space<vmem>>, vector<16xf32>,
        tpu.vector_store %swap3A_508[%swap3A_509], %gather3A_443 {strides = array<i32>} : memref<128xf32, #tpu.memory_space<vmem>>, vector<16xf32>,
        %mul3A_511 = arith.constant 2 : i32
        %mul3A_512 = arith.muli %scan3A_311, %mul3A_511 : i32
        %add3A_513 = arith.constant 0 : i32
        %add3A_514 = arith.addi %mul3A_512, %add3A_513 : i32
        %swap3A_515 = arith.constant 1 : i32
        %swap3A_516 = arith.constant 0 : i32
        %swap3A_517 = arith.constant 0 : i32
        %swap3A_518 = tpu.memref_slice %arg7[%swap3A_515, %swap3A_516, %swap3A_517] : memref<2x32x128xf32, #tpu.memory_space<vmem>> -> memref<1x32x128xf32, #tpu.memory_space<vmem>>
        %swap3A_519 = tpu.memref_squeeze %swap3A_518 : memref<1x32x128xf32, #tpu.memory_space<vmem>> -> memref<32x128xf32, #tpu.memory_space<vmem>>
        %swap3A_520 = arith.constant 0 : i32
        %swap3A_521 = tpu.memref_slice %swap3A_519[%add3A_514, %swap3A_520] : memref<32x128xf32, #tpu.memory_space<vmem>> -> memref<1x128xf32, #tpu.memory_space<vmem>>
        %swap3A_522 = tpu.memref_squeeze %swap3A_521 : memref<1x128xf32, #tpu.memory_space<vmem>> -> memref<128xf32, #tpu.memory_space<vmem>>
        %swap3A_523 = arith.constant 64 : index
        %swap3A_524 = tpu.vector_load %swap3A_522[%swap3A_523] {strides = array<i32>} : memref<128xf32, #tpu.memory_space<vmem>>, vector<16xf32>,
        tpu.vector_store %swap3A_522[%swap3A_523], %gather3A_444 {strides = array<i32>} : memref<128xf32, #tpu.memory_space<vmem>>, vector<16xf32>,
        %mul3A_525 = arith.constant 2 : i32
        %mul3A_526 = arith.muli %scan3A_311, %mul3A_525 : i32
        %add3A_527 = arith.constant 0 : i32
        %add3A_528 = arith.addi %mul3A_526, %add3A_527 : i32
        %swap3A_529 = arith.constant 1 : i32
        %swap3A_530 = arith.constant 0 : i32
        %swap3A_531 = arith.constant 0 : i32
        %swap3A_532 = tpu.memref_slice %arg7[%swap3A_529, %swap3A_530, %swap3A_531] : memref<2x32x128xf32, #tpu.memory_space<vmem>> -> memref<1x32x128xf32, #tpu.memory_space<vmem>>
        %swap3A_533 = tpu.memref_squeeze %swap3A_532 : memref<1x32x128xf32, #tpu.memory_space<vmem>> -> memref<32x128xf32, #tpu.memory_space<vmem>>
        %swap3A_534 = arith.constant 0 : i32
        %swap3A_535 = tpu.memref_slice %swap3A_533[%add3A_528, %swap3A_534] : memref<32x128xf32, #tpu.memory_space<vmem>> -> memref<1x128xf32, #tpu.memory_space<vmem>>
        %swap3A_536 = tpu.memref_squeeze %swap3A_535 : memref<1x128xf32, #tpu.memory_space<vmem>> -> memref<128xf32, #tpu.memory_space<vmem>>
        %swap3A_537 = arith.constant 80 : index
        %swap3A_538 = tpu.vector_load %swap3A_536[%swap3A_537] {strides = array<i32>} : memref<128xf32, #tpu.memory_space<vmem>>, vector<16xf32>,
        tpu.vector_store %swap3A_536[%swap3A_537], %gather3A_445 {strides = array<i32>} : memref<128xf32, #tpu.memory_space<vmem>>, vector<16xf32>,
        %mul3A_539 = arith.constant 2 : i32
        %mul3A_540 = arith.muli %scan3A_311, %mul3A_539 : i32
        %add3A_541 = arith.constant 0 : i32
        %add3A_542 = arith.addi %mul3A_540, %add3A_541 : i32
        %swap3A_543 = arith.constant 1 : i32
        %swap3A_544 = arith.constant 0 : i32
        %swap3A_545 = arith.constant 0 : i32
        %swap3A_546 = tpu.memref_slice %arg7[%swap3A_543, %swap3A_544, %swap3A_545] : memref<2x32x128xf32, #tpu.memory_space<vmem>> -> memref<1x32x128xf32, #tpu.memory_space<vmem>>
        %swap3A_547 = tpu.memref_squeeze %swap3A_546 : memref<1x32x128xf32, #tpu.memory_space<vmem>> -> memref<32x128xf32, #tpu.memory_space<vmem>>
        %swap3A_548 = arith.constant 0 : i32
        %swap3A_549 = tpu.memref_slice %swap3A_547[%add3A_542, %swap3A_548] : memref<32x128xf32, #tpu.memory_space<vmem>> -> memref<1x128xf32, #tpu.memory_space<vmem>>
        %swap3A_550 = tpu.memref_squeeze %swap3A_549 : memref<1x128xf32, #tpu.memory_space<vmem>> -> memref<128xf32, #tpu.memory_space<vmem>>
        %swap3A_551 = arith.constant 96 : index
        %swap3A_552 = tpu.vector_load %swap3A_550[%swap3A_551] {strides = array<i32>} : memref<128xf32, #tpu.memory_space<vmem>>, vector<16xf32>,
        tpu.vector_store %swap3A_550[%swap3A_551], %gather3A_446 {strides = array<i32>} : memref<128xf32, #tpu.memory_space<vmem>>, vector<16xf32>,
        %mul3A_553 = arith.constant 2 : i32
        %mul3A_554 = arith.muli %scan3A_311, %mul3A_553 : i32
        %add3A_555 = arith.constant 0 : i32
        %add3A_556 = arith.addi %mul3A_554, %add3A_555 : i32
        %swap3A_557 = arith.constant 1 : i32
        %swap3A_558 = arith.constant 0 : i32
        %swap3A_559 = arith.constant 0 : i32
        %swap3A_560 = tpu.memref_slice %arg7[%swap3A_557, %swap3A_558, %swap3A_559] : memref<2x32x128xf32, #tpu.memory_space<vmem>> -> memref<1x32x128xf32, #tpu.memory_space<vmem>>
        %swap3A_561 = tpu.memref_squeeze %swap3A_560 : memref<1x32x128xf32, #tpu.memory_space<vmem>> -> memref<32x128xf32, #tpu.memory_space<vmem>>
        %swap3A_562 = arith.constant 0 : i32
        %swap3A_563 = tpu.memref_slice %swap3A_561[%add3A_556, %swap3A_562] : memref<32x128xf32, #tpu.memory_space<vmem>> -> memref<1x128xf32, #tpu.memory_space<vmem>>
        %swap3A_564 = tpu.memref_squeeze %swap3A_563 : memref<1x128xf32, #tpu.memory_space<vmem>> -> memref<128xf32, #tpu.memory_space<vmem>>
        %swap3A_565 = arith.constant 112 : index
        %swap3A_566 = tpu.vector_load %swap3A_564[%swap3A_565] {strides = array<i32>} : memref<128xf32, #tpu.memory_space<vmem>>, vector<16xf32>,
        tpu.vector_store %swap3A_564[%swap3A_565], %gather3A_447 {strides = array<i32>} : memref<128xf32, #tpu.memory_space<vmem>>, vector<16xf32>,
        %mul3A_567 = arith.constant 2 : i32
        %mul3A_568 = arith.muli %scan3A_311, %mul3A_567 : i32
        %add3A_569 = arith.constant 1 : i32
        %add3A_570 = arith.addi %mul3A_568, %add3A_569 : i32
        %swap3A_571 = arith.constant 1 : i32
        %swap3A_572 = arith.constant 0 : i32
        %swap3A_573 = arith.constant 0 : i32
        %swap3A_574 = tpu.memref_slice %arg7[%swap3A_571, %swap3A_572, %swap3A_573] : memref<2x32x128xf32, #tpu.memory_space<vmem>> -> memref<1x32x128xf32, #tpu.memory_space<vmem>>
        %swap3A_575 = tpu.memref_squeeze %swap3A_574 : memref<1x32x128xf32, #tpu.memory_space<vmem>> -> memref<32x128xf32, #tpu.memory_space<vmem>>
        %swap3A_576 = arith.constant 0 : i32
        %swap3A_577 = tpu.memref_slice %swap3A_575[%add3A_570, %swap3A_576] : memref<32x128xf32, #tpu.memory_space<vmem>> -> memref<1x128xf32, #tpu.memory_space<vmem>>
        %swap3A_578 = tpu.memref_squeeze %swap3A_577 : memref<1x128xf32, #tpu.memory_space<vmem>> -> memref<128xf32, #tpu.memory_space<vmem>>
        %swap3A_579 = arith.constant 0 : index
        %swap3A_580 = tpu.vector_load %swap3A_578[%swap3A_579] {strides = array<i32>} : memref<128xf32, #tpu.memory_space<vmem>>, vector<16xf32>,
        tpu.vector_store %swap3A_578[%swap3A_579], %gather3A_448 {strides = array<i32>} : memref<128xf32, #tpu.memory_space<vmem>>, vector<16xf32>,
        %mul3A_581 = arith.constant 2 : i32
        %mul3A_582 = arith.muli %scan3A_311, %mul3A_581 : i32
        %add3A_583 = arith.constant 1 : i32
        %add3A_584 = arith.addi %mul3A_582, %add3A_583 : i32
        %swap3A_585 = arith.constant 1 : i32
        %swap3A_586 = arith.constant 0 : i32
        %swap3A_587 = arith.constant 0 : i32
        %swap3A_588 = tpu.memref_slice %arg7[%swap3A_585, %swap3A_586, %swap3A_587] : memref<2x32x128xf32, #tpu.memory_space<vmem>> -> memref<1x32x128xf32, #tpu.memory_space<vmem>>
        %swap3A_589 = tpu.memref_squeeze %swap3A_588 : memref<1x32x128xf32, #tpu.memory_space<vmem>> -> memref<32x128xf32, #tpu.memory_space<vmem>>
        %swap3A_590 = arith.constant 0 : i32
        %swap3A_591 = tpu.memref_slice %swap3A_589[%add3A_584, %swap3A_590] : memref<32x128xf32, #tpu.memory_space<vmem>> -> memref<1x128xf32, #tpu.memory_space<vmem>>
        %swap3A_592 = tpu.memref_squeeze %swap3A_591 : memref<1x128xf32, #tpu.memory_space<vmem>> -> memref<128xf32, #tpu.memory_space<vmem>>
        %swap3A_593 = arith.constant 16 : index
        %swap3A_594 = tpu.vector_load %swap3A_592[%swap3A_593] {strides = array<i32>} : memref<128xf32, #tpu.memory_space<vmem>>, vector<16xf32>,
        tpu.vector_store %swap3A_592[%swap3A_593], %gather3A_449 {strides = array<i32>} : memref<128xf32, #tpu.memory_space<vmem>>, vector<16xf32>,
        %mul3A_595 = arith.constant 2 : i32
        %mul3A_596 = arith.muli %scan3A_311, %mul3A_595 : i32
        %add3A_597 = arith.constant 1 : i32
        %add3A_598 = arith.addi %mul3A_596, %add3A_597 : i32
        %swap3A_599 = arith.constant 1 : i32
        %swap3A_600 = arith.constant 0 : i32
        %swap3A_601 = arith.constant 0 : i32
        %swap3A_602 = tpu.memref_slice %arg7[%swap3A_599, %swap3A_600, %swap3A_601] : memref<2x32x128xf32, #tpu.memory_space<vmem>> -> memref<1x32x128xf32, #tpu.memory_space<vmem>>
        %swap3A_603 = tpu.memref_squeeze %swap3A_602 : memref<1x32x128xf32, #tpu.memory_space<vmem>> -> memref<32x128xf32, #tpu.memory_space<vmem>>
        %swap3A_604 = arith.constant 0 : i32
        %swap3A_605 = tpu.memref_slice %swap3A_603[%add3A_598, %swap3A_604] : memref<32x128xf32, #tpu.memory_space<vmem>> -> memref<1x128xf32, #tpu.memory_space<vmem>>
        %swap3A_606 = tpu.memref_squeeze %swap3A_605 : memref<1x128xf32, #tpu.memory_space<vmem>> -> memref<128xf32, #tpu.memory_space<vmem>>
        %swap3A_607 = arith.constant 32 : index
        %swap3A_608 = tpu.vector_load %swap3A_606[%swap3A_607] {strides = array<i32>} : memref<128xf32, #tpu.memory_space<vmem>>, vector<16xf32>,
        tpu.vector_store %swap3A_606[%swap3A_607], %gather3A_450 {strides = array<i32>} : memref<128xf32, #tpu.memory_space<vmem>>, vector<16xf32>,
        %mul3A_609 = arith.constant 2 : i32
        %mul3A_610 = arith.muli %scan3A_311, %mul3A_609 : i32
        %add3A_611 = arith.constant 1 : i32
        %add3A_612 = arith.addi %mul3A_610, %add3A_611 : i32
        %swap3A_613 = arith.constant 1 : i32
        %swap3A_614 = arith.constant 0 : i32
        %swap3A_615 = arith.constant 0 : i32
        %swap3A_616 = tpu.memref_slice %arg7[%swap3A_613, %swap3A_614, %swap3A_615] : memref<2x32x128xf32, #tpu.memory_space<vmem>> -> memref<1x32x128xf32, #tpu.memory_space<vmem>>
        %swap3A_617 = tpu.memref_squeeze %swap3A_616 : memref<1x32x128xf32, #tpu.memory_space<vmem>> -> memref<32x128xf32, #tpu.memory_space<vmem>>
        %swap3A_618 = arith.constant 0 : i32
        %swap3A_619 = tpu.memref_slice %swap3A_617[%add3A_612, %swap3A_618] : memref<32x128xf32, #tpu.memory_space<vmem>> -> memref<1x128xf32, #tpu.memory_space<vmem>>
        %swap3A_620 = tpu.memref_squeeze %swap3A_619 : memref<1x128xf32, #tpu.memory_space<vmem>> -> memref<128xf32, #tpu.memory_space<vmem>>
        %swap3A_621 = arith.constant 48 : index
        %swap3A_622 = tpu.vector_load %swap3A_620[%swap3A_621] {strides = array<i32>} : memref<128xf32, #tpu.memory_space<vmem>>, vector<16xf32>,
        tpu.vector_store %swap3A_620[%swap3A_621], %gather3A_451 {strides = array<i32>} : memref<128xf32, #tpu.memory_space<vmem>>, vector<16xf32>,
        %mul3A_623 = arith.constant 2 : i32
        %mul3A_624 = arith.muli %scan3A_311, %mul3A_623 : i32
        %add3A_625 = arith.constant 1 : i32
        %add3A_626 = arith.addi %mul3A_624, %add3A_625 : i32
        %swap3A_627 = arith.constant 1 : i32
        %swap3A_628 = arith.constant 0 : i32
        %swap3A_629 = arith.constant 0 : i32
        %swap3A_630 = tpu.memref_slice %arg7[%swap3A_627, %swap3A_628, %swap3A_629] : memref<2x32x128xf32, #tpu.memory_space<vmem>> -> memref<1x32x128xf32, #tpu.memory_space<vmem>>
        %swap3A_631 = tpu.memref_squeeze %swap3A_630 : memref<1x32x128xf32, #tpu.memory_space<vmem>> -> memref<32x128xf32, #tpu.memory_space<vmem>>
        %swap3A_632 = arith.constant 0 : i32
        %swap3A_633 = tpu.memref_slice %swap3A_631[%add3A_626, %swap3A_632] : memref<32x128xf32, #tpu.memory_space<vmem>> -> memref<1x128xf32, #tpu.memory_space<vmem>>
        %swap3A_634 = tpu.memref_squeeze %swap3A_633 : memref<1x128xf32, #tpu.memory_space<vmem>> -> memref<128xf32, #tpu.memory_space<vmem>>
        %swap3A_635 = arith.constant 64 : index
        %swap3A_636 = tpu.vector_load %swap3A_634[%swap3A_635] {strides = array<i32>} : memref<128xf32, #tpu.memory_space<vmem>>, vector<16xf32>,
        tpu.vector_store %swap3A_634[%swap3A_635], %gather3A_452 {strides = array<i32>} : memref<128xf32, #tpu.memory_space<vmem>>, vector<16xf32>,
        %mul3A_637 = arith.constant 2 : i32
        %mul3A_638 = arith.muli %scan3A_311, %mul3A_637 : i32
        %add3A_639 = arith.constant 1 : i32
        %add3A_640 = arith.addi %mul3A_638, %add3A_639 : i32
        %swap3A_641 = arith.constant 1 : i32
        %swap3A_642 = arith.constant 0 : i32
        %swap3A_643 = arith.constant 0 : i32
        %swap3A_644 = tpu.memref_slice %arg7[%swap3A_641, %swap3A_642, %swap3A_643] : memref<2x32x128xf32, #tpu.memory_space<vmem>> -> memref<1x32x128xf32, #tpu.memory_space<vmem>>
        %swap3A_645 = tpu.memref_squeeze %swap3A_644 : memref<1x32x128xf32, #tpu.memory_space<vmem>> -> memref<32x128xf32, #tpu.memory_space<vmem>>
        %swap3A_646 = arith.constant 0 : i32
        %swap3A_647 = tpu.memref_slice %swap3A_645[%add3A_640, %swap3A_646] : memref<32x128xf32, #tpu.memory_space<vmem>> -> memref<1x128xf32, #tpu.memory_space<vmem>>
        %swap3A_648 = tpu.memref_squeeze %swap3A_647 : memref<1x128xf32, #tpu.memory_space<vmem>> -> memref<128xf32, #tpu.memory_space<vmem>>
        %swap3A_649 = arith.constant 80 : index
        %swap3A_650 = tpu.vector_load %swap3A_648[%swap3A_649] {strides = array<i32>} : memref<128xf32, #tpu.memory_space<vmem>>, vector<16xf32>,
        tpu.vector_store %swap3A_648[%swap3A_649], %gather3A_453 {strides = array<i32>} : memref<128xf32, #tpu.memory_space<vmem>>, vector<16xf32>,
        %mul3A_651 = arith.constant 2 : i32
        %mul3A_652 = arith.muli %scan3A_311, %mul3A_651 : i32
        %add3A_653 = arith.constant 1 : i32
        %add3A_654 = arith.addi %mul3A_652, %add3A_653 : i32
        %swap3A_655 = arith.constant 1 : i32
        %swap3A_656 = arith.constant 0 : i32
        %swap3A_657 = arith.constant 0 : i32
        %swap3A_658 = tpu.memref_slice %arg7[%swap3A_655, %swap3A_656, %swap3A_657] : memref<2x32x128xf32, #tpu.memory_space<vmem>> -> memref<1x32x128xf32, #tpu.memory_space<vmem>>
        %swap3A_659 = tpu.memref_squeeze %swap3A_658 : memref<1x32x128xf32, #tpu.memory_space<vmem>> -> memref<32x128xf32, #tpu.memory_space<vmem>>
        %swap3A_660 = arith.constant 0 : i32
        %swap3A_661 = tpu.memref_slice %swap3A_659[%add3A_654, %swap3A_660] : memref<32x128xf32, #tpu.memory_space<vmem>> -> memref<1x128xf32, #tpu.memory_space<vmem>>
        %swap3A_662 = tpu.memref_squeeze %swap3A_661 : memref<1x128xf32, #tpu.memory_space<vmem>> -> memref<128xf32, #tpu.memory_space<vmem>>
        %swap3A_663 = arith.constant 96 : index
        %swap3A_664 = tpu.vector_load %swap3A_662[%swap3A_663] {strides = array<i32>} : memref<128xf32, #tpu.memory_space<vmem>>, vector<16xf32>,
        tpu.vector_store %swap3A_662[%swap3A_663], %gather3A_454 {strides = array<i32>} : memref<128xf32, #tpu.memory_space<vmem>>, vector<16xf32>,
        %mul3A_665 = arith.constant 2 : i32
        %mul3A_666 = arith.muli %scan3A_311, %mul3A_665 : i32
        %add3A_667 = arith.constant 1 : i32
        %add3A_668 = arith.addi %mul3A_666, %add3A_667 : i32
        %swap3A_669 = arith.constant 1 : i32
        %swap3A_670 = arith.constant 0 : i32
        %swap3A_671 = arith.constant 0 : i32
        %swap3A_672 = tpu.memref_slice %arg7[%swap3A_669, %swap3A_670, %swap3A_671] : memref<2x32x128xf32, #tpu.memory_space<vmem>> -> memref<1x32x128xf32, #tpu.memory_space<vmem>>
        %swap3A_673 = tpu.memref_squeeze %swap3A_672 : memref<1x32x128xf32, #tpu.memory_space<vmem>> -> memref<32x128xf32, #tpu.memory_space<vmem>>
        %swap3A_674 = arith.constant 0 : i32
        %swap3A_675 = tpu.memref_slice %swap3A_673[%add3A_668, %swap3A_674] : memref<32x128xf32, #tpu.memory_space<vmem>> -> memref<1x128xf32, #tpu.memory_space<vmem>>
        %swap3A_676 = tpu.memref_squeeze %swap3A_675 : memref<1x128xf32, #tpu.memory_space<vmem>> -> memref<128xf32, #tpu.memory_space<vmem>>
        %swap3A_677 = arith.constant 112 : index
        %swap3A_678 = tpu.vector_load %swap3A_676[%swap3A_677] {strides = array<i32>} : memref<128xf32, #tpu.memory_space<vmem>>, vector<16xf32>,
        tpu.vector_store %swap3A_676[%swap3A_677], %gather3A_455 {strides = array<i32>} : memref<128xf32, #tpu.memory_space<vmem>>, vector<16xf32>,
      }
      %scan3A_270 = arith.constant 16 : i32
      %mul3A_271 = arith.constant 8 : i32
      %mul3A_272 = arith.muli %add3A_245, %mul3A_271 : i32
      %add3A_273 = arith.addi %mul3A_272, %select_n3A : i32
      %mul3A_274 = arith.constant 32 : i32
      %mul3A_275 = arith.muli %add3A_273, %mul3A_274 : i32
      %dma_start3A_276 = arith.constant 1 : i32
      %dma_start3A_277 = arith.constant 0 : i32
      %dma_start3A_278 = arith.constant 0 : i32
      %dma_start3A_279 = tpu.memref_slice %arg7[%dma_start3A_276, %dma_start3A_277, %dma_start3A_278] : memref<2x32x128xf32, #tpu.memory_space<vmem>> -> memref<1x32x128xf32, #tpu.memory_space<vmem>>
      %dma_start3A_280 = tpu.memref_squeeze %dma_start3A_279 : memref<1x32x128xf32, #tpu.memory_space<vmem>> -> memref<32x128xf32, #tpu.memory_space<vmem>>
      %dma_start3A_281 = arith.constant 0 : i32
      %dma_start3A_282 = tpu.memref_slice %arg4[%mul3A_275, %select_n3A_59, %dma_start3A_281] : memref<51200x8x128xf32, #tpu.memory_space<hbm>> -> memref<32x1x128xf32, #tpu.memory_space<hbm>>
      %dma_start3A_283 = tpu.memref_squeeze %dma_start3A_282 : memref<32x1x128xf32, #tpu.memory_space<hbm>> -> memref<32x128xf32, #tpu.memory_space<hbm>>
      %dma_start3A_284 = arith.constant 0 : i32
      %dma_start3A_285 = tpu.memref_slice %arg4[%mul3A_275, %select_n3A_59, %dma_start3A_284] : memref<51200x8x128xf32, #tpu.memory_space<hbm>> -> memref<32x1x128xf32, #tpu.memory_space<hbm>>
      %dma_start3A_286 = tpu.memref_squeeze %dma_start3A_285 : memref<32x1x128xf32, #tpu.memory_space<hbm>> -> memref<32x128xf32, #tpu.memory_space<hbm>>
      %dma_start3A_287 = arith.constant 0 : i32
      %dma_start3A_288 = arith.constant 0 : i32
      %dma_start3A_289 = tpu.memref_slice %arg7[%dma_start3A_276, %dma_start3A_287, %dma_start3A_288] : memref<2x32x128xf32, #tpu.memory_space<vmem>> -> memref<1x32x128xf32, #tpu.memory_space<vmem>>
      %dma_start3A_290 = tpu.memref_squeeze %dma_start3A_289 : memref<1x32x128xf32, #tpu.memory_space<vmem>> -> memref<32x128xf32, #tpu.memory_space<vmem>>
      tpu.enqueue_dma source(%dma_start3A_290 : memref<32x128xf32, #tpu.memory_space<vmem>>) target(%dma_start3A_286 : memref<32x128xf32, #tpu.memory_space<hbm>>) target_semaphore(%arg11 : memref<!tpu.dma_semaphore, #tpu.memory_space<semaphore_mem>>)
      %add3A_291 = arith.constant 2 : i32
      %add3A_292 = arith.addi %add3A_245, %add3A_291 : i32
      %ge3A_293 = arith.constant 200 : i32
      %ge3A_294 = arith.cmpi sge, %add3A_292, %ge3A_293 : i32
      %sub3A_295 = arith.constant 200 : i32
      %sub3A_296 = arith.subi %add3A_292, %sub3A_295 : i32
      %select_n3A_297 = arith.select %ge3A_294, %sub3A_296, %add3A_292 : i32
      %dma_start3A_298 = arith.constant 1 : i32
      %dma_start3A_299 = arith.constant 0 : i32
      %dma_start3A_300 = tpu.memref_slice %arg6[%dma_start3A_298, %dma_start3A_299] : memref<2x4096xi32, #tpu.memory_space<vmem>> -> memref<1x4096xi32, #tpu.memory_space<vmem>>
      %dma_start3A_301 = tpu.memref_squeeze %dma_start3A_300 : memref<1x4096xi32, #tpu.memory_space<vmem>> -> memref<4096xi32, #tpu.memory_space<vmem>>
      %dma_start3A_302 = arith.constant 0 : i32
      %dma_start3A_303 = tpu.memref_slice %arg2[%select_n3A_297, %dma_start3A_302] : memref<200x4096xi32, #tpu.memory_space<hbm>> -> memref<1x4096xi32, #tpu.memory_space<hbm>>
      %dma_start3A_304 = tpu.memref_squeeze %dma_start3A_303 : memref<1x4096xi32, #tpu.memory_space<hbm>> -> memref<4096xi32, #tpu.memory_space<hbm>>
      %dma_start3A_305 = arith.constant 0 : i32
      %dma_start3A_306 = tpu.memref_slice %arg6[%dma_start3A_298, %dma_start3A_305] : memref<2x4096xi32, #tpu.memory_space<vmem>> -> memref<1x4096xi32, #tpu.memory_space<vmem>>
      %dma_start3A_307 = tpu.memref_squeeze %dma_start3A_306 : memref<1x4096xi32, #tpu.memory_space<vmem>> -> memref<4096xi32, #tpu.memory_space<vmem>>
      %dma_start3A_308 = arith.constant 0 : i32
      %dma_start3A_309 = tpu.memref_slice %arg2[%select_n3A_297, %dma_start3A_308] : memref<200x4096xi32, #tpu.memory_space<hbm>> -> memref<1x4096xi32, #tpu.memory_space<hbm>>
      %dma_start3A_310 = tpu.memref_squeeze %dma_start3A_309 : memref<1x4096xi32, #tpu.memory_space<hbm>> -> memref<4096xi32, #tpu.memory_space<hbm>>
      tpu.enqueue_dma source(%dma_start3A_310 : memref<4096xi32, #tpu.memory_space<hbm>>) target(%dma_start3A_307 : memref<4096xi32, #tpu.memory_space<vmem>>) target_semaphore(%arg9 : memref<!tpu.dma_semaphore, #tpu.memory_space<semaphore_mem>>)
    }
    %scan3A_64 = arith.constant 100 : i32
    %add3A_65 = arith.constant 32 : i32
    %add3A_66 = arith.addi %add3A_65, %add3A : i32
    %jit3A_67 = arith.constant 8 : i32
    %div3A_68 = arith.divsi %add3A_66, %jit3A_67 : i32
    %sign3A_69 = arith.constant 0 : i32
    %sign3A_70 = arith.cmpi sgt, %add3A_66, %sign3A_69 : i32
    %sign3A_71 = arith.extui %sign3A_70 : i1 to i32
    %sign3A_72 = arith.constant 0 : i32
    %sign3A_73 = arith.cmpi slt, %add3A_66, %sign3A_72 : i32
    %sign3A_74 = arith.extui %sign3A_73 : i1 to i32
    %sign3A_75 = arith.subi %sign3A_71, %sign3A_74 : i32
    %sign3A_76 = arith.constant 0 : i32
    %sign3A_77 = arith.cmpi sgt, %jit3A_67, %sign3A_76 : i32
    %sign3A_78 = arith.extui %sign3A_77 : i1 to i32
    %sign3A_79 = arith.constant 0 : i32
    %sign3A_80 = arith.cmpi slt, %jit3A_67, %sign3A_79 : i32
    %sign3A_81 = arith.extui %sign3A_80 : i1 to i32
    %sign3A_82 = arith.subi %sign3A_78, %sign3A_81 : i32
    %ne3A_83 = arith.cmpi ne, %sign3A_75, %sign3A_82 : i32
    %rem3A_84 = arith.remsi %add3A_66, %jit3A_67 : i32
    %ne3A_85 = arith.constant 0 : i32
    %ne3A_86 = arith.cmpi ne, %rem3A_84, %ne3A_85 : i32
    %and3A_87 = arith.andi %ne3A_83, %ne3A_86 : i1
    %sub3A_88 = arith.constant 1 : i32
    %sub3A_89 = arith.subi %div3A_68, %sub3A_88 : i32
    %select_n3A_90 = arith.select %and3A_87, %sub3A_89, %div3A_68 : i32
    %jit3A_91 = arith.constant 8 : i32
    %eq3A_92 = arith.constant 0 : i32
    %eq3A_93 = arith.cmpi eq, %jit3A_91, %eq3A_92 : i32
    %jit3A_94 = arith.constant 1 : i32
    %select_n3A_95 = arith.select %eq3A_93, %jit3A_94, %jit3A_91 : i32
    %rem3A_96 = arith.remsi %add3A_66, %select_n3A_95 : i32
    %ne3A_97 = arith.constant 0 : i32
    %ne3A_98 = arith.cmpi ne, %rem3A_96, %ne3A_97 : i32
    %lt3A_99 = arith.constant 0 : i32
    %lt3A_100 = arith.cmpi slt, %rem3A_96, %lt3A_99 : i32
    %lt3A_101 = arith.constant 0 : i32
    %lt3A_102 = arith.cmpi slt, %select_n3A_95, %lt3A_101 : i32
    %ne3A_103 = arith.xori %lt3A_100, %lt3A_102 : i1
    %and3A_104 = arith.andi %ne3A_103, %ne3A_98 : i1
    %add3A_105 = arith.addi %rem3A_96, %select_n3A_95 : i32
    %select_n3A_106 = arith.select %and3A_104, %add3A_105, %rem3A_96 : i32
    "tpu.region"() ({
      %run_scoped3A = tpu.sem_alloc : memref<!tpu.dma_semaphore, #tpu.memory_space<semaphore_mem>>
      %dma_start3A_176 = arith.constant 0 : i32
      %dma_start3A_177 = tpu.memref_slice %arg3[%add3A_66, %dma_start3A_176] : memref<64x100352xf32, #tpu.memory_space<hbm>> -> memref<1x100352xf32, #tpu.memory_space<hbm>>
      %dma_start3A_178 = tpu.memref_squeeze %dma_start3A_177 : memref<1x100352xf32, #tpu.memory_space<hbm>> -> memref<100352xf32, #tpu.memory_space<hbm>>
      %dma_start3A_179 = arith.constant 0 : i32
      %dma_start3A_180 = tpu.memref_slice %arg3[%add3A_66, %dma_start3A_179] : memref<64x100352xf32, #tpu.memory_space<hbm>> -> memref<1x100352xf32, #tpu.memory_space<hbm>>
      %dma_start3A_181 = tpu.memref_squeeze %dma_start3A_180 : memref<1x100352xf32, #tpu.memory_space<hbm>> -> memref<100352xf32, #tpu.memory_space<hbm>>
      tpu.enqueue_dma source(%dma_start3A_181 : memref<100352xf32, #tpu.memory_space<hbm>>) target(%arg5 : memref<100352xf32, #tpu.memory_space<vmem>>) target_semaphore(%run_scoped3A : memref<!tpu.dma_semaphore, #tpu.memory_space<semaphore_mem>>)
      %dma_wait3A_182 = arith.constant 0 : i32
      %dma_wait3A_183 = tpu.memref_slice %arg3[%add3A_66, %dma_wait3A_182] : memref<64x100352xf32, #tpu.memory_space<hbm>> -> memref<1x100352xf32, #tpu.memory_space<hbm>>
      %dma_wait3A_184 = tpu.memref_squeeze %dma_wait3A_183 : memref<1x100352xf32, #tpu.memory_space<hbm>> -> memref<100352xf32, #tpu.memory_space<hbm>>
      %dma_wait3A_185 = arith.constant 0 : i32
      %dma_wait3A_186 = tpu.memref_slice %arg3[%add3A_66, %dma_wait3A_185] : memref<64x100352xf32, #tpu.memory_space<hbm>> -> memref<1x100352xf32, #tpu.memory_space<hbm>>
      %dma_wait3A_187 = tpu.memref_squeeze %dma_wait3A_186 : memref<1x100352xf32, #tpu.memory_space<hbm>> -> memref<100352xf32, #tpu.memory_space<hbm>>
      tpu.wait_dma2 semaphore(%run_scoped3A : memref<!tpu.dma_semaphore, #tpu.memory_space<semaphore_mem>>) src(%dma_wait3A_187 : memref<100352xf32, #tpu.memory_space<hbm>>) dst(%arg5 : memref<100352xf32, #tpu.memory_space<vmem>>)
      tpu.yield
    }) : () -> ()
    %scan3A_107 = arith.constant 0 : i32
    %scan3A_108 = arith.constant 0 : i32
    %scan3A_109 = arith.constant 100 : i32
    %scan3A_110 = arith.addi %scan3A_108, %scan3A_109 : i32
    %scan3A_111 = arith.constant 1 : i32
    scf.for %scan3A_176 = %scan3A_108 to %scan3A_110 step %scan3A_111  : i32 {
      %mul3A_177 = arith.constant 2 : i32
      %mul3A_178 = arith.muli %mul3A_177, %scan3A_176 : i32
      %add3A_179 = arith.constant 0 : i32
      %add3A_180 = arith.addi %mul3A_178, %add3A_179 : i32
      %dma_wait3A_181 = arith.constant 0 : i32
      %dma_wait3A_182 = arith.constant 0 : i32
      %dma_wait3A_183 = arith.constant 0 : i32
      %dma_wait3A_184 = tpu.memref_slice %arg6[%dma_wait3A_182, %dma_wait3A_183] : memref<2x4096xi32, #tpu.memory_space<vmem>> -> memref<1x4096xi32, #tpu.memory_space<vmem>>
      %dma_wait3A_185 = tpu.memref_squeeze %dma_wait3A_184 : memref<1x4096xi32, #tpu.memory_space<vmem>> -> memref<4096xi32, #tpu.memory_space<vmem>>
      %dma_wait3A_186 = arith.constant 0 : i32
      %dma_wait3A_187 = tpu.memref_slice %arg2[%dma_wait3A_181, %dma_wait3A_186] : memref<200x4096xi32, #tpu.memory_space<hbm>> -> memref<1x4096xi32, #tpu.memory_space<hbm>>
      %dma_wait3A_188 = tpu.memref_squeeze %dma_wait3A_187 : memref<1x4096xi32, #tpu.memory_space<hbm>> -> memref<4096xi32, #tpu.memory_space<hbm>>
      %dma_wait3A_189 = arith.constant 0 : i32
      %dma_wait3A_190 = tpu.memref_slice %arg6[%dma_wait3A_182, %dma_wait3A_189] : memref<2x4096xi32, #tpu.memory_space<vmem>> -> memref<1x4096xi32, #tpu.memory_space<vmem>>
      %dma_wait3A_191 = tpu.memref_squeeze %dma_wait3A_190 : memref<1x4096xi32, #tpu.memory_space<vmem>> -> memref<4096xi32, #tpu.memory_space<vmem>>
      %dma_wait3A_192 = arith.constant 0 : i32
      %dma_wait3A_193 = tpu.memref_slice %arg2[%dma_wait3A_181, %dma_wait3A_192] : memref<200x4096xi32, #tpu.memory_space<hbm>> -> memref<1x4096xi32, #tpu.memory_space<hbm>>
      %dma_wait3A_194 = tpu.memref_squeeze %dma_wait3A_193 : memref<1x4096xi32, #tpu.memory_space<hbm>> -> memref<4096xi32, #tpu.memory_space<hbm>>
      tpu.wait_dma2 semaphore(%arg8 : memref<!tpu.dma_semaphore, #tpu.memory_space<semaphore_mem>>) src(%dma_wait3A_194 : memref<4096xi32, #tpu.memory_space<hbm>>) dst(%dma_wait3A_191 : memref<4096xi32, #tpu.memory_space<vmem>>)
      %dma_wait3A_195 = arith.constant 0 : i32
      %dma_wait3A_196 = arith.constant 0 : i32
      %dma_wait3A_197 = arith.constant 0 : i32
      %dma_wait3A_198 = arith.constant 0 : i32
      %dma_wait3A_199 = tpu.memref_slice %arg7[%dma_wait3A_195, %dma_wait3A_197, %dma_wait3A_198] : memref<2x32x128xf32, #tpu.memory_space<vmem>> -> memref<1x32x128xf32, #tpu.memory_space<vmem>>
      %dma_wait3A_200 = tpu.memref_squeeze %dma_wait3A_199 : memref<1x32x128xf32, #tpu.memory_space<vmem>> -> memref<32x128xf32, #tpu.memory_space<vmem>>
      %dma_wait3A_201 = arith.constant 0 : i32
      %dma_wait3A_202 = arith.constant 0 : i32
      %dma_wait3A_203 = tpu.memref_slice %arg4[%dma_wait3A_201, %dma_wait3A_196, %dma_wait3A_202] : memref<51200x8x128xf32, #tpu.memory_space<hbm>> -> memref<32x1x128xf32, #tpu.memory_space<hbm>>
      %dma_wait3A_204 = tpu.memref_squeeze %dma_wait3A_203 : memref<32x1x128xf32, #tpu.memory_space<hbm>> -> memref<32x128xf32, #tpu.memory_space<hbm>>
      %dma_wait3A_205 = arith.constant 0 : i32
      %dma_wait3A_206 = arith.constant 0 : i32
      %dma_wait3A_207 = tpu.memref_slice %arg4[%dma_wait3A_205, %dma_wait3A_196, %dma_wait3A_206] : memref<51200x8x128xf32, #tpu.memory_space<hbm>> -> memref<32x1x128xf32, #tpu.memory_space<hbm>>
      %dma_wait3A_208 = tpu.memref_squeeze %dma_wait3A_207 : memref<32x1x128xf32, #tpu.memory_space<hbm>> -> memref<32x128xf32, #tpu.memory_space<hbm>>
      %dma_wait3A_209 = arith.constant 0 : i32
      %dma_wait3A_210 = arith.constant 0 : i32
      %dma_wait3A_211 = tpu.memref_slice %arg7[%dma_wait3A_195, %dma_wait3A_209, %dma_wait3A_210] : memref<2x32x128xf32, #tpu.memory_space<vmem>> -> memref<1x32x128xf32, #tpu.memory_space<vmem>>
      %dma_wait3A_212 = tpu.memref_squeeze %dma_wait3A_211 : memref<1x32x128xf32, #tpu.memory_space<vmem>> -> memref<32x128xf32, #tpu.memory_space<vmem>>
      tpu.wait_dma2 semaphore(%arg10 : memref<!tpu.dma_semaphore, #tpu.memory_space<semaphore_mem>>) src(%dma_wait3A_212 : memref<32x128xf32, #tpu.memory_space<vmem>>) dst(%dma_wait3A_208 : memref<32x128xf32, #tpu.memory_space<hbm>>)
      %scan3A_213 = arith.constant 0 : i32
      %scan3A_214 = arith.constant 0 : i32
      %scan3A_215 = arith.constant 16 : i32
      %scan3A_216 = arith.addi %scan3A_214, %scan3A_215 : i32
      %scan3A_217 = arith.constant 1 : i32
      scf.for %scan3A_340 = %scan3A_214 to %scan3A_216 step %scan3A_217  : i32 {
        %mul3A_341 = arith.constant 256 : i32
        %mul3A_342 = arith.muli %scan3A_340, %mul3A_341 : i32
        %add3A_343 = arith.constant 0 : i32
        %add3A_344 = arith.addi %mul3A_342, %add3A_343 : i32
        %get3A = arith.constant 0 : i32
        %get3A_345 = arith.constant 0 : i32
        %get3A_346 = tpu.memref_slice %arg6[%get3A, %get3A_345] : memref<2x4096xi32, #tpu.memory_space<vmem>> -> memref<1x4096xi32, #tpu.memory_space<vmem>>
        %get3A_347 = tpu.memref_squeeze %get3A_346 : memref<1x4096xi32, #tpu.memory_space<vmem>> -> memref<4096xi32, #tpu.memory_space<vmem>>
        %get3A_348 = arith.index_cast %add3A_344 : i32 to index
        %get3A_349 = tpu.vector_load %get3A_347[%get3A_348] {strides = array<i32>} : memref<4096xi32, #tpu.memory_space<vmem>>, vector<16xi32>,
        %add3A_350 = arith.constant 16 : i32
        %add3A_351 = arith.addi %mul3A_342, %add3A_350 : i32
        %get3A_352 = arith.constant 0 : i32
        %get3A_353 = arith.constant 0 : i32
        %get3A_354 = tpu.memref_slice %arg6[%get3A_352, %get3A_353] : memref<2x4096xi32, #tpu.memory_space<vmem>> -> memref<1x4096xi32, #tpu.memory_space<vmem>>
        %get3A_355 = tpu.memref_squeeze %get3A_354 : memref<1x4096xi32, #tpu.memory_space<vmem>> -> memref<4096xi32, #tpu.memory_space<vmem>>
        %get3A_356 = arith.index_cast %add3A_351 : i32 to index
        %get3A_357 = tpu.vector_load %get3A_355[%get3A_356] {strides = array<i32>} : memref<4096xi32, #tpu.memory_space<vmem>>, vector<16xi32>,
        %add3A_358 = arith.constant 32 : i32
        %add3A_359 = arith.addi %mul3A_342, %add3A_358 : i32
        %get3A_360 = arith.constant 0 : i32
        %get3A_361 = arith.constant 0 : i32
        %get3A_362 = tpu.memref_slice %arg6[%get3A_360, %get3A_361] : memref<2x4096xi32, #tpu.memory_space<vmem>> -> memref<1x4096xi32, #tpu.memory_space<vmem>>
        %get3A_363 = tpu.memref_squeeze %get3A_362 : memref<1x4096xi32, #tpu.memory_space<vmem>> -> memref<4096xi32, #tpu.memory_space<vmem>>
        %get3A_364 = arith.index_cast %add3A_359 : i32 to index
        %get3A_365 = tpu.vector_load %get3A_363[%get3A_364] {strides = array<i32>} : memref<4096xi32, #tpu.memory_space<vmem>>, vector<16xi32>,
        %add3A_366 = arith.constant 48 : i32
        %add3A_367 = arith.addi %mul3A_342, %add3A_366 : i32
        %get3A_368 = arith.constant 0 : i32
        %get3A_369 = arith.constant 0 : i32
        %get3A_370 = tpu.memref_slice %arg6[%get3A_368, %get3A_369] : memref<2x4096xi32, #tpu.memory_space<vmem>> -> memref<1x4096xi32, #tpu.memory_space<vmem>>
        %get3A_371 = tpu.memref_squeeze %get3A_370 : memref<1x4096xi32, #tpu.memory_space<vmem>> -> memref<4096xi32, #tpu.memory_space<vmem>>
        %get3A_372 = arith.index_cast %add3A_367 : i32 to index
        %get3A_373 = tpu.vector_load %get3A_371[%get3A_372] {strides = array<i32>} : memref<4096xi32, #tpu.memory_space<vmem>>, vector<16xi32>,
        %add3A_374 = arith.constant 64 : i32
        %add3A_375 = arith.addi %mul3A_342, %add3A_374 : i32
        %get3A_376 = arith.constant 0 : i32
        %get3A_377 = arith.constant 0 : i32
        %get3A_378 = tpu.memref_slice %arg6[%get3A_376, %get3A_377] : memref<2x4096xi32, #tpu.memory_space<vmem>> -> memref<1x4096xi32, #tpu.memory_space<vmem>>
        %get3A_379 = tpu.memref_squeeze %get3A_378 : memref<1x4096xi32, #tpu.memory_space<vmem>> -> memref<4096xi32, #tpu.memory_space<vmem>>
        %get3A_380 = arith.index_cast %add3A_375 : i32 to index
        %get3A_381 = tpu.vector_load %get3A_379[%get3A_380] {strides = array<i32>} : memref<4096xi32, #tpu.memory_space<vmem>>, vector<16xi32>,
        %add3A_382 = arith.constant 80 : i32
        %add3A_383 = arith.addi %mul3A_342, %add3A_382 : i32
        %get3A_384 = arith.constant 0 : i32
        %get3A_385 = arith.constant 0 : i32
        %get3A_386 = tpu.memref_slice %arg6[%get3A_384, %get3A_385] : memref<2x4096xi32, #tpu.memory_space<vmem>> -> memref<1x4096xi32, #tpu.memory_space<vmem>>
        %get3A_387 = tpu.memref_squeeze %get3A_386 : memref<1x4096xi32, #tpu.memory_space<vmem>> -> memref<4096xi32, #tpu.memory_space<vmem>>
        %get3A_388 = arith.index_cast %add3A_383 : i32 to index
        %get3A_389 = tpu.vector_load %get3A_387[%get3A_388] {strides = array<i32>} : memref<4096xi32, #tpu.memory_space<vmem>>, vector<16xi32>,
        %add3A_390 = arith.constant 96 : i32
        %add3A_391 = arith.addi %mul3A_342, %add3A_390 : i32
        %get3A_392 = arith.constant 0 : i32
        %get3A_393 = arith.constant 0 : i32
        %get3A_394 = tpu.memref_slice %arg6[%get3A_392, %get3A_393] : memref<2x4096xi32, #tpu.memory_space<vmem>> -> memref<1x4096xi32, #tpu.memory_space<vmem>>
        %get3A_395 = tpu.memref_squeeze %get3A_394 : memref<1x4096xi32, #tpu.memory_space<vmem>> -> memref<4096xi32, #tpu.memory_space<vmem>>
        %get3A_396 = arith.index_cast %add3A_391 : i32 to index
        %get3A_397 = tpu.vector_load %get3A_395[%get3A_396] {strides = array<i32>} : memref<4096xi32, #tpu.memory_space<vmem>>, vector<16xi32>,
        %add3A_398 = arith.constant 112 : i32
        %add3A_399 = arith.addi %mul3A_342, %add3A_398 : i32
        %get3A_400 = arith.constant 0 : i32
        %get3A_401 = arith.constant 0 : i32
        %get3A_402 = tpu.memref_slice %arg6[%get3A_400, %get3A_401] : memref<2x4096xi32, #tpu.memory_space<vmem>> -> memref<1x4096xi32, #tpu.memory_space<vmem>>
        %get3A_403 = tpu.memref_squeeze %get3A_402 : memref<1x4096xi32, #tpu.memory_space<vmem>> -> memref<4096xi32, #tpu.memory_space<vmem>>
        %get3A_404 = arith.index_cast %add3A_399 : i32 to index
        %get3A_405 = tpu.vector_load %get3A_403[%get3A_404] {strides = array<i32>} : memref<4096xi32, #tpu.memory_space<vmem>>, vector<16xi32>,
        %add3A_406 = arith.constant 128 : i32
        %add3A_407 = arith.addi %mul3A_342, %add3A_406 : i32
        %get3A_408 = arith.constant 0 : i32
        %get3A_409 = arith.constant 0 : i32
        %get3A_410 = tpu.memref_slice %arg6[%get3A_408, %get3A_409] : memref<2x4096xi32, #tpu.memory_space<vmem>> -> memref<1x4096xi32, #tpu.memory_space<vmem>>
        %get3A_411 = tpu.memref_squeeze %get3A_410 : memref<1x4096xi32, #tpu.memory_space<vmem>> -> memref<4096xi32, #tpu.memory_space<vmem>>
        %get3A_412 = arith.index_cast %add3A_407 : i32 to index
        %get3A_413 = tpu.vector_load %get3A_411[%get3A_412] {strides = array<i32>} : memref<4096xi32, #tpu.memory_space<vmem>>, vector<16xi32>,
        %add3A_414 = arith.constant 144 : i32
        %add3A_415 = arith.addi %mul3A_342, %add3A_414 : i32
        %get3A_416 = arith.constant 0 : i32
        %get3A_417 = arith.constant 0 : i32
        %get3A_418 = tpu.memref_slice %arg6[%get3A_416, %get3A_417] : memref<2x4096xi32, #tpu.memory_space<vmem>> -> memref<1x4096xi32, #tpu.memory_space<vmem>>
        %get3A_419 = tpu.memref_squeeze %get3A_418 : memref<1x4096xi32, #tpu.memory_space<vmem>> -> memref<4096xi32, #tpu.memory_space<vmem>>
        %get3A_420 = arith.index_cast %add3A_415 : i32 to index
        %get3A_421 = tpu.vector_load %get3A_419[%get3A_420] {strides = array<i32>} : memref<4096xi32, #tpu.memory_space<vmem>>, vector<16xi32>,
        %add3A_422 = arith.constant 160 : i32
        %add3A_423 = arith.addi %mul3A_342, %add3A_422 : i32
        %get3A_424 = arith.constant 0 : i32
        %get3A_425 = arith.constant 0 : i32
        %get3A_426 = tpu.memref_slice %arg6[%get3A_424, %get3A_425] : memref<2x4096xi32, #tpu.memory_space<vmem>> -> memref<1x4096xi32, #tpu.memory_space<vmem>>
        %get3A_427 = tpu.memref_squeeze %get3A_426 : memref<1x4096xi32, #tpu.memory_space<vmem>> -> memref<4096xi32, #tpu.memory_space<vmem>>
        %get3A_428 = arith.index_cast %add3A_423 : i32 to index
        %get3A_429 = tpu.vector_load %get3A_427[%get3A_428] {strides = array<i32>} : memref<4096xi32, #tpu.memory_space<vmem>>, vector<16xi32>,
        %add3A_430 = arith.constant 176 : i32
        %add3A_431 = arith.addi %mul3A_342, %add3A_430 : i32
        %get3A_432 = arith.constant 0 : i32
        %get3A_433 = arith.constant 0 : i32
        %get3A_434 = tpu.memref_slice %arg6[%get3A_432, %get3A_433] : memref<2x4096xi32, #tpu.memory_space<vmem>> -> memref<1x4096xi32, #tpu.memory_space<vmem>>
        %get3A_435 = tpu.memref_squeeze %get3A_434 : memref<1x4096xi32, #tpu.memory_space<vmem>> -> memref<4096xi32, #tpu.memory_space<vmem>>
        %get3A_436 = arith.index_cast %add3A_431 : i32 to index
        %get3A_437 = tpu.vector_load %get3A_435[%get3A_436] {strides = array<i32>} : memref<4096xi32, #tpu.memory_space<vmem>>, vector<16xi32>,
        %add3A_438 = arith.constant 192 : i32
        %add3A_439 = arith.addi %mul3A_342, %add3A_438 : i32
        %get3A_440 = arith.constant 0 : i32
        %get3A_441 = arith.constant 0 : i32
        %get3A_442 = tpu.memref_slice %arg6[%get3A_440, %get3A_441] : memref<2x4096xi32, #tpu.memory_space<vmem>> -> memref<1x4096xi32, #tpu.memory_space<vmem>>
        %get3A_443 = tpu.memref_squeeze %get3A_442 : memref<1x4096xi32, #tpu.memory_space<vmem>> -> memref<4096xi32, #tpu.memory_space<vmem>>
        %get3A_444 = arith.index_cast %add3A_439 : i32 to index
        %get3A_445 = tpu.vector_load %get3A_443[%get3A_444] {strides = array<i32>} : memref<4096xi32, #tpu.memory_space<vmem>>, vector<16xi32>,
        %add3A_446 = arith.constant 208 : i32
        %add3A_447 = arith.addi %mul3A_342, %add3A_446 : i32
        %get3A_448 = arith.constant 0 : i32
        %get3A_449 = arith.constant 0 : i32
        %get3A_450 = tpu.memref_slice %arg6[%get3A_448, %get3A_449] : memref<2x4096xi32, #tpu.memory_space<vmem>> -> memref<1x4096xi32, #tpu.memory_space<vmem>>
        %get3A_451 = tpu.memref_squeeze %get3A_450 : memref<1x4096xi32, #tpu.memory_space<vmem>> -> memref<4096xi32, #tpu.memory_space<vmem>>
        %get3A_452 = arith.index_cast %add3A_447 : i32 to index
        %get3A_453 = tpu.vector_load %get3A_451[%get3A_452] {strides = array<i32>} : memref<4096xi32, #tpu.memory_space<vmem>>, vector<16xi32>,
        %add3A_454 = arith.constant 224 : i32
        %add3A_455 = arith.addi %mul3A_342, %add3A_454 : i32
        %get3A_456 = arith.constant 0 : i32
        %get3A_457 = arith.constant 0 : i32
        %get3A_458 = tpu.memref_slice %arg6[%get3A_456, %get3A_457] : memref<2x4096xi32, #tpu.memory_space<vmem>> -> memref<1x4096xi32, #tpu.memory_space<vmem>>
        %get3A_459 = tpu.memref_squeeze %get3A_458 : memref<1x4096xi32, #tpu.memory_space<vmem>> -> memref<4096xi32, #tpu.memory_space<vmem>>
        %get3A_460 = arith.index_cast %add3A_455 : i32 to index
        %get3A_461 = tpu.vector_load %get3A_459[%get3A_460] {strides = array<i32>} : memref<4096xi32, #tpu.memory_space<vmem>>, vector<16xi32>,
        %add3A_462 = arith.constant 240 : i32
        %add3A_463 = arith.addi %mul3A_342, %add3A_462 : i32
        %get3A_464 = arith.constant 0 : i32
        %get3A_465 = arith.constant 0 : i32
        %get3A_466 = tpu.memref_slice %arg6[%get3A_464, %get3A_465] : memref<2x4096xi32, #tpu.memory_space<vmem>> -> memref<1x4096xi32, #tpu.memory_space<vmem>>
        %get3A_467 = tpu.memref_squeeze %get3A_466 : memref<1x4096xi32, #tpu.memory_space<vmem>> -> memref<4096xi32, #tpu.memory_space<vmem>>
        %get3A_468 = arith.index_cast %add3A_463 : i32 to index
        %get3A_469 = tpu.vector_load %get3A_467[%get3A_468] {strides = array<i32>} : memref<4096xi32, #tpu.memory_space<vmem>>, vector<16xi32>,
        %gather3A = tpu.vector_load_idx %arg5[%get3A_349] : memref<100352xf32, #tpu.memory_space<vmem>>[vector<16xi32>], vector<16xf32>,
        %gather3A_470 = tpu.vector_load_idx %arg5[%get3A_357] : memref<100352xf32, #tpu.memory_space<vmem>>[vector<16xi32>], vector<16xf32>,
        %gather3A_471 = tpu.vector_load_idx %arg5[%get3A_365] : memref<100352xf32, #tpu.memory_space<vmem>>[vector<16xi32>], vector<16xf32>,
        %gather3A_472 = tpu.vector_load_idx %arg5[%get3A_373] : memref<100352xf32, #tpu.memory_space<vmem>>[vector<16xi32>], vector<16xf32>,
        %gather3A_473 = tpu.vector_load_idx %arg5[%get3A_381] : memref<100352xf32, #tpu.memory_space<vmem>>[vector<16xi32>], vector<16xf32>,
        %gather3A_474 = tpu.vector_load_idx %arg5[%get3A_389] : memref<100352xf32, #tpu.memory_space<vmem>>[vector<16xi32>], vector<16xf32>,
        %gather3A_475 = tpu.vector_load_idx %arg5[%get3A_397] : memref<100352xf32, #tpu.memory_space<vmem>>[vector<16xi32>], vector<16xf32>,
        %gather3A_476 = tpu.vector_load_idx %arg5[%get3A_405] : memref<100352xf32, #tpu.memory_space<vmem>>[vector<16xi32>], vector<16xf32>,
        %gather3A_477 = tpu.vector_load_idx %arg5[%get3A_413] : memref<100352xf32, #tpu.memory_space<vmem>>[vector<16xi32>], vector<16xf32>,
        %gather3A_478 = tpu.vector_load_idx %arg5[%get3A_421] : memref<100352xf32, #tpu.memory_space<vmem>>[vector<16xi32>], vector<16xf32>,
        %gather3A_479 = tpu.vector_load_idx %arg5[%get3A_429] : memref<100352xf32, #tpu.memory_space<vmem>>[vector<16xi32>], vector<16xf32>,
        %gather3A_480 = tpu.vector_load_idx %arg5[%get3A_437] : memref<100352xf32, #tpu.memory_space<vmem>>[vector<16xi32>], vector<16xf32>,
        %gather3A_481 = tpu.vector_load_idx %arg5[%get3A_445] : memref<100352xf32, #tpu.memory_space<vmem>>[vector<16xi32>], vector<16xf32>,
        %gather3A_482 = tpu.vector_load_idx %arg5[%get3A_453] : memref<100352xf32, #tpu.memory_space<vmem>>[vector<16xi32>], vector<16xf32>,
        %gather3A_483 = tpu.vector_load_idx %arg5[%get3A_461] : memref<100352xf32, #tpu.memory_space<vmem>>[vector<16xi32>], vector<16xf32>,
        %gather3A_484 = tpu.vector_load_idx %arg5[%get3A_469] : memref<100352xf32, #tpu.memory_space<vmem>>[vector<16xi32>], vector<16xf32>,
        %mul3A_485 = arith.constant 2 : i32
        %mul3A_486 = arith.muli %scan3A_340, %mul3A_485 : i32
        %add3A_487 = arith.constant 0 : i32
        %add3A_488 = arith.addi %mul3A_486, %add3A_487 : i32
        %swap3A = arith.constant 0 : i32
        %swap3A_489 = arith.constant 0 : i32
        %swap3A_490 = arith.constant 0 : i32
        %swap3A_491 = tpu.memref_slice %arg7[%swap3A, %swap3A_489, %swap3A_490] : memref<2x32x128xf32, #tpu.memory_space<vmem>> -> memref<1x32x128xf32, #tpu.memory_space<vmem>>
        %swap3A_492 = tpu.memref_squeeze %swap3A_491 : memref<1x32x128xf32, #tpu.memory_space<vmem>> -> memref<32x128xf32, #tpu.memory_space<vmem>>
        %swap3A_493 = arith.constant 0 : i32
        %swap3A_494 = tpu.memref_slice %swap3A_492[%add3A_488, %swap3A_493] : memref<32x128xf32, #tpu.memory_space<vmem>> -> memref<1x128xf32, #tpu.memory_space<vmem>>
        %swap3A_495 = tpu.memref_squeeze %swap3A_494 : memref<1x128xf32, #tpu.memory_space<vmem>> -> memref<128xf32, #tpu.memory_space<vmem>>
        %swap3A_496 = arith.constant 0 : index
        %swap3A_497 = tpu.vector_load %swap3A_495[%swap3A_496] {strides = array<i32>} : memref<128xf32, #tpu.memory_space<vmem>>, vector<16xf32>,
        tpu.vector_store %swap3A_495[%swap3A_496], %gather3A {strides = array<i32>} : memref<128xf32, #tpu.memory_space<vmem>>, vector<16xf32>,
        %mul3A_498 = arith.constant 2 : i32
        %mul3A_499 = arith.muli %scan3A_340, %mul3A_498 : i32
        %add3A_500 = arith.constant 0 : i32
        %add3A_501 = arith.addi %mul3A_499, %add3A_500 : i32
        %swap3A_502 = arith.constant 0 : i32
        %swap3A_503 = arith.constant 0 : i32
        %swap3A_504 = arith.constant 0 : i32
        %swap3A_505 = tpu.memref_slice %arg7[%swap3A_502, %swap3A_503, %swap3A_504] : memref<2x32x128xf32, #tpu.memory_space<vmem>> -> memref<1x32x128xf32, #tpu.memory_space<vmem>>
        %swap3A_506 = tpu.memref_squeeze %swap3A_505 : memref<1x32x128xf32, #tpu.memory_space<vmem>> -> memref<32x128xf32, #tpu.memory_space<vmem>>
        %swap3A_507 = arith.constant 0 : i32
        %swap3A_508 = tpu.memref_slice %swap3A_506[%add3A_501, %swap3A_507] : memref<32x128xf32, #tpu.memory_space<vmem>> -> memref<1x128xf32, #tpu.memory_space<vmem>>
        %swap3A_509 = tpu.memref_squeeze %swap3A_508 : memref<1x128xf32, #tpu.memory_space<vmem>> -> memref<128xf32, #tpu.memory_space<vmem>>
        %swap3A_510 = arith.constant 16 : index
        %swap3A_511 = tpu.vector_load %swap3A_509[%swap3A_510] {strides = array<i32>} : memref<128xf32, #tpu.memory_space<vmem>>, vector<16xf32>,
        tpu.vector_store %swap3A_509[%swap3A_510], %gather3A_470 {strides = array<i32>} : memref<128xf32, #tpu.memory_space<vmem>>, vector<16xf32>,
        %mul3A_512 = arith.constant 2 : i32
        %mul3A_513 = arith.muli %scan3A_340, %mul3A_512 : i32
        %add3A_514 = arith.constant 0 : i32
        %add3A_515 = arith.addi %mul3A_513, %add3A_514 : i32
        %swap3A_516 = arith.constant 0 : i32
        %swap3A_517 = arith.constant 0 : i32
        %swap3A_518 = arith.constant 0 : i32
        %swap3A_519 = tpu.memref_slice %arg7[%swap3A_516, %swap3A_517, %swap3A_518] : memref<2x32x128xf32, #tpu.memory_space<vmem>> -> memref<1x32x128xf32, #tpu.memory_space<vmem>>
        %swap3A_520 = tpu.memref_squeeze %swap3A_519 : memref<1x32x128xf32, #tpu.memory_space<vmem>> -> memref<32x128xf32, #tpu.memory_space<vmem>>
        %swap3A_521 = arith.constant 0 : i32
        %swap3A_522 = tpu.memref_slice %swap3A_520[%add3A_515, %swap3A_521] : memref<32x128xf32, #tpu.memory_space<vmem>> -> memref<1x128xf32, #tpu.memory_space<vmem>>
        %swap3A_523 = tpu.memref_squeeze %swap3A_522 : memref<1x128xf32, #tpu.memory_space<vmem>> -> memref<128xf32, #tpu.memory_space<vmem>>
        %swap3A_524 = arith.constant 32 : index
        %swap3A_525 = tpu.vector_load %swap3A_523[%swap3A_524] {strides = array<i32>} : memref<128xf32, #tpu.memory_space<vmem>>, vector<16xf32>,
        tpu.vector_store %swap3A_523[%swap3A_524], %gather3A_471 {strides = array<i32>} : memref<128xf32, #tpu.memory_space<vmem>>, vector<16xf32>,
        %mul3A_526 = arith.constant 2 : i32
        %mul3A_527 = arith.muli %scan3A_340, %mul3A_526 : i32
        %add3A_528 = arith.constant 0 : i32
        %add3A_529 = arith.addi %mul3A_527, %add3A_528 : i32
        %swap3A_530 = arith.constant 0 : i32
        %swap3A_531 = arith.constant 0 : i32
        %swap3A_532 = arith.constant 0 : i32
        %swap3A_533 = tpu.memref_slice %arg7[%swap3A_530, %swap3A_531, %swap3A_532] : memref<2x32x128xf32, #tpu.memory_space<vmem>> -> memref<1x32x128xf32, #tpu.memory_space<vmem>>
        %swap3A_534 = tpu.memref_squeeze %swap3A_533 : memref<1x32x128xf32, #tpu.memory_space<vmem>> -> memref<32x128xf32, #tpu.memory_space<vmem>>
        %swap3A_535 = arith.constant 0 : i32
        %swap3A_536 = tpu.memref_slice %swap3A_534[%add3A_529, %swap3A_535] : memref<32x128xf32, #tpu.memory_space<vmem>> -> memref<1x128xf32, #tpu.memory_space<vmem>>
        %swap3A_537 = tpu.memref_squeeze %swap3A_536 : memref<1x128xf32, #tpu.memory_space<vmem>> -> memref<128xf32, #tpu.memory_space<vmem>>
        %swap3A_538 = arith.constant 48 : index
        %swap3A_539 = tpu.vector_load %swap3A_537[%swap3A_538] {strides = array<i32>} : memref<128xf32, #tpu.memory_space<vmem>>, vector<16xf32>,
        tpu.vector_store %swap3A_537[%swap3A_538], %gather3A_472 {strides = array<i32>} : memref<128xf32, #tpu.memory_space<vmem>>, vector<16xf32>,
        %mul3A_540 = arith.constant 2 : i32
        %mul3A_541 = arith.muli %scan3A_340, %mul3A_540 : i32
        %add3A_542 = arith.constant 0 : i32
        %add3A_543 = arith.addi %mul3A_541, %add3A_542 : i32
        %swap3A_544 = arith.constant 0 : i32
        %swap3A_545 = arith.constant 0 : i32
        %swap3A_546 = arith.constant 0 : i32
        %swap3A_547 = tpu.memref_slice %arg7[%swap3A_544, %swap3A_545, %swap3A_546] : memref<2x32x128xf32, #tpu.memory_space<vmem>> -> memref<1x32x128xf32, #tpu.memory_space<vmem>>
        %swap3A_548 = tpu.memref_squeeze %swap3A_547 : memref<1x32x128xf32, #tpu.memory_space<vmem>> -> memref<32x128xf32, #tpu.memory_space<vmem>>
        %swap3A_549 = arith.constant 0 : i32
        %swap3A_550 = tpu.memref_slice %swap3A_548[%add3A_543, %swap3A_549] : memref<32x128xf32, #tpu.memory_space<vmem>> -> memref<1x128xf32, #tpu.memory_space<vmem>>
        %swap3A_551 = tpu.memref_squeeze %swap3A_550 : memref<1x128xf32, #tpu.memory_space<vmem>> -> memref<128xf32, #tpu.memory_space<vmem>>
        %swap3A_552 = arith.constant 64 : index
        %swap3A_553 = tpu.vector_load %swap3A_551[%swap3A_552] {strides = array<i32>} : memref<128xf32, #tpu.memory_space<vmem>>, vector<16xf32>,
        tpu.vector_store %swap3A_551[%swap3A_552], %gather3A_473 {strides = array<i32>} : memref<128xf32, #tpu.memory_space<vmem>>, vector<16xf32>,
        %mul3A_554 = arith.constant 2 : i32
        %mul3A_555 = arith.muli %scan3A_340, %mul3A_554 : i32
        %add3A_556 = arith.constant 0 : i32
        %add3A_557 = arith.addi %mul3A_555, %add3A_556 : i32
        %swap3A_558 = arith.constant 0 : i32
        %swap3A_559 = arith.constant 0 : i32
        %swap3A_560 = arith.constant 0 : i32
        %swap3A_561 = tpu.memref_slice %arg7[%swap3A_558, %swap3A_559, %swap3A_560] : memref<2x32x128xf32, #tpu.memory_space<vmem>> -> memref<1x32x128xf32, #tpu.memory_space<vmem>>
        %swap3A_562 = tpu.memref_squeeze %swap3A_561 : memref<1x32x128xf32, #tpu.memory_space<vmem>> -> memref<32x128xf32, #tpu.memory_space<vmem>>
        %swap3A_563 = arith.constant 0 : i32
        %swap3A_564 = tpu.memref_slice %swap3A_562[%add3A_557, %swap3A_563] : memref<32x128xf32, #tpu.memory_space<vmem>> -> memref<1x128xf32, #tpu.memory_space<vmem>>
        %swap3A_565 = tpu.memref_squeeze %swap3A_564 : memref<1x128xf32, #tpu.memory_space<vmem>> -> memref<128xf32, #tpu.memory_space<vmem>>
        %swap3A_566 = arith.constant 80 : index
        %swap3A_567 = tpu.vector_load %swap3A_565[%swap3A_566] {strides = array<i32>} : memref<128xf32, #tpu.memory_space<vmem>>, vector<16xf32>,
        tpu.vector_store %swap3A_565[%swap3A_566], %gather3A_474 {strides = array<i32>} : memref<128xf32, #tpu.memory_space<vmem>>, vector<16xf32>,
        %mul3A_568 = arith.constant 2 : i32
        %mul3A_569 = arith.muli %scan3A_340, %mul3A_568 : i32
        %add3A_570 = arith.constant 0 : i32
        %add3A_571 = arith.addi %mul3A_569, %add3A_570 : i32
        %swap3A_572 = arith.constant 0 : i32
        %swap3A_573 = arith.constant 0 : i32
        %swap3A_574 = arith.constant 0 : i32
        %swap3A_575 = tpu.memref_slice %arg7[%swap3A_572, %swap3A_573, %swap3A_574] : memref<2x32x128xf32, #tpu.memory_space<vmem>> -> memref<1x32x128xf32, #tpu.memory_space<vmem>>
        %swap3A_576 = tpu.memref_squeeze %swap3A_575 : memref<1x32x128xf32, #tpu.memory_space<vmem>> -> memref<32x128xf32, #tpu.memory_space<vmem>>
        %swap3A_577 = arith.constant 0 : i32
        %swap3A_578 = tpu.memref_slice %swap3A_576[%add3A_571, %swap3A_577] : memref<32x128xf32, #tpu.memory_space<vmem>> -> memref<1x128xf32, #tpu.memory_space<vmem>>
        %swap3A_579 = tpu.memref_squeeze %swap3A_578 : memref<1x128xf32, #tpu.memory_space<vmem>> -> memref<128xf32, #tpu.memory_space<vmem>>
        %swap3A_580 = arith.constant 96 : index
        %swap3A_581 = tpu.vector_load %swap3A_579[%swap3A_580] {strides = array<i32>} : memref<128xf32, #tpu.memory_space<vmem>>, vector<16xf32>,
        tpu.vector_store %swap3A_579[%swap3A_580], %gather3A_475 {strides = array<i32>} : memref<128xf32, #tpu.memory_space<vmem>>, vector<16xf32>,
        %mul3A_582 = arith.constant 2 : i32
        %mul3A_583 = arith.muli %scan3A_340, %mul3A_582 : i32
        %add3A_584 = arith.constant 0 : i32
        %add3A_585 = arith.addi %mul3A_583, %add3A_584 : i32
        %swap3A_586 = arith.constant 0 : i32
        %swap3A_587 = arith.constant 0 : i32
        %swap3A_588 = arith.constant 0 : i32
        %swap3A_589 = tpu.memref_slice %arg7[%swap3A_586, %swap3A_587, %swap3A_588] : memref<2x32x128xf32, #tpu.memory_space<vmem>> -> memref<1x32x128xf32, #tpu.memory_space<vmem>>
        %swap3A_590 = tpu.memref_squeeze %swap3A_589 : memref<1x32x128xf32, #tpu.memory_space<vmem>> -> memref<32x128xf32, #tpu.memory_space<vmem>>
        %swap3A_591 = arith.constant 0 : i32
        %swap3A_592 = tpu.memref_slice %swap3A_590[%add3A_585, %swap3A_591] : memref<32x128xf32, #tpu.memory_space<vmem>> -> memref<1x128xf32, #tpu.memory_space<vmem>>
        %swap3A_593 = tpu.memref_squeeze %swap3A_592 : memref<1x128xf32, #tpu.memory_space<vmem>> -> memref<128xf32, #tpu.memory_space<vmem>>
        %swap3A_594 = arith.constant 112 : index
        %swap3A_595 = tpu.vector_load %swap3A_593[%swap3A_594] {strides = array<i32>} : memref<128xf32, #tpu.memory_space<vmem>>, vector<16xf32>,
        tpu.vector_store %swap3A_593[%swap3A_594], %gather3A_476 {strides = array<i32>} : memref<128xf32, #tpu.memory_space<vmem>>, vector<16xf32>,
        %mul3A_596 = arith.constant 2 : i32
        %mul3A_597 = arith.muli %scan3A_340, %mul3A_596 : i32
        %add3A_598 = arith.constant 1 : i32
        %add3A_599 = arith.addi %mul3A_597, %add3A_598 : i32
        %swap3A_600 = arith.constant 0 : i32
        %swap3A_601 = arith.constant 0 : i32
        %swap3A_602 = arith.constant 0 : i32
        %swap3A_603 = tpu.memref_slice %arg7[%swap3A_600, %swap3A_601, %swap3A_602] : memref<2x32x128xf32, #tpu.memory_space<vmem>> -> memref<1x32x128xf32, #tpu.memory_space<vmem>>
        %swap3A_604 = tpu.memref_squeeze %swap3A_603 : memref<1x32x128xf32, #tpu.memory_space<vmem>> -> memref<32x128xf32, #tpu.memory_space<vmem>>
        %swap3A_605 = arith.constant 0 : i32
        %swap3A_606 = tpu.memref_slice %swap3A_604[%add3A_599, %swap3A_605] : memref<32x128xf32, #tpu.memory_space<vmem>> -> memref<1x128xf32, #tpu.memory_space<vmem>>
        %swap3A_607 = tpu.memref_squeeze %swap3A_606 : memref<1x128xf32, #tpu.memory_space<vmem>> -> memref<128xf32, #tpu.memory_space<vmem>>
        %swap3A_608 = arith.constant 0 : index
        %swap3A_609 = tpu.vector_load %swap3A_607[%swap3A_608] {strides = array<i32>} : memref<128xf32, #tpu.memory_space<vmem>>, vector<16xf32>,
        tpu.vector_store %swap3A_607[%swap3A_608], %gather3A_477 {strides = array<i32>} : memref<128xf32, #tpu.memory_space<vmem>>, vector<16xf32>,
        %mul3A_610 = arith.constant 2 : i32
        %mul3A_611 = arith.muli %scan3A_340, %mul3A_610 : i32
        %add3A_612 = arith.constant 1 : i32
        %add3A_613 = arith.addi %mul3A_611, %add3A_612 : i32
        %swap3A_614 = arith.constant 0 : i32
        %swap3A_615 = arith.constant 0 : i32
        %swap3A_616 = arith.constant 0 : i32
        %swap3A_617 = tpu.memref_slice %arg7[%swap3A_614, %swap3A_615, %swap3A_616] : memref<2x32x128xf32, #tpu.memory_space<vmem>> -> memref<1x32x128xf32, #tpu.memory_space<vmem>>
        %swap3A_618 = tpu.memref_squeeze %swap3A_617 : memref<1x32x128xf32, #tpu.memory_space<vmem>> -> memref<32x128xf32, #tpu.memory_space<vmem>>
        %swap3A_619 = arith.constant 0 : i32
        %swap3A_620 = tpu.memref_slice %swap3A_618[%add3A_613, %swap3A_619] : memref<32x128xf32, #tpu.memory_space<vmem>> -> memref<1x128xf32, #tpu.memory_space<vmem>>
        %swap3A_621 = tpu.memref_squeeze %swap3A_620 : memref<1x128xf32, #tpu.memory_space<vmem>> -> memref<128xf32, #tpu.memory_space<vmem>>
        %swap3A_622 = arith.constant 16 : index
        %swap3A_623 = tpu.vector_load %swap3A_621[%swap3A_622] {strides = array<i32>} : memref<128xf32, #tpu.memory_space<vmem>>, vector<16xf32>,
        tpu.vector_store %swap3A_621[%swap3A_622], %gather3A_478 {strides = array<i32>} : memref<128xf32, #tpu.memory_space<vmem>>, vector<16xf32>,
        %mul3A_624 = arith.constant 2 : i32
        %mul3A_625 = arith.muli %scan3A_340, %mul3A_624 : i32
        %add3A_626 = arith.constant 1 : i32
        %add3A_627 = arith.addi %mul3A_625, %add3A_626 : i32
        %swap3A_628 = arith.constant 0 : i32
        %swap3A_629 = arith.constant 0 : i32
        %swap3A_630 = arith.constant 0 : i32
        %swap3A_631 = tpu.memref_slice %arg7[%swap3A_628, %swap3A_629, %swap3A_630] : memref<2x32x128xf32, #tpu.memory_space<vmem>> -> memref<1x32x128xf32, #tpu.memory_space<vmem>>
        %swap3A_632 = tpu.memref_squeeze %swap3A_631 : memref<1x32x128xf32, #tpu.memory_space<vmem>> -> memref<32x128xf32, #tpu.memory_space<vmem>>
        %swap3A_633 = arith.constant 0 : i32
        %swap3A_634 = tpu.memref_slice %swap3A_632[%add3A_627, %swap3A_633] : memref<32x128xf32, #tpu.memory_space<vmem>> -> memref<1x128xf32, #tpu.memory_space<vmem>>
        %swap3A_635 = tpu.memref_squeeze %swap3A_634 : memref<1x128xf32, #tpu.memory_space<vmem>> -> memref<128xf32, #tpu.memory_space<vmem>>
        %swap3A_636 = arith.constant 32 : index
        %swap3A_637 = tpu.vector_load %swap3A_635[%swap3A_636] {strides = array<i32>} : memref<128xf32, #tpu.memory_space<vmem>>, vector<16xf32>,
        tpu.vector_store %swap3A_635[%swap3A_636], %gather3A_479 {strides = array<i32>} : memref<128xf32, #tpu.memory_space<vmem>>, vector<16xf32>,
        %mul3A_638 = arith.constant 2 : i32
        %mul3A_639 = arith.muli %scan3A_340, %mul3A_638 : i32
        %add3A_640 = arith.constant 1 : i32
        %add3A_641 = arith.addi %mul3A_639, %add3A_640 : i32
        %swap3A_642 = arith.constant 0 : i32
        %swap3A_643 = arith.constant 0 : i32
        %swap3A_644 = arith.constant 0 : i32
        %swap3A_645 = tpu.memref_slice %arg7[%swap3A_642, %swap3A_643, %swap3A_644] : memref<2x32x128xf32, #tpu.memory_space<vmem>> -> memref<1x32x128xf32, #tpu.memory_space<vmem>>
        %swap3A_646 = tpu.memref_squeeze %swap3A_645 : memref<1x32x128xf32, #tpu.memory_space<vmem>> -> memref<32x128xf32, #tpu.memory_space<vmem>>
        %swap3A_647 = arith.constant 0 : i32
        %swap3A_648 = tpu.memref_slice %swap3A_646[%add3A_641, %swap3A_647] : memref<32x128xf32, #tpu.memory_space<vmem>> -> memref<1x128xf32, #tpu.memory_space<vmem>>
        %swap3A_649 = tpu.memref_squeeze %swap3A_648 : memref<1x128xf32, #tpu.memory_space<vmem>> -> memref<128xf32, #tpu.memory_space<vmem>>
        %swap3A_650 = arith.constant 48 : index
        %swap3A_651 = tpu.vector_load %swap3A_649[%swap3A_650] {strides = array<i32>} : memref<128xf32, #tpu.memory_space<vmem>>, vector<16xf32>,
        tpu.vector_store %swap3A_649[%swap3A_650], %gather3A_480 {strides = array<i32>} : memref<128xf32, #tpu.memory_space<vmem>>, vector<16xf32>,
        %mul3A_652 = arith.constant 2 : i32
        %mul3A_653 = arith.muli %scan3A_340, %mul3A_652 : i32
        %add3A_654 = arith.constant 1 : i32
        %add3A_655 = arith.addi %mul3A_653, %add3A_654 : i32
        %swap3A_656 = arith.constant 0 : i32
        %swap3A_657 = arith.constant 0 : i32
        %swap3A_658 = arith.constant 0 : i32
        %swap3A_659 = tpu.memref_slice %arg7[%swap3A_656, %swap3A_657, %swap3A_658] : memref<2x32x128xf32, #tpu.memory_space<vmem>> -> memref<1x32x128xf32, #tpu.memory_space<vmem>>
        %swap3A_660 = tpu.memref_squeeze %swap3A_659 : memref<1x32x128xf32, #tpu.memory_space<vmem>> -> memref<32x128xf32, #tpu.memory_space<vmem>>
        %swap3A_661 = arith.constant 0 : i32
        %swap3A_662 = tpu.memref_slice %swap3A_660[%add3A_655, %swap3A_661] : memref<32x128xf32, #tpu.memory_space<vmem>> -> memref<1x128xf32, #tpu.memory_space<vmem>>
        %swap3A_663 = tpu.memref_squeeze %swap3A_662 : memref<1x128xf32, #tpu.memory_space<vmem>> -> memref<128xf32, #tpu.memory_space<vmem>>
        %swap3A_664 = arith.constant 64 : index
        %swap3A_665 = tpu.vector_load %swap3A_663[%swap3A_664] {strides = array<i32>} : memref<128xf32, #tpu.memory_space<vmem>>, vector<16xf32>,
        tpu.vector_store %swap3A_663[%swap3A_664], %gather3A_481 {strides = array<i32>} : memref<128xf32, #tpu.memory_space<vmem>>, vector<16xf32>,
        %mul3A_666 = arith.constant 2 : i32
        %mul3A_667 = arith.muli %scan3A_340, %mul3A_666 : i32
        %add3A_668 = arith.constant 1 : i32
        %add3A_669 = arith.addi %mul3A_667, %add3A_668 : i32
        %swap3A_670 = arith.constant 0 : i32
        %swap3A_671 = arith.constant 0 : i32
        %swap3A_672 = arith.constant 0 : i32
        %swap3A_673 = tpu.memref_slice %arg7[%swap3A_670, %swap3A_671, %swap3A_672] : memref<2x32x128xf32, #tpu.memory_space<vmem>> -> memref<1x32x128xf32, #tpu.memory_space<vmem>>
        %swap3A_674 = tpu.memref_squeeze %swap3A_673 : memref<1x32x128xf32, #tpu.memory_space<vmem>> -> memref<32x128xf32, #tpu.memory_space<vmem>>
        %swap3A_675 = arith.constant 0 : i32
        %swap3A_676 = tpu.memref_slice %swap3A_674[%add3A_669, %swap3A_675] : memref<32x128xf32, #tpu.memory_space<vmem>> -> memref<1x128xf32, #tpu.memory_space<vmem>>
        %swap3A_677 = tpu.memref_squeeze %swap3A_676 : memref<1x128xf32, #tpu.memory_space<vmem>> -> memref<128xf32, #tpu.memory_space<vmem>>
        %swap3A_678 = arith.constant 80 : index
        %swap3A_679 = tpu.vector_load %swap3A_677[%swap3A_678] {strides = array<i32>} : memref<128xf32, #tpu.memory_space<vmem>>, vector<16xf32>,
        tpu.vector_store %swap3A_677[%swap3A_678], %gather3A_482 {strides = array<i32>} : memref<128xf32, #tpu.memory_space<vmem>>, vector<16xf32>,
        %mul3A_680 = arith.constant 2 : i32
        %mul3A_681 = arith.muli %scan3A_340, %mul3A_680 : i32
        %add3A_682 = arith.constant 1 : i32
        %add3A_683 = arith.addi %mul3A_681, %add3A_682 : i32
        %swap3A_684 = arith.constant 0 : i32
        %swap3A_685 = arith.constant 0 : i32
        %swap3A_686 = arith.constant 0 : i32
        %swap3A_687 = tpu.memref_slice %arg7[%swap3A_684, %swap3A_685, %swap3A_686] : memref<2x32x128xf32, #tpu.memory_space<vmem>> -> memref<1x32x128xf32, #tpu.memory_space<vmem>>
        %swap3A_688 = tpu.memref_squeeze %swap3A_687 : memref<1x32x128xf32, #tpu.memory_space<vmem>> -> memref<32x128xf32, #tpu.memory_space<vmem>>
        %swap3A_689 = arith.constant 0 : i32
        %swap3A_690 = tpu.memref_slice %swap3A_688[%add3A_683, %swap3A_689] : memref<32x128xf32, #tpu.memory_space<vmem>> -> memref<1x128xf32, #tpu.memory_space<vmem>>
        %swap3A_691 = tpu.memref_squeeze %swap3A_690 : memref<1x128xf32, #tpu.memory_space<vmem>> -> memref<128xf32, #tpu.memory_space<vmem>>
        %swap3A_692 = arith.constant 96 : index
        %swap3A_693 = tpu.vector_load %swap3A_691[%swap3A_692] {strides = array<i32>} : memref<128xf32, #tpu.memory_space<vmem>>, vector<16xf32>,
        tpu.vector_store %swap3A_691[%swap3A_692], %gather3A_483 {strides = array<i32>} : memref<128xf32, #tpu.memory_space<vmem>>, vector<16xf32>,
        %mul3A_694 = arith.constant 2 : i32
        %mul3A_695 = arith.muli %scan3A_340, %mul3A_694 : i32
        %add3A_696 = arith.constant 1 : i32
        %add3A_697 = arith.addi %mul3A_695, %add3A_696 : i32
        %swap3A_698 = arith.constant 0 : i32
        %swap3A_699 = arith.constant 0 : i32
        %swap3A_700 = arith.constant 0 : i32
        %swap3A_701 = tpu.memref_slice %arg7[%swap3A_698, %swap3A_699, %swap3A_700] : memref<2x32x128xf32, #tpu.memory_space<vmem>> -> memref<1x32x128xf32, #tpu.memory_space<vmem>>
        %swap3A_702 = tpu.memref_squeeze %swap3A_701 : memref<1x32x128xf32, #tpu.memory_space<vmem>> -> memref<32x128xf32, #tpu.memory_space<vmem>>
        %swap3A_703 = arith.constant 0 : i32
        %swap3A_704 = tpu.memref_slice %swap3A_702[%add3A_697, %swap3A_703] : memref<32x128xf32, #tpu.memory_space<vmem>> -> memref<1x128xf32, #tpu.memory_space<vmem>>
        %swap3A_705 = tpu.memref_squeeze %swap3A_704 : memref<1x128xf32, #tpu.memory_space<vmem>> -> memref<128xf32, #tpu.memory_space<vmem>>
        %swap3A_706 = arith.constant 112 : index
        %swap3A_707 = tpu.vector_load %swap3A_705[%swap3A_706] {strides = array<i32>} : memref<128xf32, #tpu.memory_space<vmem>>, vector<16xf32>,
        tpu.vector_store %swap3A_705[%swap3A_706], %gather3A_484 {strides = array<i32>} : memref<128xf32, #tpu.memory_space<vmem>>, vector<16xf32>,
      }
      %scan3A_218 = arith.constant 16 : i32
      %mul3A_219 = arith.constant 8 : i32
      %mul3A_220 = arith.muli %add3A_180, %mul3A_219 : i32
      %add3A_221 = arith.addi %mul3A_220, %select_n3A_90 : i32
      %mul3A_222 = arith.constant 32 : i32
      %mul3A_223 = arith.muli %add3A_221, %mul3A_222 : i32
      %dma_start3A_224 = arith.constant 0 : i32
      %dma_start3A_225 = arith.constant 0 : i32
      %dma_start3A_226 = arith.constant 0 : i32
      %dma_start3A_227 = tpu.memref_slice %arg7[%dma_start3A_224, %dma_start3A_225, %dma_start3A_226] : memref<2x32x128xf32, #tpu.memory_space<vmem>> -> memref<1x32x128xf32, #tpu.memory_space<vmem>>
      %dma_start3A_228 = tpu.memref_squeeze %dma_start3A_227 : memref<1x32x128xf32, #tpu.memory_space<vmem>> -> memref<32x128xf32, #tpu.memory_space<vmem>>
      %dma_start3A_229 = arith.constant 0 : i32
      %dma_start3A_230 = tpu.memref_slice %arg4[%mul3A_223, %select_n3A_106, %dma_start3A_229] : memref<51200x8x128xf32, #tpu.memory_space<hbm>> -> memref<32x1x128xf32, #tpu.memory_space<hbm>>
      %dma_start3A_231 = tpu.memref_squeeze %dma_start3A_230 : memref<32x1x128xf32, #tpu.memory_space<hbm>> -> memref<32x128xf32, #tpu.memory_space<hbm>>
      %dma_start3A_232 = arith.constant 0 : i32
      %dma_start3A_233 = tpu.memref_slice %arg4[%mul3A_223, %select_n3A_106, %dma_start3A_232] : memref<51200x8x128xf32, #tpu.memory_space<hbm>> -> memref<32x1x128xf32, #tpu.memory_space<hbm>>
      %dma_start3A_234 = tpu.memref_squeeze %dma_start3A_233 : memref<32x1x128xf32, #tpu.memory_space<hbm>> -> memref<32x128xf32, #tpu.memory_space<hbm>>
      %dma_start3A_235 = arith.constant 0 : i32
      %dma_start3A_236 = arith.constant 0 : i32
      %dma_start3A_237 = tpu.memref_slice %arg7[%dma_start3A_224, %dma_start3A_235, %dma_start3A_236] : memref<2x32x128xf32, #tpu.memory_space<vmem>> -> memref<1x32x128xf32, #tpu.memory_space<vmem>>
      %dma_start3A_238 = tpu.memref_squeeze %dma_start3A_237 : memref<1x32x128xf32, #tpu.memory_space<vmem>> -> memref<32x128xf32, #tpu.memory_space<vmem>>
      tpu.enqueue_dma source(%dma_start3A_238 : memref<32x128xf32, #tpu.memory_space<vmem>>) target(%dma_start3A_234 : memref<32x128xf32, #tpu.memory_space<hbm>>) target_semaphore(%arg10 : memref<!tpu.dma_semaphore, #tpu.memory_space<semaphore_mem>>)
      %add3A_239 = arith.constant 2 : i32
      %add3A_240 = arith.addi %add3A_180, %add3A_239 : i32
      %ge3A = arith.constant 200 : i32
      %ge3A_241 = arith.cmpi sge, %add3A_240, %ge3A : i32
      %sub3A_242 = arith.constant 200 : i32
      %sub3A_243 = arith.subi %add3A_240, %sub3A_242 : i32
      %select_n3A_244 = arith.select %ge3A_241, %sub3A_243, %add3A_240 : i32
      %dma_start3A_245 = arith.constant 0 : i32
      %dma_start3A_246 = arith.constant 0 : i32
      %dma_start3A_247 = tpu.memref_slice %arg6[%dma_start3A_245, %dma_start3A_246] : memref<2x4096xi32, #tpu.memory_space<vmem>> -> memref<1x4096xi32, #tpu.memory_space<vmem>>
      %dma_start3A_248 = tpu.memref_squeeze %dma_start3A_247 : memref<1x4096xi32, #tpu.memory_space<vmem>> -> memref<4096xi32, #tpu.memory_space<vmem>>
      %dma_start3A_249 = arith.constant 0 : i32
      %dma_start3A_250 = tpu.memref_slice %arg2[%select_n3A_244, %dma_start3A_249] : memref<200x4096xi32, #tpu.memory_space<hbm>> -> memref<1x4096xi32, #tpu.memory_space<hbm>>
      %dma_start3A_251 = tpu.memref_squeeze %dma_start3A_250 : memref<1x4096xi32, #tpu.memory_space<hbm>> -> memref<4096xi32, #tpu.memory_space<hbm>>
      %dma_start3A_252 = arith.constant 0 : i32
      %dma_start3A_253 = tpu.memref_slice %arg6[%dma_start3A_245, %dma_start3A_252] : memref<2x4096xi32, #tpu.memory_space<vmem>> -> memref<1x4096xi32, #tpu.memory_space<vmem>>
      %dma_start3A_254 = tpu.memref_squeeze %dma_start3A_253 : memref<1x4096xi32, #tpu.memory_space<vmem>> -> memref<4096xi32, #tpu.memory_space<vmem>>
      %dma_start3A_255 = arith.constant 0 : i32
      %dma_start3A_256 = tpu.memref_slice %arg2[%select_n3A_244, %dma_start3A_255] : memref<200x4096xi32, #tpu.memory_space<hbm>> -> memref<1x4096xi32, #tpu.memory_space<hbm>>
      %dma_start3A_257 = tpu.memref_squeeze %dma_start3A_256 : memref<1x4096xi32, #tpu.memory_space<hbm>> -> memref<4096xi32, #tpu.memory_space<hbm>>
      tpu.enqueue_dma source(%dma_start3A_257 : memref<4096xi32, #tpu.memory_space<hbm>>) target(%dma_start3A_254 : memref<4096xi32, #tpu.memory_space<vmem>>) target_semaphore(%arg8 : memref<!tpu.dma_semaphore, #tpu.memory_space<semaphore_mem>>)
      %mul3A_258 = arith.constant 2 : i32
      %mul3A_259 = arith.muli %mul3A_258, %scan3A_176 : i32
      %add3A_260 = arith.constant 1 : i32
      %add3A_261 = arith.addi %mul3A_259, %add3A_260 : i32
      %dma_wait3A_262 = arith.constant 0 : i32
      %dma_wait3A_263 = arith.constant 1 : i32
      %dma_wait3A_264 = arith.constant 0 : i32
      %dma_wait3A_265 = tpu.memref_slice %arg6[%dma_wait3A_263, %dma_wait3A_264] : memref<2x4096xi32, #tpu.memory_space<vmem>> -> memref<1x4096xi32, #tpu.memory_space<vmem>>
      %dma_wait3A_266 = tpu.memref_squeeze %dma_wait3A_265 : memref<1x4096xi32, #tpu.memory_space<vmem>> -> memref<4096xi32, #tpu.memory_space<vmem>>
      %dma_wait3A_267 = arith.constant 0 : i32
      %dma_wait3A_268 = tpu.memref_slice %arg2[%dma_wait3A_262, %dma_wait3A_267] : memref<200x4096xi32, #tpu.memory_space<hbm>> -> memref<1x4096xi32, #tpu.memory_space<hbm>>
      %dma_wait3A_269 = tpu.memref_squeeze %dma_wait3A_268 : memref<1x4096xi32, #tpu.memory_space<hbm>> -> memref<4096xi32, #tpu.memory_space<hbm>>
      %dma_wait3A_270 = arith.constant 0 : i32
      %dma_wait3A_271 = tpu.memref_slice %arg6[%dma_wait3A_263, %dma_wait3A_270] : memref<2x4096xi32, #tpu.memory_space<vmem>> -> memref<1x4096xi32, #tpu.memory_space<vmem>>
      %dma_wait3A_272 = tpu.memref_squeeze %dma_wait3A_271 : memref<1x4096xi32, #tpu.memory_space<vmem>> -> memref<4096xi32, #tpu.memory_space<vmem>>
      %dma_wait3A_273 = arith.constant 0 : i32
      %dma_wait3A_274 = tpu.memref_slice %arg2[%dma_wait3A_262, %dma_wait3A_273] : memref<200x4096xi32, #tpu.memory_space<hbm>> -> memref<1x4096xi32, #tpu.memory_space<hbm>>
      %dma_wait3A_275 = tpu.memref_squeeze %dma_wait3A_274 : memref<1x4096xi32, #tpu.memory_space<hbm>> -> memref<4096xi32, #tpu.memory_space<hbm>>
      tpu.wait_dma2 semaphore(%arg9 : memref<!tpu.dma_semaphore, #tpu.memory_space<semaphore_mem>>) src(%dma_wait3A_275 : memref<4096xi32, #tpu.memory_space<hbm>>) dst(%dma_wait3A_272 : memref<4096xi32, #tpu.memory_space<vmem>>)
      %dma_wait3A_276 = arith.constant 1 : i32
      %dma_wait3A_277 = arith.constant 0 : i32
      %dma_wait3A_278 = arith.constant 0 : i32
      %dma_wait3A_279 = arith.constant 0 : i32
      %dma_wait3A_280 = tpu.memref_slice %arg7[%dma_wait3A_276, %dma_wait3A_278, %dma_wait3A_279] : memref<2x32x128xf32, #tpu.memory_space<vmem>> -> memref<1x32x128xf32, #tpu.memory_space<vmem>>
      %dma_wait3A_281 = tpu.memref_squeeze %dma_wait3A_280 : memref<1x32x128xf32, #tpu.memory_space<vmem>> -> memref<32x128xf32, #tpu.memory_space<vmem>>
      %dma_wait3A_282 = arith.constant 0 : i32
      %dma_wait3A_283 = arith.constant 0 : i32
      %dma_wait3A_284 = tpu.memref_slice %arg4[%dma_wait3A_282, %dma_wait3A_277, %dma_wait3A_283] : memref<51200x8x128xf32, #tpu.memory_space<hbm>> -> memref<32x1x128xf32, #tpu.memory_space<hbm>>
      %dma_wait3A_285 = tpu.memref_squeeze %dma_wait3A_284 : memref<32x1x128xf32, #tpu.memory_space<hbm>> -> memref<32x128xf32, #tpu.memory_space<hbm>>
      %dma_wait3A_286 = arith.constant 0 : i32
      %dma_wait3A_287 = arith.constant 0 : i32
      %dma_wait3A_288 = tpu.memref_slice %arg4[%dma_wait3A_286, %dma_wait3A_277, %dma_wait3A_287] : memref<51200x8x128xf32, #tpu.memory_space<hbm>> -> memref<32x1x128xf32, #tpu.memory_space<hbm>>
      %dma_wait3A_289 = tpu.memref_squeeze %dma_wait3A_288 : memref<32x1x128xf32, #tpu.memory_space<hbm>> -> memref<32x128xf32, #tpu.memory_space<hbm>>
      %dma_wait3A_290 = arith.constant 0 : i32
      %dma_wait3A_291 = arith.constant 0 : i32
      %dma_wait3A_292 = tpu.memref_slice %arg7[%dma_wait3A_276, %dma_wait3A_290, %dma_wait3A_291] : memref<2x32x128xf32, #tpu.memory_space<vmem>> -> memref<1x32x128xf32, #tpu.memory_space<vmem>>
      %dma_wait3A_293 = tpu.memref_squeeze %dma_wait3A_292 : memref<1x32x128xf32, #tpu.memory_space<vmem>> -> memref<32x128xf32, #tpu.memory_space<vmem>>
      tpu.wait_dma2 semaphore(%arg11 : memref<!tpu.dma_semaphore, #tpu.memory_space<semaphore_mem>>) src(%dma_wait3A_293 : memref<32x128xf32, #tpu.memory_space<vmem>>) dst(%dma_wait3A_289 : memref<32x128xf32, #tpu.memory_space<hbm>>)
      %scan3A_294 = arith.constant 0 : i32
      %scan3A_295 = arith.constant 0 : i32
      %scan3A_296 = arith.constant 16 : i32
      %scan3A_297 = arith.addi %scan3A_295, %scan3A_296 : i32
      %scan3A_298 = arith.constant 1 : i32
      scf.for %scan3A_340 = %scan3A_295 to %scan3A_297 step %scan3A_298  : i32 {
        %mul3A_341 = arith.constant 256 : i32
        %mul3A_342 = arith.muli %scan3A_340, %mul3A_341 : i32
        %add3A_343 = arith.constant 0 : i32
        %add3A_344 = arith.addi %mul3A_342, %add3A_343 : i32
        %get3A = arith.constant 1 : i32
        %get3A_345 = arith.constant 0 : i32
        %get3A_346 = tpu.memref_slice %arg6[%get3A, %get3A_345] : memref<2x4096xi32, #tpu.memory_space<vmem>> -> memref<1x4096xi32, #tpu.memory_space<vmem>>
        %get3A_347 = tpu.memref_squeeze %get3A_346 : memref<1x4096xi32, #tpu.memory_space<vmem>> -> memref<4096xi32, #tpu.memory_space<vmem>>
        %get3A_348 = arith.index_cast %add3A_344 : i32 to index
        %get3A_349 = tpu.vector_load %get3A_347[%get3A_348] {strides = array<i32>} : memref<4096xi32, #tpu.memory_space<vmem>>, vector<16xi32>,
        %add3A_350 = arith.constant 16 : i32
        %add3A_351 = arith.addi %mul3A_342, %add3A_350 : i32
        %get3A_352 = arith.constant 1 : i32
        %get3A_353 = arith.constant 0 : i32
        %get3A_354 = tpu.memref_slice %arg6[%get3A_352, %get3A_353] : memref<2x4096xi32, #tpu.memory_space<vmem>> -> memref<1x4096xi32, #tpu.memory_space<vmem>>
        %get3A_355 = tpu.memref_squeeze %get3A_354 : memref<1x4096xi32, #tpu.memory_space<vmem>> -> memref<4096xi32, #tpu.memory_space<vmem>>
        %get3A_356 = arith.index_cast %add3A_351 : i32 to index
        %get3A_357 = tpu.vector_load %get3A_355[%get3A_356] {strides = array<i32>} : memref<4096xi32, #tpu.memory_space<vmem>>, vector<16xi32>,
        %add3A_358 = arith.constant 32 : i32
        %add3A_359 = arith.addi %mul3A_342, %add3A_358 : i32
        %get3A_360 = arith.constant 1 : i32
        %get3A_361 = arith.constant 0 : i32
        %get3A_362 = tpu.memref_slice %arg6[%get3A_360, %get3A_361] : memref<2x4096xi32, #tpu.memory_space<vmem>> -> memref<1x4096xi32, #tpu.memory_space<vmem>>
        %get3A_363 = tpu.memref_squeeze %get3A_362 : memref<1x4096xi32, #tpu.memory_space<vmem>> -> memref<4096xi32, #tpu.memory_space<vmem>>
        %get3A_364 = arith.index_cast %add3A_359 : i32 to index
        %get3A_365 = tpu.vector_load %get3A_363[%get3A_364] {strides = array<i32>} : memref<4096xi32, #tpu.memory_space<vmem>>, vector<16xi32>,
        %add3A_366 = arith.constant 48 : i32
        %add3A_367 = arith.addi %mul3A_342, %add3A_366 : i32
        %get3A_368 = arith.constant 1 : i32
        %get3A_369 = arith.constant 0 : i32
        %get3A_370 = tpu.memref_slice %arg6[%get3A_368, %get3A_369] : memref<2x4096xi32, #tpu.memory_space<vmem>> -> memref<1x4096xi32, #tpu.memory_space<vmem>>
        %get3A_371 = tpu.memref_squeeze %get3A_370 : memref<1x4096xi32, #tpu.memory_space<vmem>> -> memref<4096xi32, #tpu.memory_space<vmem>>
        %get3A_372 = arith.index_cast %add3A_367 : i32 to index
        %get3A_373 = tpu.vector_load %get3A_371[%get3A_372] {strides = array<i32>} : memref<4096xi32, #tpu.memory_space<vmem>>, vector<16xi32>,
        %add3A_374 = arith.constant 64 : i32
        %add3A_375 = arith.addi %mul3A_342, %add3A_374 : i32
        %get3A_376 = arith.constant 1 : i32
        %get3A_377 = arith.constant 0 : i32
        %get3A_378 = tpu.memref_slice %arg6[%get3A_376, %get3A_377] : memref<2x4096xi32, #tpu.memory_space<vmem>> -> memref<1x4096xi32, #tpu.memory_space<vmem>>
        %get3A_379 = tpu.memref_squeeze %get3A_378 : memref<1x4096xi32, #tpu.memory_space<vmem>> -> memref<4096xi32, #tpu.memory_space<vmem>>
        %get3A_380 = arith.index_cast %add3A_375 : i32 to index
        %get3A_381 = tpu.vector_load %get3A_379[%get3A_380] {strides = array<i32>} : memref<4096xi32, #tpu.memory_space<vmem>>, vector<16xi32>,
        %add3A_382 = arith.constant 80 : i32
        %add3A_383 = arith.addi %mul3A_342, %add3A_382 : i32
        %get3A_384 = arith.constant 1 : i32
        %get3A_385 = arith.constant 0 : i32
        %get3A_386 = tpu.memref_slice %arg6[%get3A_384, %get3A_385] : memref<2x4096xi32, #tpu.memory_space<vmem>> -> memref<1x4096xi32, #tpu.memory_space<vmem>>
        %get3A_387 = tpu.memref_squeeze %get3A_386 : memref<1x4096xi32, #tpu.memory_space<vmem>> -> memref<4096xi32, #tpu.memory_space<vmem>>
        %get3A_388 = arith.index_cast %add3A_383 : i32 to index
        %get3A_389 = tpu.vector_load %get3A_387[%get3A_388] {strides = array<i32>} : memref<4096xi32, #tpu.memory_space<vmem>>, vector<16xi32>,
        %add3A_390 = arith.constant 96 : i32
        %add3A_391 = arith.addi %mul3A_342, %add3A_390 : i32
        %get3A_392 = arith.constant 1 : i32
        %get3A_393 = arith.constant 0 : i32
        %get3A_394 = tpu.memref_slice %arg6[%get3A_392, %get3A_393] : memref<2x4096xi32, #tpu.memory_space<vmem>> -> memref<1x4096xi32, #tpu.memory_space<vmem>>
        %get3A_395 = tpu.memref_squeeze %get3A_394 : memref<1x4096xi32, #tpu.memory_space<vmem>> -> memref<4096xi32, #tpu.memory_space<vmem>>
        %get3A_396 = arith.index_cast %add3A_391 : i32 to index
        %get3A_397 = tpu.vector_load %get3A_395[%get3A_396] {strides = array<i32>} : memref<4096xi32, #tpu.memory_space<vmem>>, vector<16xi32>,
        %add3A_398 = arith.constant 112 : i32
        %add3A_399 = arith.addi %mul3A_342, %add3A_398 : i32
        %get3A_400 = arith.constant 1 : i32
        %get3A_401 = arith.constant 0 : i32
        %get3A_402 = tpu.memref_slice %arg6[%get3A_400, %get3A_401] : memref<2x4096xi32, #tpu.memory_space<vmem>> -> memref<1x4096xi32, #tpu.memory_space<vmem>>
        %get3A_403 = tpu.memref_squeeze %get3A_402 : memref<1x4096xi32, #tpu.memory_space<vmem>> -> memref<4096xi32, #tpu.memory_space<vmem>>
        %get3A_404 = arith.index_cast %add3A_399 : i32 to index
        %get3A_405 = tpu.vector_load %get3A_403[%get3A_404] {strides = array<i32>} : memref<4096xi32, #tpu.memory_space<vmem>>, vector<16xi32>,
        %add3A_406 = arith.constant 128 : i32
        %add3A_407 = arith.addi %mul3A_342, %add3A_406 : i32
        %get3A_408 = arith.constant 1 : i32
        %get3A_409 = arith.constant 0 : i32
        %get3A_410 = tpu.memref_slice %arg6[%get3A_408, %get3A_409] : memref<2x4096xi32, #tpu.memory_space<vmem>> -> memref<1x4096xi32, #tpu.memory_space<vmem>>
        %get3A_411 = tpu.memref_squeeze %get3A_410 : memref<1x4096xi32, #tpu.memory_space<vmem>> -> memref<4096xi32, #tpu.memory_space<vmem>>
        %get3A_412 = arith.index_cast %add3A_407 : i32 to index
        %get3A_413 = tpu.vector_load %get3A_411[%get3A_412] {strides = array<i32>} : memref<4096xi32, #tpu.memory_space<vmem>>, vector<16xi32>,
        %add3A_414 = arith.constant 144 : i32
        %add3A_415 = arith.addi %mul3A_342, %add3A_414 : i32
        %get3A_416 = arith.constant 1 : i32
        %get3A_417 = arith.constant 0 : i32
        %get3A_418 = tpu.memref_slice %arg6[%get3A_416, %get3A_417] : memref<2x4096xi32, #tpu.memory_space<vmem>> -> memref<1x4096xi32, #tpu.memory_space<vmem>>
        %get3A_419 = tpu.memref_squeeze %get3A_418 : memref<1x4096xi32, #tpu.memory_space<vmem>> -> memref<4096xi32, #tpu.memory_space<vmem>>
        %get3A_420 = arith.index_cast %add3A_415 : i32 to index
        %get3A_421 = tpu.vector_load %get3A_419[%get3A_420] {strides = array<i32>} : memref<4096xi32, #tpu.memory_space<vmem>>, vector<16xi32>,
        %add3A_422 = arith.constant 160 : i32
        %add3A_423 = arith.addi %mul3A_342, %add3A_422 : i32
        %get3A_424 = arith.constant 1 : i32
        %get3A_425 = arith.constant 0 : i32
        %get3A_426 = tpu.memref_slice %arg6[%get3A_424, %get3A_425] : memref<2x4096xi32, #tpu.memory_space<vmem>> -> memref<1x4096xi32, #tpu.memory_space<vmem>>
        %get3A_427 = tpu.memref_squeeze %get3A_426 : memref<1x4096xi32, #tpu.memory_space<vmem>> -> memref<4096xi32, #tpu.memory_space<vmem>>
        %get3A_428 = arith.index_cast %add3A_423 : i32 to index
        %get3A_429 = tpu.vector_load %get3A_427[%get3A_428] {strides = array<i32>} : memref<4096xi32, #tpu.memory_space<vmem>>, vector<16xi32>,
        %add3A_430 = arith.constant 176 : i32
        %add3A_431 = arith.addi %mul3A_342, %add3A_430 : i32
        %get3A_432 = arith.constant 1 : i32
        %get3A_433 = arith.constant 0 : i32
        %get3A_434 = tpu.memref_slice %arg6[%get3A_432, %get3A_433] : memref<2x4096xi32, #tpu.memory_space<vmem>> -> memref<1x4096xi32, #tpu.memory_space<vmem>>
        %get3A_435 = tpu.memref_squeeze %get3A_434 : memref<1x4096xi32, #tpu.memory_space<vmem>> -> memref<4096xi32, #tpu.memory_space<vmem>>
        %get3A_436 = arith.index_cast %add3A_431 : i32 to index
        %get3A_437 = tpu.vector_load %get3A_435[%get3A_436] {strides = array<i32>} : memref<4096xi32, #tpu.memory_space<vmem>>, vector<16xi32>,
        %add3A_438 = arith.constant 192 : i32
        %add3A_439 = arith.addi %mul3A_342, %add3A_438 : i32
        %get3A_440 = arith.constant 1 : i32
        %get3A_441 = arith.constant 0 : i32
        %get3A_442 = tpu.memref_slice %arg6[%get3A_440, %get3A_441] : memref<2x4096xi32, #tpu.memory_space<vmem>> -> memref<1x4096xi32, #tpu.memory_space<vmem>>
        %get3A_443 = tpu.memref_squeeze %get3A_442 : memref<1x4096xi32, #tpu.memory_space<vmem>> -> memref<4096xi32, #tpu.memory_space<vmem>>
        %get3A_444 = arith.index_cast %add3A_439 : i32 to index
        %get3A_445 = tpu.vector_load %get3A_443[%get3A_444] {strides = array<i32>} : memref<4096xi32, #tpu.memory_space<vmem>>, vector<16xi32>,
        %add3A_446 = arith.constant 208 : i32
        %add3A_447 = arith.addi %mul3A_342, %add3A_446 : i32
        %get3A_448 = arith.constant 1 : i32
        %get3A_449 = arith.constant 0 : i32
        %get3A_450 = tpu.memref_slice %arg6[%get3A_448, %get3A_449] : memref<2x4096xi32, #tpu.memory_space<vmem>> -> memref<1x4096xi32, #tpu.memory_space<vmem>>
        %get3A_451 = tpu.memref_squeeze %get3A_450 : memref<1x4096xi32, #tpu.memory_space<vmem>> -> memref<4096xi32, #tpu.memory_space<vmem>>
        %get3A_452 = arith.index_cast %add3A_447 : i32 to index
        %get3A_453 = tpu.vector_load %get3A_451[%get3A_452] {strides = array<i32>} : memref<4096xi32, #tpu.memory_space<vmem>>, vector<16xi32>,
        %add3A_454 = arith.constant 224 : i32
        %add3A_455 = arith.addi %mul3A_342, %add3A_454 : i32
        %get3A_456 = arith.constant 1 : i32
        %get3A_457 = arith.constant 0 : i32
        %get3A_458 = tpu.memref_slice %arg6[%get3A_456, %get3A_457] : memref<2x4096xi32, #tpu.memory_space<vmem>> -> memref<1x4096xi32, #tpu.memory_space<vmem>>
        %get3A_459 = tpu.memref_squeeze %get3A_458 : memref<1x4096xi32, #tpu.memory_space<vmem>> -> memref<4096xi32, #tpu.memory_space<vmem>>
        %get3A_460 = arith.index_cast %add3A_455 : i32 to index
        %get3A_461 = tpu.vector_load %get3A_459[%get3A_460] {strides = array<i32>} : memref<4096xi32, #tpu.memory_space<vmem>>, vector<16xi32>,
        %add3A_462 = arith.constant 240 : i32
        %add3A_463 = arith.addi %mul3A_342, %add3A_462 : i32
        %get3A_464 = arith.constant 1 : i32
        %get3A_465 = arith.constant 0 : i32
        %get3A_466 = tpu.memref_slice %arg6[%get3A_464, %get3A_465] : memref<2x4096xi32, #tpu.memory_space<vmem>> -> memref<1x4096xi32, #tpu.memory_space<vmem>>
        %get3A_467 = tpu.memref_squeeze %get3A_466 : memref<1x4096xi32, #tpu.memory_space<vmem>> -> memref<4096xi32, #tpu.memory_space<vmem>>
        %get3A_468 = arith.index_cast %add3A_463 : i32 to index
        %get3A_469 = tpu.vector_load %get3A_467[%get3A_468] {strides = array<i32>} : memref<4096xi32, #tpu.memory_space<vmem>>, vector<16xi32>,
        %gather3A = tpu.vector_load_idx %arg5[%get3A_349] : memref<100352xf32, #tpu.memory_space<vmem>>[vector<16xi32>], vector<16xf32>,
        %gather3A_470 = tpu.vector_load_idx %arg5[%get3A_357] : memref<100352xf32, #tpu.memory_space<vmem>>[vector<16xi32>], vector<16xf32>,
        %gather3A_471 = tpu.vector_load_idx %arg5[%get3A_365] : memref<100352xf32, #tpu.memory_space<vmem>>[vector<16xi32>], vector<16xf32>,
        %gather3A_472 = tpu.vector_load_idx %arg5[%get3A_373] : memref<100352xf32, #tpu.memory_space<vmem>>[vector<16xi32>], vector<16xf32>,
        %gather3A_473 = tpu.vector_load_idx %arg5[%get3A_381] : memref<100352xf32, #tpu.memory_space<vmem>>[vector<16xi32>], vector<16xf32>,
        %gather3A_474 = tpu.vector_load_idx %arg5[%get3A_389] : memref<100352xf32, #tpu.memory_space<vmem>>[vector<16xi32>], vector<16xf32>,
        %gather3A_475 = tpu.vector_load_idx %arg5[%get3A_397] : memref<100352xf32, #tpu.memory_space<vmem>>[vector<16xi32>], vector<16xf32>,
        %gather3A_476 = tpu.vector_load_idx %arg5[%get3A_405] : memref<100352xf32, #tpu.memory_space<vmem>>[vector<16xi32>], vector<16xf32>,
        %gather3A_477 = tpu.vector_load_idx %arg5[%get3A_413] : memref<100352xf32, #tpu.memory_space<vmem>>[vector<16xi32>], vector<16xf32>,
        %gather3A_478 = tpu.vector_load_idx %arg5[%get3A_421] : memref<100352xf32, #tpu.memory_space<vmem>>[vector<16xi32>], vector<16xf32>,
        %gather3A_479 = tpu.vector_load_idx %arg5[%get3A_429] : memref<100352xf32, #tpu.memory_space<vmem>>[vector<16xi32>], vector<16xf32>,
        %gather3A_480 = tpu.vector_load_idx %arg5[%get3A_437] : memref<100352xf32, #tpu.memory_space<vmem>>[vector<16xi32>], vector<16xf32>,
        %gather3A_481 = tpu.vector_load_idx %arg5[%get3A_445] : memref<100352xf32, #tpu.memory_space<vmem>>[vector<16xi32>], vector<16xf32>,
        %gather3A_482 = tpu.vector_load_idx %arg5[%get3A_453] : memref<100352xf32, #tpu.memory_space<vmem>>[vector<16xi32>], vector<16xf32>,
        %gather3A_483 = tpu.vector_load_idx %arg5[%get3A_461] : memref<100352xf32, #tpu.memory_space<vmem>>[vector<16xi32>], vector<16xf32>,
        %gather3A_484 = tpu.vector_load_idx %arg5[%get3A_469] : memref<100352xf32, #tpu.memory_space<vmem>>[vector<16xi32>], vector<16xf32>,
        %mul3A_485 = arith.constant 2 : i32
        %mul3A_486 = arith.muli %scan3A_340, %mul3A_485 : i32
        %add3A_487 = arith.constant 0 : i32
        %add3A_488 = arith.addi %mul3A_486, %add3A_487 : i32
        %swap3A = arith.constant 1 : i32
        %swap3A_489 = arith.constant 0 : i32
        %swap3A_490 = arith.constant 0 : i32
        %swap3A_491 = tpu.memref_slice %arg7[%swap3A, %swap3A_489, %swap3A_490] : memref<2x32x128xf32, #tpu.memory_space<vmem>> -> memref<1x32x128xf32, #tpu.memory_space<vmem>>
        %swap3A_492 = tpu.memref_squeeze %swap3A_491 : memref<1x32x128xf32, #tpu.memory_space<vmem>> -> memref<32x128xf32, #tpu.memory_space<vmem>>
        %swap3A_493 = arith.constant 0 : i32
        %swap3A_494 = tpu.memref_slice %swap3A_492[%add3A_488, %swap3A_493] : memref<32x128xf32, #tpu.memory_space<vmem>> -> memref<1x128xf32, #tpu.memory_space<vmem>>
        %swap3A_495 = tpu.memref_squeeze %swap3A_494 : memref<1x128xf32, #tpu.memory_space<vmem>> -> memref<128xf32, #tpu.memory_space<vmem>>
        %swap3A_496 = arith.constant 0 : index
        %swap3A_497 = tpu.vector_load %swap3A_495[%swap3A_496] {strides = array<i32>} : memref<128xf32, #tpu.memory_space<vmem>>, vector<16xf32>,
        tpu.vector_store %swap3A_495[%swap3A_496], %gather3A {strides = array<i32>} : memref<128xf32, #tpu.memory_space<vmem>>, vector<16xf32>,
        %mul3A_498 = arith.constant 2 : i32
        %mul3A_499 = arith.muli %scan3A_340, %mul3A_498 : i32
        %add3A_500 = arith.constant 0 : i32
        %add3A_501 = arith.addi %mul3A_499, %add3A_500 : i32
        %swap3A_502 = arith.constant 1 : i32
        %swap3A_503 = arith.constant 0 : i32
        %swap3A_504 = arith.constant 0 : i32
        %swap3A_505 = tpu.memref_slice %arg7[%swap3A_502, %swap3A_503, %swap3A_504] : memref<2x32x128xf32, #tpu.memory_space<vmem>> -> memref<1x32x128xf32, #tpu.memory_space<vmem>>
        %swap3A_506 = tpu.memref_squeeze %swap3A_505 : memref<1x32x128xf32, #tpu.memory_space<vmem>> -> memref<32x128xf32, #tpu.memory_space<vmem>>
        %swap3A_507 = arith.constant 0 : i32
        %swap3A_508 = tpu.memref_slice %swap3A_506[%add3A_501, %swap3A_507] : memref<32x128xf32, #tpu.memory_space<vmem>> -> memref<1x128xf32, #tpu.memory_space<vmem>>
        %swap3A_509 = tpu.memref_squeeze %swap3A_508 : memref<1x128xf32, #tpu.memory_space<vmem>> -> memref<128xf32, #tpu.memory_space<vmem>>
        %swap3A_510 = arith.constant 16 : index
        %swap3A_511 = tpu.vector_load %swap3A_509[%swap3A_510] {strides = array<i32>} : memref<128xf32, #tpu.memory_space<vmem>>, vector<16xf32>,
        tpu.vector_store %swap3A_509[%swap3A_510], %gather3A_470 {strides = array<i32>} : memref<128xf32, #tpu.memory_space<vmem>>, vector<16xf32>,
        %mul3A_512 = arith.constant 2 : i32
        %mul3A_513 = arith.muli %scan3A_340, %mul3A_512 : i32
        %add3A_514 = arith.constant 0 : i32
        %add3A_515 = arith.addi %mul3A_513, %add3A_514 : i32
        %swap3A_516 = arith.constant 1 : i32
        %swap3A_517 = arith.constant 0 : i32
        %swap3A_518 = arith.constant 0 : i32
        %swap3A_519 = tpu.memref_slice %arg7[%swap3A_516, %swap3A_517, %swap3A_518] : memref<2x32x128xf32, #tpu.memory_space<vmem>> -> memref<1x32x128xf32, #tpu.memory_space<vmem>>
        %swap3A_520 = tpu.memref_squeeze %swap3A_519 : memref<1x32x128xf32, #tpu.memory_space<vmem>> -> memref<32x128xf32, #tpu.memory_space<vmem>>
        %swap3A_521 = arith.constant 0 : i32
        %swap3A_522 = tpu.memref_slice %swap3A_520[%add3A_515, %swap3A_521] : memref<32x128xf32, #tpu.memory_space<vmem>> -> memref<1x128xf32, #tpu.memory_space<vmem>>
        %swap3A_523 = tpu.memref_squeeze %swap3A_522 : memref<1x128xf32, #tpu.memory_space<vmem>> -> memref<128xf32, #tpu.memory_space<vmem>>
        %swap3A_524 = arith.constant 32 : index
        %swap3A_525 = tpu.vector_load %swap3A_523[%swap3A_524] {strides = array<i32>} : memref<128xf32, #tpu.memory_space<vmem>>, vector<16xf32>,
        tpu.vector_store %swap3A_523[%swap3A_524], %gather3A_471 {strides = array<i32>} : memref<128xf32, #tpu.memory_space<vmem>>, vector<16xf32>,
        %mul3A_526 = arith.constant 2 : i32
        %mul3A_527 = arith.muli %scan3A_340, %mul3A_526 : i32
        %add3A_528 = arith.constant 0 : i32
        %add3A_529 = arith.addi %mul3A_527, %add3A_528 : i32
        %swap3A_530 = arith.constant 1 : i32
        %swap3A_531 = arith.constant 0 : i32
        %swap3A_532 = arith.constant 0 : i32
        %swap3A_533 = tpu.memref_slice %arg7[%swap3A_530, %swap3A_531, %swap3A_532] : memref<2x32x128xf32, #tpu.memory_space<vmem>> -> memref<1x32x128xf32, #tpu.memory_space<vmem>>
        %swap3A_534 = tpu.memref_squeeze %swap3A_533 : memref<1x32x128xf32, #tpu.memory_space<vmem>> -> memref<32x128xf32, #tpu.memory_space<vmem>>
        %swap3A_535 = arith.constant 0 : i32
        %swap3A_536 = tpu.memref_slice %swap3A_534[%add3A_529, %swap3A_535] : memref<32x128xf32, #tpu.memory_space<vmem>> -> memref<1x128xf32, #tpu.memory_space<vmem>>
        %swap3A_537 = tpu.memref_squeeze %swap3A_536 : memref<1x128xf32, #tpu.memory_space<vmem>> -> memref<128xf32, #tpu.memory_space<vmem>>
        %swap3A_538 = arith.constant 48 : index
        %swap3A_539 = tpu.vector_load %swap3A_537[%swap3A_538] {strides = array<i32>} : memref<128xf32, #tpu.memory_space<vmem>>, vector<16xf32>,
        tpu.vector_store %swap3A_537[%swap3A_538], %gather3A_472 {strides = array<i32>} : memref<128xf32, #tpu.memory_space<vmem>>, vector<16xf32>,
        %mul3A_540 = arith.constant 2 : i32
        %mul3A_541 = arith.muli %scan3A_340, %mul3A_540 : i32
        %add3A_542 = arith.constant 0 : i32
        %add3A_543 = arith.addi %mul3A_541, %add3A_542 : i32
        %swap3A_544 = arith.constant 1 : i32
        %swap3A_545 = arith.constant 0 : i32
        %swap3A_546 = arith.constant 0 : i32
        %swap3A_547 = tpu.memref_slice %arg7[%swap3A_544, %swap3A_545, %swap3A_546] : memref<2x32x128xf32, #tpu.memory_space<vmem>> -> memref<1x32x128xf32, #tpu.memory_space<vmem>>
        %swap3A_548 = tpu.memref_squeeze %swap3A_547 : memref<1x32x128xf32, #tpu.memory_space<vmem>> -> memref<32x128xf32, #tpu.memory_space<vmem>>
        %swap3A_549 = arith.constant 0 : i32
        %swap3A_550 = tpu.memref_slice %swap3A_548[%add3A_543, %swap3A_549] : memref<32x128xf32, #tpu.memory_space<vmem>> -> memref<1x128xf32, #tpu.memory_space<vmem>>
        %swap3A_551 = tpu.memref_squeeze %swap3A_550 : memref<1x128xf32, #tpu.memory_space<vmem>> -> memref<128xf32, #tpu.memory_space<vmem>>
        %swap3A_552 = arith.constant 64 : index
        %swap3A_553 = tpu.vector_load %swap3A_551[%swap3A_552] {strides = array<i32>} : memref<128xf32, #tpu.memory_space<vmem>>, vector<16xf32>,
        tpu.vector_store %swap3A_551[%swap3A_552], %gather3A_473 {strides = array<i32>} : memref<128xf32, #tpu.memory_space<vmem>>, vector<16xf32>,
        %mul3A_554 = arith.constant 2 : i32
        %mul3A_555 = arith.muli %scan3A_340, %mul3A_554 : i32
        %add3A_556 = arith.constant 0 : i32
        %add3A_557 = arith.addi %mul3A_555, %add3A_556 : i32
        %swap3A_558 = arith.constant 1 : i32
        %swap3A_559 = arith.constant 0 : i32
        %swap3A_560 = arith.constant 0 : i32
        %swap3A_561 = tpu.memref_slice %arg7[%swap3A_558, %swap3A_559, %swap3A_560] : memref<2x32x128xf32, #tpu.memory_space<vmem>> -> memref<1x32x128xf32, #tpu.memory_space<vmem>>
        %swap3A_562 = tpu.memref_squeeze %swap3A_561 : memref<1x32x128xf32, #tpu.memory_space<vmem>> -> memref<32x128xf32, #tpu.memory_space<vmem>>
        %swap3A_563 = arith.constant 0 : i32
        %swap3A_564 = tpu.memref_slice %swap3A_562[%add3A_557, %swap3A_563] : memref<32x128xf32, #tpu.memory_space<vmem>> -> memref<1x128xf32, #tpu.memory_space<vmem>>
        %swap3A_565 = tpu.memref_squeeze %swap3A_564 : memref<1x128xf32, #tpu.memory_space<vmem>> -> memref<128xf32, #tpu.memory_space<vmem>>
        %swap3A_566 = arith.constant 80 : index
        %swap3A_567 = tpu.vector_load %swap3A_565[%swap3A_566] {strides = array<i32>} : memref<128xf32, #tpu.memory_space<vmem>>, vector<16xf32>,
        tpu.vector_store %swap3A_565[%swap3A_566], %gather3A_474 {strides = array<i32>} : memref<128xf32, #tpu.memory_space<vmem>>, vector<16xf32>,
        %mul3A_568 = arith.constant 2 : i32
        %mul3A_569 = arith.muli %scan3A_340, %mul3A_568 : i32
        %add3A_570 = arith.constant 0 : i32
        %add3A_571 = arith.addi %mul3A_569, %add3A_570 : i32
        %swap3A_572 = arith.constant 1 : i32
        %swap3A_573 = arith.constant 0 : i32
        %swap3A_574 = arith.constant 0 : i32
        %swap3A_575 = tpu.memref_slice %arg7[%swap3A_572, %swap3A_573, %swap3A_574] : memref<2x32x128xf32, #tpu.memory_space<vmem>> -> memref<1x32x128xf32, #tpu.memory_space<vmem>>
        %swap3A_576 = tpu.memref_squeeze %swap3A_575 : memref<1x32x128xf32, #tpu.memory_space<vmem>> -> memref<32x128xf32, #tpu.memory_space<vmem>>
        %swap3A_577 = arith.constant 0 : i32
        %swap3A_578 = tpu.memref_slice %swap3A_576[%add3A_571, %swap3A_577] : memref<32x128xf32, #tpu.memory_space<vmem>> -> memref<1x128xf32, #tpu.memory_space<vmem>>
        %swap3A_579 = tpu.memref_squeeze %swap3A_578 : memref<1x128xf32, #tpu.memory_space<vmem>> -> memref<128xf32, #tpu.memory_space<vmem>>
        %swap3A_580 = arith.constant 96 : index
        %swap3A_581 = tpu.vector_load %swap3A_579[%swap3A_580] {strides = array<i32>} : memref<128xf32, #tpu.memory_space<vmem>>, vector<16xf32>,
        tpu.vector_store %swap3A_579[%swap3A_580], %gather3A_475 {strides = array<i32>} : memref<128xf32, #tpu.memory_space<vmem>>, vector<16xf32>,
        %mul3A_582 = arith.constant 2 : i32
        %mul3A_583 = arith.muli %scan3A_340, %mul3A_582 : i32
        %add3A_584 = arith.constant 0 : i32
        %add3A_585 = arith.addi %mul3A_583, %add3A_584 : i32
        %swap3A_586 = arith.constant 1 : i32
        %swap3A_587 = arith.constant 0 : i32
        %swap3A_588 = arith.constant 0 : i32
        %swap3A_589 = tpu.memref_slice %arg7[%swap3A_586, %swap3A_587, %swap3A_588] : memref<2x32x128xf32, #tpu.memory_space<vmem>> -> memref<1x32x128xf32, #tpu.memory_space<vmem>>
        %swap3A_590 = tpu.memref_squeeze %swap3A_589 : memref<1x32x128xf32, #tpu.memory_space<vmem>> -> memref<32x128xf32, #tpu.memory_space<vmem>>
        %swap3A_591 = arith.constant 0 : i32
        %swap3A_592 = tpu.memref_slice %swap3A_590[%add3A_585, %swap3A_591] : memref<32x128xf32, #tpu.memory_space<vmem>> -> memref<1x128xf32, #tpu.memory_space<vmem>>
        %swap3A_593 = tpu.memref_squeeze %swap3A_592 : memref<1x128xf32, #tpu.memory_space<vmem>> -> memref<128xf32, #tpu.memory_space<vmem>>
        %swap3A_594 = arith.constant 112 : index
        %swap3A_595 = tpu.vector_load %swap3A_593[%swap3A_594] {strides = array<i32>} : memref<128xf32, #tpu.memory_space<vmem>>, vector<16xf32>,
        tpu.vector_store %swap3A_593[%swap3A_594], %gather3A_476 {strides = array<i32>} : memref<128xf32, #tpu.memory_space<vmem>>, vector<16xf32>,
        %mul3A_596 = arith.constant 2 : i32
        %mul3A_597 = arith.muli %scan3A_340, %mul3A_596 : i32
        %add3A_598 = arith.constant 1 : i32
        %add3A_599 = arith.addi %mul3A_597, %add3A_598 : i32
        %swap3A_600 = arith.constant 1 : i32
        %swap3A_601 = arith.constant 0 : i32
        %swap3A_602 = arith.constant 0 : i32
        %swap3A_603 = tpu.memref_slice %arg7[%swap3A_600, %swap3A_601, %swap3A_602] : memref<2x32x128xf32, #tpu.memory_space<vmem>> -> memref<1x32x128xf32, #tpu.memory_space<vmem>>
        %swap3A_604 = tpu.memref_squeeze %swap3A_603 : memref<1x32x128xf32, #tpu.memory_space<vmem>> -> memref<32x128xf32, #tpu.memory_space<vmem>>
        %swap3A_605 = arith.constant 0 : i32
        %swap3A_606 = tpu.memref_slice %swap3A_604[%add3A_599, %swap3A_605] : memref<32x128xf32, #tpu.memory_space<vmem>> -> memref<1x128xf32, #tpu.memory_space<vmem>>
        %swap3A_607 = tpu.memref_squeeze %swap3A_606 : memref<1x128xf32, #tpu.memory_space<vmem>> -> memref<128xf32, #tpu.memory_space<vmem>>
        %swap3A_608 = arith.constant 0 : index
        %swap3A_609 = tpu.vector_load %swap3A_607[%swap3A_608] {strides = array<i32>} : memref<128xf32, #tpu.memory_space<vmem>>, vector<16xf32>,
        tpu.vector_store %swap3A_607[%swap3A_608], %gather3A_477 {strides = array<i32>} : memref<128xf32, #tpu.memory_space<vmem>>, vector<16xf32>,
        %mul3A_610 = arith.constant 2 : i32
        %mul3A_611 = arith.muli %scan3A_340, %mul3A_610 : i32
        %add3A_612 = arith.constant 1 : i32
        %add3A_613 = arith.addi %mul3A_611, %add3A_612 : i32
        %swap3A_614 = arith.constant 1 : i32
        %swap3A_615 = arith.constant 0 : i32
        %swap3A_616 = arith.constant 0 : i32
        %swap3A_617 = tpu.memref_slice %arg7[%swap3A_614, %swap3A_615, %swap3A_616] : memref<2x32x128xf32, #tpu.memory_space<vmem>> -> memref<1x32x128xf32, #tpu.memory_space<vmem>>
        %swap3A_618 = tpu.memref_squeeze %swap3A_617 : memref<1x32x128xf32, #tpu.memory_space<vmem>> -> memref<32x128xf32, #tpu.memory_space<vmem>>
        %swap3A_619 = arith.constant 0 : i32
        %swap3A_620 = tpu.memref_slice %swap3A_618[%add3A_613, %swap3A_619] : memref<32x128xf32, #tpu.memory_space<vmem>> -> memref<1x128xf32, #tpu.memory_space<vmem>>
        %swap3A_621 = tpu.memref_squeeze %swap3A_620 : memref<1x128xf32, #tpu.memory_space<vmem>> -> memref<128xf32, #tpu.memory_space<vmem>>
        %swap3A_622 = arith.constant 16 : index
        %swap3A_623 = tpu.vector_load %swap3A_621[%swap3A_622] {strides = array<i32>} : memref<128xf32, #tpu.memory_space<vmem>>, vector<16xf32>,
        tpu.vector_store %swap3A_621[%swap3A_622], %gather3A_478 {strides = array<i32>} : memref<128xf32, #tpu.memory_space<vmem>>, vector<16xf32>,
        %mul3A_624 = arith.constant 2 : i32
        %mul3A_625 = arith.muli %scan3A_340, %mul3A_624 : i32
        %add3A_626 = arith.constant 1 : i32
        %add3A_627 = arith.addi %mul3A_625, %add3A_626 : i32
        %swap3A_628 = arith.constant 1 : i32
        %swap3A_629 = arith.constant 0 : i32
        %swap3A_630 = arith.constant 0 : i32
        %swap3A_631 = tpu.memref_slice %arg7[%swap3A_628, %swap3A_629, %swap3A_630] : memref<2x32x128xf32, #tpu.memory_space<vmem>> -> memref<1x32x128xf32, #tpu.memory_space<vmem>>
        %swap3A_632 = tpu.memref_squeeze %swap3A_631 : memref<1x32x128xf32, #tpu.memory_space<vmem>> -> memref<32x128xf32, #tpu.memory_space<vmem>>
        %swap3A_633 = arith.constant 0 : i32
        %swap3A_634 = tpu.memref_slice %swap3A_632[%add3A_627, %swap3A_633] : memref<32x128xf32, #tpu.memory_space<vmem>> -> memref<1x128xf32, #tpu.memory_space<vmem>>
        %swap3A_635 = tpu.memref_squeeze %swap3A_634 : memref<1x128xf32, #tpu.memory_space<vmem>> -> memref<128xf32, #tpu.memory_space<vmem>>
        %swap3A_636 = arith.constant 32 : index
        %swap3A_637 = tpu.vector_load %swap3A_635[%swap3A_636] {strides = array<i32>} : memref<128xf32, #tpu.memory_space<vmem>>, vector<16xf32>,
        tpu.vector_store %swap3A_635[%swap3A_636], %gather3A_479 {strides = array<i32>} : memref<128xf32, #tpu.memory_space<vmem>>, vector<16xf32>,
        %mul3A_638 = arith.constant 2 : i32
        %mul3A_639 = arith.muli %scan3A_340, %mul3A_638 : i32
        %add3A_640 = arith.constant 1 : i32
        %add3A_641 = arith.addi %mul3A_639, %add3A_640 : i32
        %swap3A_642 = arith.constant 1 : i32
        %swap3A_643 = arith.constant 0 : i32
        %swap3A_644 = arith.constant 0 : i32
        %swap3A_645 = tpu.memref_slice %arg7[%swap3A_642, %swap3A_643, %swap3A_644] : memref<2x32x128xf32, #tpu.memory_space<vmem>> -> memref<1x32x128xf32, #tpu.memory_space<vmem>>
        %swap3A_646 = tpu.memref_squeeze %swap3A_645 : memref<1x32x128xf32, #tpu.memory_space<vmem>> -> memref<32x128xf32, #tpu.memory_space<vmem>>
        %swap3A_647 = arith.constant 0 : i32
        %swap3A_648 = tpu.memref_slice %swap3A_646[%add3A_641, %swap3A_647] : memref<32x128xf32, #tpu.memory_space<vmem>> -> memref<1x128xf32, #tpu.memory_space<vmem>>
        %swap3A_649 = tpu.memref_squeeze %swap3A_648 : memref<1x128xf32, #tpu.memory_space<vmem>> -> memref<128xf32, #tpu.memory_space<vmem>>
        %swap3A_650 = arith.constant 48 : index
        %swap3A_651 = tpu.vector_load %swap3A_649[%swap3A_650] {strides = array<i32>} : memref<128xf32, #tpu.memory_space<vmem>>, vector<16xf32>,
        tpu.vector_store %swap3A_649[%swap3A_650], %gather3A_480 {strides = array<i32>} : memref<128xf32, #tpu.memory_space<vmem>>, vector<16xf32>,
        %mul3A_652 = arith.constant 2 : i32
        %mul3A_653 = arith.muli %scan3A_340, %mul3A_652 : i32
        %add3A_654 = arith.constant 1 : i32
        %add3A_655 = arith.addi %mul3A_653, %add3A_654 : i32
        %swap3A_656 = arith.constant 1 : i32
        %swap3A_657 = arith.constant 0 : i32
        %swap3A_658 = arith.constant 0 : i32
        %swap3A_659 = tpu.memref_slice %arg7[%swap3A_656, %swap3A_657, %swap3A_658] : memref<2x32x128xf32, #tpu.memory_space<vmem>> -> memref<1x32x128xf32, #tpu.memory_space<vmem>>
        %swap3A_660 = tpu.memref_squeeze %swap3A_659 : memref<1x32x128xf32, #tpu.memory_space<vmem>> -> memref<32x128xf32, #tpu.memory_space<vmem>>
        %swap3A_661 = arith.constant 0 : i32
        %swap3A_662 = tpu.memref_slice %swap3A_660[%add3A_655, %swap3A_661] : memref<32x128xf32, #tpu.memory_space<vmem>> -> memref<1x128xf32, #tpu.memory_space<vmem>>
        %swap3A_663 = tpu.memref_squeeze %swap3A_662 : memref<1x128xf32, #tpu.memory_space<vmem>> -> memref<128xf32, #tpu.memory_space<vmem>>
        %swap3A_664 = arith.constant 64 : index
        %swap3A_665 = tpu.vector_load %swap3A_663[%swap3A_664] {strides = array<i32>} : memref<128xf32, #tpu.memory_space<vmem>>, vector<16xf32>,
        tpu.vector_store %swap3A_663[%swap3A_664], %gather3A_481 {strides = array<i32>} : memref<128xf32, #tpu.memory_space<vmem>>, vector<16xf32>,
        %mul3A_666 = arith.constant 2 : i32
        %mul3A_667 = arith.muli %scan3A_340, %mul3A_666 : i32
        %add3A_668 = arith.constant 1 : i32
        %add3A_669 = arith.addi %mul3A_667, %add3A_668 : i32
        %swap3A_670 = arith.constant 1 : i32
        %swap3A_671 = arith.constant 0 : i32
        %swap3A_672 = arith.constant 0 : i32
        %swap3A_673 = tpu.memref_slice %arg7[%swap3A_670, %swap3A_671, %swap3A_672] : memref<2x32x128xf32, #tpu.memory_space<vmem>> -> memref<1x32x128xf32, #tpu.memory_space<vmem>>
        %swap3A_674 = tpu.memref_squeeze %swap3A_673 : memref<1x32x128xf32, #tpu.memory_space<vmem>> -> memref<32x128xf32, #tpu.memory_space<vmem>>
        %swap3A_675 = arith.constant 0 : i32
        %swap3A_676 = tpu.memref_slice %swap3A_674[%add3A_669, %swap3A_675] : memref<32x128xf32, #tpu.memory_space<vmem>> -> memref<1x128xf32, #tpu.memory_space<vmem>>
        %swap3A_677 = tpu.memref_squeeze %swap3A_676 : memref<1x128xf32, #tpu.memory_space<vmem>> -> memref<128xf32, #tpu.memory_space<vmem>>
        %swap3A_678 = arith.constant 80 : index
        %swap3A_679 = tpu.vector_load %swap3A_677[%swap3A_678] {strides = array<i32>} : memref<128xf32, #tpu.memory_space<vmem>>, vector<16xf32>,
        tpu.vector_store %swap3A_677[%swap3A_678], %gather3A_482 {strides = array<i32>} : memref<128xf32, #tpu.memory_space<vmem>>, vector<16xf32>,
        %mul3A_680 = arith.constant 2 : i32
        %mul3A_681 = arith.muli %scan3A_340, %mul3A_680 : i32
        %add3A_682 = arith.constant 1 : i32
        %add3A_683 = arith.addi %mul3A_681, %add3A_682 : i32
        %swap3A_684 = arith.constant 1 : i32
        %swap3A_685 = arith.constant 0 : i32
        %swap3A_686 = arith.constant 0 : i32
        %swap3A_687 = tpu.memref_slice %arg7[%swap3A_684, %swap3A_685, %swap3A_686] : memref<2x32x128xf32, #tpu.memory_space<vmem>> -> memref<1x32x128xf32, #tpu.memory_space<vmem>>
        %swap3A_688 = tpu.memref_squeeze %swap3A_687 : memref<1x32x128xf32, #tpu.memory_space<vmem>> -> memref<32x128xf32, #tpu.memory_space<vmem>>
        %swap3A_689 = arith.constant 0 : i32
        %swap3A_690 = tpu.memref_slice %swap3A_688[%add3A_683, %swap3A_689] : memref<32x128xf32, #tpu.memory_space<vmem>> -> memref<1x128xf32, #tpu.memory_space<vmem>>
        %swap3A_691 = tpu.memref_squeeze %swap3A_690 : memref<1x128xf32, #tpu.memory_space<vmem>> -> memref<128xf32, #tpu.memory_space<vmem>>
        %swap3A_692 = arith.constant 96 : index
        %swap3A_693 = tpu.vector_load %swap3A_691[%swap3A_692] {strides = array<i32>} : memref<128xf32, #tpu.memory_space<vmem>>, vector<16xf32>,
        tpu.vector_store %swap3A_691[%swap3A_692], %gather3A_483 {strides = array<i32>} : memref<128xf32, #tpu.memory_space<vmem>>, vector<16xf32>,
        %mul3A_694 = arith.constant 2 : i32
        %mul3A_695 = arith.muli %scan3A_340, %mul3A_694 : i32
        %add3A_696 = arith.constant 1 : i32
        %add3A_697 = arith.addi %mul3A_695, %add3A_696 : i32
        %swap3A_698 = arith.constant 1 : i32
        %swap3A_699 = arith.constant 0 : i32
        %swap3A_700 = arith.constant 0 : i32
        %swap3A_701 = tpu.memref_slice %arg7[%swap3A_698, %swap3A_699, %swap3A_700] : memref<2x32x128xf32, #tpu.memory_space<vmem>> -> memref<1x32x128xf32, #tpu.memory_space<vmem>>
        %swap3A_702 = tpu.memref_squeeze %swap3A_701 : memref<1x32x128xf32, #tpu.memory_space<vmem>> -> memref<32x128xf32, #tpu.memory_space<vmem>>
        %swap3A_703 = arith.constant 0 : i32
        %swap3A_704 = tpu.memref_slice %swap3A_702[%add3A_697, %swap3A_703] : memref<32x128xf32, #tpu.memory_space<vmem>> -> memref<1x128xf32, #tpu.memory_space<vmem>>
        %swap3A_705 = tpu.memref_squeeze %swap3A_704 : memref<1x128xf32, #tpu.memory_space<vmem>> -> memref<128xf32, #tpu.memory_space<vmem>>
        %swap3A_706 = arith.constant 112 : index
        %swap3A_707 = tpu.vector_load %swap3A_705[%swap3A_706] {strides = array<i32>} : memref<128xf32, #tpu.memory_space<vmem>>, vector<16xf32>,
        tpu.vector_store %swap3A_705[%swap3A_706], %gather3A_484 {strides = array<i32>} : memref<128xf32, #tpu.memory_space<vmem>>, vector<16xf32>,
      }
      %scan3A_299 = arith.constant 16 : i32
      %mul3A_300 = arith.constant 8 : i32
      %mul3A_301 = arith.muli %add3A_261, %mul3A_300 : i32
      %add3A_302 = arith.addi %mul3A_301, %select_n3A_90 : i32
      %mul3A_303 = arith.constant 32 : i32
      %mul3A_304 = arith.muli %add3A_302, %mul3A_303 : i32
      %dma_start3A_305 = arith.constant 1 : i32
      %dma_start3A_306 = arith.constant 0 : i32
      %dma_start3A_307 = arith.constant 0 : i32
      %dma_start3A_308 = tpu.memref_slice %arg7[%dma_start3A_305, %dma_start3A_306, %dma_start3A_307] : memref<2x32x128xf32, #tpu.memory_space<vmem>> -> memref<1x32x128xf32, #tpu.memory_space<vmem>>
      %dma_start3A_309 = tpu.memref_squeeze %dma_start3A_308 : memref<1x32x128xf32, #tpu.memory_space<vmem>> -> memref<32x128xf32, #tpu.memory_space<vmem>>
      %dma_start3A_310 = arith.constant 0 : i32
      %dma_start3A_311 = tpu.memref_slice %arg4[%mul3A_304, %select_n3A_106, %dma_start3A_310] : memref<51200x8x128xf32, #tpu.memory_space<hbm>> -> memref<32x1x128xf32, #tpu.memory_space<hbm>>
      %dma_start3A_312 = tpu.memref_squeeze %dma_start3A_311 : memref<32x1x128xf32, #tpu.memory_space<hbm>> -> memref<32x128xf32, #tpu.memory_space<hbm>>
      %dma_start3A_313 = arith.constant 0 : i32
      %dma_start3A_314 = tpu.memref_slice %arg4[%mul3A_304, %select_n3A_106, %dma_start3A_313] : memref<51200x8x128xf32, #tpu.memory_space<hbm>> -> memref<32x1x128xf32, #tpu.memory_space<hbm>>
      %dma_start3A_315 = tpu.memref_squeeze %dma_start3A_314 : memref<32x1x128xf32, #tpu.memory_space<hbm>> -> memref<32x128xf32, #tpu.memory_space<hbm>>
      %dma_start3A_316 = arith.constant 0 : i32
      %dma_start3A_317 = arith.constant 0 : i32
      %dma_start3A_318 = tpu.memref_slice %arg7[%dma_start3A_305, %dma_start3A_316, %dma_start3A_317] : memref<2x32x128xf32, #tpu.memory_space<vmem>> -> memref<1x32x128xf32, #tpu.memory_space<vmem>>
      %dma_start3A_319 = tpu.memref_squeeze %dma_start3A_318 : memref<1x32x128xf32, #tpu.memory_space<vmem>> -> memref<32x128xf32, #tpu.memory_space<vmem>>
      tpu.enqueue_dma source(%dma_start3A_319 : memref<32x128xf32, #tpu.memory_space<vmem>>) target(%dma_start3A_315 : memref<32x128xf32, #tpu.memory_space<hbm>>) target_semaphore(%arg11 : memref<!tpu.dma_semaphore, #tpu.memory_space<semaphore_mem>>)
      %add3A_320 = arith.constant 2 : i32
      %add3A_321 = arith.addi %add3A_261, %add3A_320 : i32
      %ge3A_322 = arith.constant 200 : i32
      %ge3A_323 = arith.cmpi sge, %add3A_321, %ge3A_322 : i32
      %sub3A_324 = arith.constant 200 : i32
      %sub3A_325 = arith.subi %add3A_321, %sub3A_324 : i32
      %select_n3A_326 = arith.select %ge3A_323, %sub3A_325, %add3A_321 : i32
      %dma_start3A_327 = arith.constant 1 : i32
      %dma_start3A_328 = arith.constant 0 : i32
      %dma_start3A_329 = tpu.memref_slice %arg6[%dma_start3A_327, %dma_start3A_328] : memref<2x4096xi32, #tpu.memory_space<vmem>> -> memref<1x4096xi32, #tpu.memory_space<vmem>>
      %dma_start3A_330 = tpu.memref_squeeze %dma_start3A_329 : memref<1x4096xi32, #tpu.memory_space<vmem>> -> memref<4096xi32, #tpu.memory_space<vmem>>
      %dma_start3A_331 = arith.constant 0 : i32
      %dma_start3A_332 = tpu.memref_slice %arg2[%select_n3A_326, %dma_start3A_331] : memref<200x4096xi32, #tpu.memory_space<hbm>> -> memref<1x4096xi32, #tpu.memory_space<hbm>>
      %dma_start3A_333 = tpu.memref_squeeze %dma_start3A_332 : memref<1x4096xi32, #tpu.memory_space<hbm>> -> memref<4096xi32, #tpu.memory_space<hbm>>
      %dma_start3A_334 = arith.constant 0 : i32
      %dma_start3A_335 = tpu.memref_slice %arg6[%dma_start3A_327, %dma_start3A_334] : memref<2x4096xi32, #tpu.memory_space<vmem>> -> memref<1x4096xi32, #tpu.memory_space<vmem>>
      %dma_start3A_336 = tpu.memref_squeeze %dma_start3A_335 : memref<1x4096xi32, #tpu.memory_space<vmem>> -> memref<4096xi32, #tpu.memory_space<vmem>>
      %dma_start3A_337 = arith.constant 0 : i32
      %dma_start3A_338 = tpu.memref_slice %arg2[%select_n3A_326, %dma_start3A_337] : memref<200x4096xi32, #tpu.memory_space<hbm>> -> memref<1x4096xi32, #tpu.memory_space<hbm>>
      %dma_start3A_339 = tpu.memref_squeeze %dma_start3A_338 : memref<1x4096xi32, #tpu.memory_space<hbm>> -> memref<4096xi32, #tpu.memory_space<hbm>>
      tpu.enqueue_dma source(%dma_start3A_339 : memref<4096xi32, #tpu.memory_space<hbm>>) target(%dma_start3A_336 : memref<4096xi32, #tpu.memory_space<vmem>>) target_semaphore(%arg9 : memref<!tpu.dma_semaphore, #tpu.memory_space<semaphore_mem>>)
    }
    %scan3A_112 = arith.constant 100 : i32
    %dma_wait3A = arith.constant 0 : i32
    %dma_wait3A_113 = arith.constant 0 : i32
    %dma_wait3A_114 = arith.constant 0 : i32
    %dma_wait3A_115 = arith.constant 0 : i32
    %dma_wait3A_116 = tpu.memref_slice %arg7[%dma_wait3A, %dma_wait3A_114, %dma_wait3A_115] : memref<2x32x128xf32, #tpu.memory_space<vmem>> -> memref<1x32x128xf32, #tpu.memory_space<vmem>>
    %dma_wait3A_117 = tpu.memref_squeeze %dma_wait3A_116 : memref<1x32x128xf32, #tpu.memory_space<vmem>> -> memref<32x128xf32, #tpu.memory_space<vmem>>
    %dma_wait3A_118 = arith.constant 0 : i32
    %dma_wait3A_119 = arith.constant 0 : i32
    %dma_wait3A_120 = tpu.memref_slice %arg4[%dma_wait3A_118, %dma_wait3A_113, %dma_wait3A_119] : memref<51200x8x128xf32, #tpu.memory_space<hbm>> -> memref<32x1x128xf32, #tpu.memory_space<hbm>>
    %dma_wait3A_121 = tpu.memref_squeeze %dma_wait3A_120 : memref<32x1x128xf32, #tpu.memory_space<hbm>> -> memref<32x128xf32, #tpu.memory_space<hbm>>
    %dma_wait3A_122 = arith.constant 0 : i32
    %dma_wait3A_123 = arith.constant 0 : i32
    %dma_wait3A_124 = tpu.memref_slice %arg4[%dma_wait3A_122, %dma_wait3A_113, %dma_wait3A_123] : memref<51200x8x128xf32, #tpu.memory_space<hbm>> -> memref<32x1x128xf32, #tpu.memory_space<hbm>>
    %dma_wait3A_125 = tpu.memref_squeeze %dma_wait3A_124 : memref<32x1x128xf32, #tpu.memory_space<hbm>> -> memref<32x128xf32, #tpu.memory_space<hbm>>
    %dma_wait3A_126 = arith.constant 0 : i32
    %dma_wait3A_127 = arith.constant 0 : i32
    %dma_wait3A_128 = tpu.memref_slice %arg7[%dma_wait3A, %dma_wait3A_126, %dma_wait3A_127] : memref<2x32x128xf32, #tpu.memory_space<vmem>> -> memref<1x32x128xf32, #tpu.memory_space<vmem>>
    %dma_wait3A_129 = tpu.memref_squeeze %dma_wait3A_128 : memref<1x32x128xf32, #tpu.memory_space<vmem>> -> memref<32x128xf32, #tpu.memory_space<vmem>>
    tpu.wait_dma2 semaphore(%arg10 : memref<!tpu.dma_semaphore, #tpu.memory_space<semaphore_mem>>) src(%dma_wait3A_129 : memref<32x128xf32, #tpu.memory_space<vmem>>) dst(%dma_wait3A_125 : memref<32x128xf32, #tpu.memory_space<hbm>>)
    %dma_wait3A_130 = arith.constant 0 : i32
    %dma_wait3A_131 = arith.constant 0 : i32
    %dma_wait3A_132 = arith.constant 0 : i32
    %dma_wait3A_133 = tpu.memref_slice %arg6[%dma_wait3A_131, %dma_wait3A_132] : memref<2x4096xi32, #tpu.memory_space<vmem>> -> memref<1x4096xi32, #tpu.memory_space<vmem>>
    %dma_wait3A_134 = tpu.memref_squeeze %dma_wait3A_133 : memref<1x4096xi32, #tpu.memory_space<vmem>> -> memref<4096xi32, #tpu.memory_space<vmem>>
    %dma_wait3A_135 = arith.constant 0 : i32
    %dma_wait3A_136 = tpu.memref_slice %arg2[%dma_wait3A_130, %dma_wait3A_135] : memref<200x4096xi32, #tpu.memory_space<hbm>> -> memref<1x4096xi32, #tpu.memory_space<hbm>>
    %dma_wait3A_137 = tpu.memref_squeeze %dma_wait3A_136 : memref<1x4096xi32, #tpu.memory_space<hbm>> -> memref<4096xi32, #tpu.memory_space<hbm>>
    %dma_wait3A_138 = arith.constant 0 : i32
    %dma_wait3A_139 = tpu.memref_slice %arg6[%dma_wait3A_131, %dma_wait3A_138] : memref<2x4096xi32, #tpu.memory_space<vmem>> -> memref<1x4096xi32, #tpu.memory_space<vmem>>
    %dma_wait3A_140 = tpu.memref_squeeze %dma_wait3A_139 : memref<1x4096xi32, #tpu.memory_space<vmem>> -> memref<4096xi32, #tpu.memory_space<vmem>>
    %dma_wait3A_141 = arith.constant 0 : i32
    %dma_wait3A_142 = tpu.memref_slice %arg2[%dma_wait3A_130, %dma_wait3A_141] : memref<200x4096xi32, #tpu.memory_space<hbm>> -> memref<1x4096xi32, #tpu.memory_space<hbm>>
    %dma_wait3A_143 = tpu.memref_squeeze %dma_wait3A_142 : memref<1x4096xi32, #tpu.memory_space<hbm>> -> memref<4096xi32, #tpu.memory_space<hbm>>
    tpu.wait_dma2 semaphore(%arg8 : memref<!tpu.dma_semaphore, #tpu.memory_space<semaphore_mem>>) src(%dma_wait3A_143 : memref<4096xi32, #tpu.memory_space<hbm>>) dst(%dma_wait3A_140 : memref<4096xi32, #tpu.memory_space<vmem>>)
    %dma_wait3A_144 = arith.constant 1 : i32
    %dma_wait3A_145 = arith.constant 0 : i32
    %dma_wait3A_146 = arith.constant 0 : i32
    %dma_wait3A_147 = arith.constant 0 : i32
    %dma_wait3A_148 = tpu.memref_slice %arg7[%dma_wait3A_144, %dma_wait3A_146, %dma_wait3A_147] : memref<2x32x128xf32, #tpu.memory_space<vmem>> -> memref<1x32x128xf32, #tpu.memory_space<vmem>>
    %dma_wait3A_149 = tpu.memref_squeeze %dma_wait3A_148 : memref<1x32x128xf32, #tpu.memory_space<vmem>> -> memref<32x128xf32, #tpu.memory_space<vmem>>
    %dma_wait3A_150 = arith.constant 0 : i32
    %dma_wait3A_151 = arith.constant 0 : i32
    %dma_wait3A_152 = tpu.memref_slice %arg4[%dma_wait3A_150, %dma_wait3A_145, %dma_wait3A_151] : memref<51200x8x128xf32, #tpu.memory_space<hbm>> -> memref<32x1x128xf32, #tpu.memory_space<hbm>>
    %dma_wait3A_153 = tpu.memref_squeeze %dma_wait3A_152 : memref<32x1x128xf32, #tpu.memory_space<hbm>> -> memref<32x128xf32, #tpu.memory_space<hbm>>
    %dma_wait3A_154 = arith.constant 0 : i32
    %dma_wait3A_155 = arith.constant 0 : i32
    %dma_wait3A_156 = tpu.memref_slice %arg4[%dma_wait3A_154, %dma_wait3A_145, %dma_wait3A_155] : memref<51200x8x128xf32, #tpu.memory_space<hbm>> -> memref<32x1x128xf32, #tpu.memory_space<hbm>>
    %dma_wait3A_157 = tpu.memref_squeeze %dma_wait3A_156 : memref<32x1x128xf32, #tpu.memory_space<hbm>> -> memref<32x128xf32, #tpu.memory_space<hbm>>
    %dma_wait3A_158 = arith.constant 0 : i32
    %dma_wait3A_159 = arith.constant 0 : i32
    %dma_wait3A_160 = tpu.memref_slice %arg7[%dma_wait3A_144, %dma_wait3A_158, %dma_wait3A_159] : memref<2x32x128xf32, #tpu.memory_space<vmem>> -> memref<1x32x128xf32, #tpu.memory_space<vmem>>
    %dma_wait3A_161 = tpu.memref_squeeze %dma_wait3A_160 : memref<1x32x128xf32, #tpu.memory_space<vmem>> -> memref<32x128xf32, #tpu.memory_space<vmem>>
    tpu.wait_dma2 semaphore(%arg11 : memref<!tpu.dma_semaphore, #tpu.memory_space<semaphore_mem>>) src(%dma_wait3A_161 : memref<32x128xf32, #tpu.memory_space<vmem>>) dst(%dma_wait3A_157 : memref<32x128xf32, #tpu.memory_space<hbm>>)
    %dma_wait3A_162 = arith.constant 0 : i32
    %dma_wait3A_163 = arith.constant 1 : i32
    %dma_wait3A_164 = arith.constant 0 : i32
    %dma_wait3A_165 = tpu.memref_slice %arg6[%dma_wait3A_163, %dma_wait3A_164] : memref<2x4096xi32, #tpu.memory_space<vmem>> -> memref<1x4096xi32, #tpu.memory_space<vmem>>
    %dma_wait3A_166 = tpu.memref_squeeze %dma_wait3A_165 : memref<1x4096xi32, #tpu.memory_space<vmem>> -> memref<4096xi32, #tpu.memory_space<vmem>>
    %dma_wait3A_167 = arith.constant 0 : i32
    %dma_wait3A_168 = tpu.memref_slice %arg2[%dma_wait3A_162, %dma_wait3A_167] : memref<200x4096xi32, #tpu.memory_space<hbm>> -> memref<1x4096xi32, #tpu.memory_space<hbm>>
    %dma_wait3A_169 = tpu.memref_squeeze %dma_wait3A_168 : memref<1x4096xi32, #tpu.memory_space<hbm>> -> memref<4096xi32, #tpu.memory_space<hbm>>
    %dma_wait3A_170 = arith.constant 0 : i32
    %dma_wait3A_171 = tpu.memref_slice %arg6[%dma_wait3A_163, %dma_wait3A_170] : memref<2x4096xi32, #tpu.memory_space<vmem>> -> memref<1x4096xi32, #tpu.memory_space<vmem>>
    %dma_wait3A_172 = tpu.memref_squeeze %dma_wait3A_171 : memref<1x4096xi32, #tpu.memory_space<vmem>> -> memref<4096xi32, #tpu.memory_space<vmem>>
    %dma_wait3A_173 = arith.constant 0 : i32
    %dma_wait3A_174 = tpu.memref_slice %arg2[%dma_wait3A_162, %dma_wait3A_173] : memref<200x4096xi32, #tpu.memory_space<hbm>> -> memref<1x4096xi32, #tpu.memory_space<hbm>>
    %dma_wait3A_175 = tpu.memref_squeeze %dma_wait3A_174 : memref<1x4096xi32, #tpu.memory_space<hbm>> -> memref<4096xi32, #tpu.memory_space<hbm>>
    tpu.wait_dma2 semaphore(%arg9 : memref<!tpu.dma_semaphore, #tpu.memory_space<semaphore_mem>>) src(%dma_wait3A_175 : memref<4096xi32, #tpu.memory_space<hbm>>) dst(%dma_wait3A_172 : memref<4096xi32, #tpu.memory_space<vmem>>)
    return
  }
}

module attributes {stable_mosaic.version = 14 : i64} {
  func.func @_transpose_body(%arg0: i32, %arg1: memref<512x200xi32, #tpu.memory_space<vmem>>, %arg2: memref<200x512xi32, #tpu.memory_space<vmem>>) attributes {dimension_semantics = [#tpu.dimension_semantics<arbitrary>], iteration_bounds = array<i64: 8>, scalar_prefetch = 0 : i64, scratch_operands = 0 : i64, tpu.core_type = #tpu.core_type<tc>, window_params = [{transform_indices = @transform_0, window_bounds = array<i64: 512, 200>}, {transform_indices = @transform_1, window_bounds = array<i64: 200, 512>}]} {
    %get3A = arith.constant 0 : index
    %get3A_0 = arith.constant 0 : index
    %get3A_1 = vector.load %arg1[%get3A, %get3A_0] : memref<512x200xi32, #tpu.memory_space<vmem>>, vector<512x200xi32>
    %transpose3A = tpu.transpose %get3A_1, [1, 0] : vector<512x200xi32> -> vector<200x512xi32>
    %swap3A = arith.constant 0 : index
    %swap3A_2 = arith.constant 0 : index
    %swap3A_3 = vector.load %arg2[%swap3A, %swap3A_2] : memref<200x512xi32, #tpu.memory_space<vmem>>, vector<200x512xi32>
    tpu.vector_store %arg2[%swap3A, %swap3A_2], %transpose3A {strides = array<i32>} : memref<200x512xi32, #tpu.memory_space<vmem>>, vector<200x512xi32>,
    return
  }
  func.func @transform_0(%arg0: i32) -> (i32, i32) {
    %c0_i32 = arith.constant 0 : i32
    %c0_i32_0 = arith.constant 0 : i32
    return %arg0, %c0_i32 : i32, i32
  }
  func.func @transform_1(%arg0: i32) -> (i32, i32) {
    %c0_i32 = arith.constant 0 : i32
    %c0_i32_0 = arith.constant 0 : i32
    return %c0_i32, %arg0 : i32, i32
  }
}

module attributes {stable_mosaic.version = 14 : i64} {
  func.func @_transpose_body(%arg0: i32, %arg1: memref<2048x64xf32, #tpu.memory_space<vmem>>, %arg2: memref<64x2048xf32, #tpu.memory_space<vmem>>) attributes {dimension_semantics = [#tpu.dimension_semantics<arbitrary>], iteration_bounds = array<i64: 49>, scalar_prefetch = 0 : i64, scratch_operands = 0 : i64, tpu.core_type = #tpu.core_type<tc>, window_params = [{transform_indices = @transform_0, window_bounds = array<i64: 2048, 64>}, {transform_indices = @transform_1, window_bounds = array<i64: 64, 2048>}]} {
    %get3A = arith.constant 0 : index
    %get3A_0 = arith.constant 0 : index
    %get3A_1 = vector.load %arg1[%get3A, %get3A_0] : memref<2048x64xf32, #tpu.memory_space<vmem>>, vector<2048x64xf32>
    %transpose3A = tpu.transpose %get3A_1, [1, 0] : vector<2048x64xf32> -> vector<64x2048xf32>
    %swap3A = arith.constant 0 : index
    %swap3A_2 = arith.constant 0 : index
    %swap3A_3 = vector.load %arg2[%swap3A, %swap3A_2] : memref<64x2048xf32, #tpu.memory_space<vmem>>, vector<64x2048xf32>
    tpu.vector_store %arg2[%swap3A, %swap3A_2], %transpose3A {strides = array<i32>} : memref<64x2048xf32, #tpu.memory_space<vmem>>, vector<64x2048xf32>,
    return
  }
  func.func @transform_0(%arg0: i32) -> (i32, i32) {
    %c0_i32 = arith.constant 0 : i32
    %c0_i32_0 = arith.constant 0 : i32
    return %arg0, %c0_i32 : i32, i32
  }
  func.func @transform_1(%arg0: i32) -> (i32, i32) {
    %c0_i32 = arith.constant 0 : i32
    %c0_i32_0 = arith.constant 0 : i32
    return %c0_i32, %arg0 : i32, i32
  }
}

module attributes {stable_mosaic.version = 14 : i64} {
  func.func @_masklen_body(%arg0: i32, %arg1: memref<512x200xi32, #tpu.memory_space<vmem>>, %arg2: memref<512x200xi32, #tpu.memory_space<vmem>>, %arg3: memref<512xi32, #tpu.memory_space<vmem>>) attributes {dimension_semantics = [#tpu.dimension_semantics<arbitrary>], iteration_bounds = array<i64: 8>, scalar_prefetch = 0 : i64, scratch_operands = 0 : i64, tpu.core_type = #tpu.core_type<tc>, window_params = [{transform_indices = @transform_0, window_bounds = array<i64: 512, 200>}, {transform_indices = @transform_1, window_bounds = array<i64: 512, 200>}, {transform_indices = @transform_2, window_bounds = array<i64: 512>}]} {
    %get3A = arith.constant 0 : index
    %get3A_0 = arith.constant 0 : index
    %get3A_1 = vector.load %arg1[%get3A, %get3A_0] : memref<512x200xi32, #tpu.memory_space<vmem>>, vector<512x200xi32>
    %ne3A = arith.constant 0 : i32
    %ne3A_2 = vector.broadcast %ne3A : i32 to vector<512x200xi32>
    %ne3A_3 = arith.cmpi ne, %get3A_1, %ne3A_2 : vector<512x200xi32>
    %swap3A = arith.constant 0 : index
    %swap3A_4 = arith.constant 0 : index
    %swap3A_5 = vector.load %arg2[%swap3A, %swap3A_4] : memref<512x200xi32, #tpu.memory_space<vmem>>, vector<512x200xi32>
    %swap3A_6 = arith.extui %ne3A_3 : vector<512x200xi1> to vector<512x200xi32>
    %swap3A_7 = arith.constant dense<0> : vector<512x200xi32>
    %swap3A_8 = arith.cmpi ne, %swap3A_5, %swap3A_7 : vector<512x200xi32>
    tpu.vector_store %arg2[%swap3A, %swap3A_4], %swap3A_6 {strides = array<i32>} : memref<512x200xi32, #tpu.memory_space<vmem>>, vector<512x200xi32>,
    %convert_element_type3A = arith.extui %ne3A_3 : vector<512x200xi1> to vector<512x200xi32>
    %reduce_sum3A = arith.constant dense<0> : vector<512xi32>
    %reduce_sum3A_9 = vector.multi_reduction <add>, %convert_element_type3A, %reduce_sum3A [1] : vector<512x200xi32> to vector<512xi32>
    %swap3A_10 = arith.constant 0 : index
    %swap3A_11 = vector.load %arg3[%swap3A_10] : memref<512xi32, #tpu.memory_space<vmem>>, vector<512xi32>
    tpu.vector_store %arg3[%swap3A_10], %reduce_sum3A_9 {strides = array<i32>} : memref<512xi32, #tpu.memory_space<vmem>>, vector<512xi32>,
    return
  }
  func.func @transform_0(%arg0: i32) -> (i32, i32) {
    %c0_i32 = arith.constant 0 : i32
    %c0_i32_0 = arith.constant 0 : i32
    return %arg0, %c0_i32 : i32, i32
  }
  func.func @transform_1(%arg0: i32) -> (i32, i32) {
    %c0_i32 = arith.constant 0 : i32
    %c0_i32_0 = arith.constant 0 : i32
    return %arg0, %c0_i32 : i32, i32
  }
  func.func @transform_2(%arg0: i32) -> i32 {
    %c0_i32 = arith.constant 0 : i32
    return %arg0 : i32
  }
}

</mosaic_0001>

<sc_bundles>
// kernel: kernel.6.cloned.1.call-start
scs
__scs_entry_jumppad:
0x0: {  	(pc) =	sbr.rel $0x88, $3  }
0x1: {  	(tag) =	ssettag $0x0;
	lr =	simm.s32 $0x1  }
0x2: {  	[smem:$0x3F9F] =	sst lr;
	_ =	strace $0xD0000000  }
0x3: {  	_ = 	snop  }
0x4: {  	_ = 	snop  }
0x5: {  	_ = 	snop  }
0x6: {  	_ = 	snop  }
0x7: {  	_ = 	snop  }
__scs_overlays_trampoline_lowered:
0x8: {  	[smem:$0x3FAE] =	sst s0  }
0x9: {  	[smem:$0x3FAF] =	sst s1  }
0xa: {  	[smem:$0x3FB0] =	sst s2  }
0xb: {  	[smem:$0x3FB1] =	sst s3  }
0xc: {  	[smem:$0x3FB2] =	sst s4  }
0xd: {  	[smem:$0x3FB3] =	sst s5  }
0xe: {  	[smem:$0x3FB4] =	sst s6  }
0xf: {  	[smem:$0x3FB5] =	sst s7  }
0x10: {  	[smem:$0x3FB6] =	sst s8  }
0x11: {  	[smem:$0x3FB7] =	sst s9;
	s0 =	simm.s32 @!p0 $0x0  }
0x12: {  	s1 =	sld [smem:$0x3F9D];
	s0 =	simm.s32 @p0 $0x1  }
0x13: {  	[smem:$0x3FB8] =	sst s0;
	s0 =	simm.s32 @!p1 $0x0  }
0x14: {  	s2 =	sld [smem:$0x3F9C];
	s0 =	simm.s32 @p1 $0x1  }
0x15: {  	[smem:$0x3FB9] =	sst s0;
	s0 =	simm.s32 @!p2 $0x0  }
0x16: {  	s3 =	sld [smem:$0x3FDB];
	s0 =	simm.s32 @p2 $0x1  }
0x17: {  	s4 =	simm.s32 $0x1BF5;
	[smem:$0x3FBB] =	sst s0  }
0x18: {  	s0 =	sld [smem:$0x3F9E];
	_ =	swait.ge [sflag:s4], $0x0  }
0x19: {  	s7 =	sld [smem:$0x3F9F]  }
0x1a: {  	s8 =	sadd.s32 $0xFFFFE003, lr  }
0x1b: {  	s9 =	sadd.s32 $0xFFFFFEF7, lr;
	s5 =	simm.s32 $0xFFFFFFFF;
	p2 =	slt.u32 s8, $0xFFFFF086  }
0x1c: {  	p1 =	slt.u32 s9, $0xF7A;
	s5 =	simm.s32 @!p2 $0x0  }
0x1d: {  	s5 =	simm.s32 @p1 $0x1;
	p0 =	seq.s32 s7, s2  }
0x1e: {  	s7 =	smul.u32 @!p0 $0xF7A, s2;
	p2 =	seq.s32 @!p0 s5, $0x0  }
0x1f: {  	s9 =	smul.u32 $0xF7A, s1;
	s8 =	simm.s32 @!p0 $0x1BF5;
	p2 =	por !p2, p0  }
0x20: {  	[sflag:s8] =	ssyncset.s32 @!p0 $0xFFFFF086;
	s6 =	sadd.s32 @!p0 s3, s7;
	s7 =	simm.s32 @!p0 $0x108  }
0x21: {  	s3 =	sadd.s32 s3, s9;
	s6 =	sadd.s32 @!p0 $0x88, s6;
	s7 =	simm.s32 @p2 $0x1082  }
0x22: {  	[simem:s7], [sflag:s8] =	dma.local @!p0 [hbm:s6], $0xF7A  }
0x23: {  	s9 =	sor.u32 $0xD0000000, s2;
	s6 =	simm.s32 $0x108;
	_ =	swait.ge @!p0 [sflag:s8], $0x0  }
0x24: {  	s3 =	sadd.s32 $0x88, s3;
	s6 =	simm.s32 @!p1 $0x1082;
	[sflag:s4] =	ssyncset.s32 $0xFFFFF086  }
0x25: {  	[simem:s6], [sflag:s4] =	dma.local [hbm:s3], $0xF7A  }
0x26: {  	[smem:$0x3F9F] =	sst s1;
	(tag) =	ssettag s2;
	_ =	strace s9  }
0x27: {  	s1 =	sld [smem:$0x3FAF]  }
0x28: {  	s2 =	sld [smem:$0x3FB0]  }
0x29: {  	s4 =	sld [smem:$0x3FB2]  }
0x2a: {  	p0 =	seq.s32 s5, $0x0;
	s5 =	sld [smem:$0x3FB3]  }
0x2b: {  	s6 =	sld [smem:$0x3FB4]  }
0x2c: {  	s7 =	sld [smem:$0x3FB5]  }
0x2d: {  	s3 =	simm.s32 $0x108;
	s8 =	sld [smem:$0x3FB6]  }
0x2e: {  	s3 =	simm.s32 @!p0 $0x1082;
	s9 =	sld [smem:$0x3FB7]  }
0x2f: {  	lr =	sadd.s32 s0, s3;
	s0 =	sld [smem:$0x3FAE]  }
0x30: {  	s3 =	sld [smem:$0x3FB1]  }
0x31: {  	[smem:$0x3FBA] =	sst s10  }
0x32: {  	s10 =	sld [smem:$0x3FB8];
	_ =	sdelay $0x3  }
0x33: {  	p0 =	seq.s32 s10, $0x1;
	s10 =	sld [smem:$0x3FBA];
	_ =	sdelay $0x3  }
0x34: {  	[smem:$0x3FBA] =	sst s10  }
0x35: {  	s10 =	sld [smem:$0x3FB9];
	_ =	sdelay $0x3  }
0x36: {  	p1 =	seq.s32 s10, $0x1;
	s10 =	sld [smem:$0x3FBA];
	_ =	sdelay $0x3  }
0x37: {  	[smem:$0x3FBA] =	sst s10  }
0x38: {  	s10 =	sld [smem:$0x3FBB]  }
0x39: {  	_ = 	snop;
	(pc) =	sbr.ind lr, $3  }
0x3a: {  	_ = 	snop  }
0x3b: {  	_ = 	snop  }
0x3c: {  	p2 =	seq.s32 s10, $0x1;
	s10 =	sld [smem:$0x3FBA]  }
0x3d: {  	_ =	shalt  }
0x3e: {  	_ =	shalt  }
0x3f: {  	_ =	shalt  }
0x40: {  	_ =	shalt  }
0x41: {  	_ =	shalt  }
0x42: {  	_ =	shalt  }
0x43: {  	_ =	shalt  }
0x44: {  	_ =	shalt  }
0x45: {  	_ =	shalt  }
0x46: {  	_ =	shalt  }
0x47: {  	_ =	shalt  }
0x48: {  	_ =	shalt  }
0x49: {  	_ =	shalt  }
0x4a: {  	_ =	shalt  }
0x4b: {  	_ =	shalt  }
0x4c: {  	_ =	shalt  }
0x4d: {  	_ =	shalt  }
0x4e: {  	_ =	shalt  }
0x4f: {  	_ =	shalt  }
0x50: {  	_ =	shalt  }
0x51: {  	_ =	shalt  }
0x52: {  	_ =	shalt  }
0x53: {  	_ =	shalt  }
0x54: {  	_ =	shalt  }
0x55: {  	_ =	shalt  }
0x56: {  	_ =	shalt  }
0x57: {  	_ =	shalt  }
0x58: {  	_ =	shalt  }
0x59: {  	_ =	shalt  }
0x5a: {  	_ =	shalt  }
0x5b: {  	_ =	shalt  }
0x5c: {  	_ =	shalt  }
0x5d: {  	_ =	shalt  }
0x5e: {  	_ =	shalt  }
0x5f: {  	_ =	shalt  }
0x60: {  	_ =	shalt  }
0x61: {  	_ =	shalt  }
0x62: {  	_ =	shalt  }
0x63: {  	_ =	shalt  }
0x64: {  	_ =	shalt  }
0x65: {  	_ =	shalt  }
0x66: {  	_ =	shalt  }
0x67: {  	_ =	shalt  }
0x68: {  	_ =	shalt  }
0x69: {  	_ =	shalt  }
0x6a: {  	_ =	shalt  }
0x6b: {  	_ =	shalt  }
0x6c: {  	_ =	shalt  }
0x6d: {  	_ =	shalt  }
0x6e: {  	_ =	shalt  }
0x6f: {  	_ =	shalt  }
0x70: {  	_ =	shalt  }
0x71: {  	_ =	shalt  }
0x72: {  	_ =	shalt  }
0x73: {  	_ =	shalt  }
0x74: {  	_ =	shalt  }
0x75: {  	_ =	shalt  }
0x76: {  	_ =	shalt  }
0x77: {  	_ =	shalt  }
0x78: {  	_ =	shalt  }
0x79: {  	_ =	shalt  }
0x7a: {  	_ =	shalt  }
0x7b: {  	_ =	shalt  }
0x7c: {  	_ =	shalt  }
0x7d: {  	_ =	shalt  }
0x7e: {  	_ =	shalt  }
0x7f: {  	_ =	shalt  }
0x80: {  	_ =	shalt  }
0x81: {  	_ =	shalt  }
0x82: {  	_ =	shalt  }
0x83: {  	_ =	shalt  }
0x84: {  	_ =	shalt  }
0x85: {  	_ =	shalt  }
0x86: {  	_ =	shalt  }
0x87: {  	_ =	shalt  }
.Lfunc_end0:
.L_simem_size_0:
called_computation_lowered:
.L_overlay_start_0:
0x88: {  	s2 =	sld [smem:$0x3FD9]  }
0x89: {  	s3 =	sld [smem:$0x3FFE];
	_ =	sdelay $0x1  }
0x8a: {  	s1 =	srdreg.scid  }
0x8b: {  	s0 =	sand.u32 $0x1, s1  }
0x8c: {  	s14 =	sshll.u32 s0, $0xA;
	s2 =	sadd.s32 s3, s2  }
0x8d: {  	s2 =	sadd.s32 s2, s14  }
0x8e: {  	[smem:$0x3FC6] =	sst s2  }
0x8f: {  	_ = 	snop  }
0x90: {  	s2 =	sld [smem:$0x3FD0];
	_ =	sdelay $0x2  }
0x91: {  	s15 =	simm.s32 $0xA;
	s4 =	simm.s32 $0x10  }
0x92: {  	[smem:s4], [sflag:s15] =	dma.local [hbm:s2], $0x1  }
0x93: {  	_ =	swait.eq [sflag:s15], $0x1  }
0x94: {  	[sflag:s15] =	ssyncset.done $0x0  }
0x95: {  	[sflag:s15] =	ssyncadd.s32 $0xFFFFFFFF  }
0x96: {  	s16 =	sld [smem:$0x10];
	(tm) =	ssettm $0x1  }
0x97: {  	s17 =	sld [smem:$0x3FFB];
	_ =	sdelay $0x3  }
0x98: {  	_ =	strace s17  }
0x99: {  	s3 =	sld [smem:$0x3FFC];
	_ =	sdelay $0x3  }
0x9a: {  	_ =	strace s3  }
0x9b: {  	s3 =	sld [smem:$0x3FFD];
	_ =	sdelay $0x3  }
0x9c: {  	_ =	strace s3  }
0x9d: {  	_ =	strace $0x8FFFFFFF  }
0x9e: {  	s18 =	sld [smem:$0x3FDB];
	_ =	sdelay $0x1  }
0x9f: {  	s19 =	simm.s32 $_scs_section_size  }
0xa0: {  	s5 =	simm.s32 $_size__tile_overlayer_lowered;
	s6 =	simm.s32 $_tile_overlayer_lowered  }
0xa1: {  	s22 =	simm.s32 $0x1BFF;
	s21 =	sshll.u32 s6, $0x1;
	s3 =	sadd.s32 s19, s18  }
0xa2: {  	s7 =	simm.s32 $0x0;
	s20 =	sshll.u32 s5, $0x1;
	s5 =	sadd.s32 s21, s3  }
0xa3: {  	[timem:s7], [sflag:s22] =	dma.local [hbm:s5], s20  }
0xa4: {  	_ =	swait.ge [sflag:s22], s20  }
0xa5: {  	s4 =	ssub.s32 $0x0, s20;
	[sflag:s22] =	ssyncset.done $0x0  }
0xa6: {  	[sflag:s22] =	ssyncadd.s32 s4;
	_ =	sdelay $0x1  }
0xa7: {  	s23 =	simm.s32 $0x1B8B  }
0xa8: {  	_ =	swait.ge [sflag:s23], $0x1  }
0xa9: {  	[sflag:s23] =	ssyncset.done $0x0  }
0xaa: {  	s25 =	simm.s32 $0x1B8E;
	s24 =	sld [smem:$0x3FFE];
	[sflag:s23] =	ssyncadd.s32 $0xFFFFFFFF  }
0xab: {  	s26 =	simm.s32 $execute0_lowered;
	[smem:$0x3FD2] =	sst s25  }
0xac: {  	s5 =	sshll.u32 s26, $0x1;
	_ =	strace $0x80000046;
	[dreg:$0x1] =	wrdreg $0xFFFFFFFF  }
0xad: {  	s28 =	simm.s32 $_size_execute0_lowered;
	s3 =	sadd.s32 s3, s5;
	[dreg:$0x0] =	wrdreg $0x0  }
0xae: {  	s5 =	sshll.u32 s28, $0x1;
	[dreg:$0x2] =	wrdreg s3  }
0xaf: {  	[dreg:$0x3] =	wrdreg s5  }
0xb0: {  	[dreg:$0x4] =	wrdreg $0xC0  }
0xb1: {  	_ =	task [dreg:s7], $0x5FFFF  }
0xb2: {  	[dreg:$0x1] =	wrdreg $0xFFFFFFFF  }
0xb3: {  	[dreg:$0x0] =	wrdreg $0x60  }
0xb4: {  	[dreg:$0x2] =	wrdreg s24  }
0xb5: {  	[dreg:$0x3] =	wrdreg s16  }
0xb6: {  	[dreg:$0x4] =	wrdreg $0x9  }
0xb7: {  	_ =	task.clear_ibuf [dreg:s7], $0x5FFFF;
	_ =	strace $0x90000046  }
0xb8: {  	s29 =	simm.s32 $0x9;
	_ =	strace $0x80000048  }
0xb9: {  	_ =	swait.ge [sflag:s29], $0x1  }
0xba: {  	[sflag:s29] =	ssyncadd.s32 $0xFFFFFFFF  }
0xbb: {  	_ =	strace $0x90000048  }
0xbc: {  	_ =	sfence  }
0xbd: {  	s30 =	sld [smem:$0x0];
	_ =	sdelay $0x2  }
0xbe: {  	s31 =	sshll.u32 s1, $0xD;
	s1 =	sshrl.u32 s1, $0x2  }
0xbf: {  	s3 =	sand.u32 $0x4000, s31;
	s1 =	sadd.s32 s1, s30  }
0xc0: {  	s0 =	sor.u32 s3, s0;
	s1 =	sshll.u32 s1, $0x11  }
0xc1: {  	s0 =	sor.u32 s1, s0  }
0xc2: {  	s0 =	sadd.s32 $0x8F2B, s0  }
0xc3: {  	[sflag:s0] =	ssyncadd.remote.s32 $0x1  }
0xc4: {  	_ =	sfence.sel $0xFFFF  }
0xc5: {  	[dreg:$0x0] =	wrdreg $0xFFFFFFFF;
	(pc) =	sbr.abs _section_cstart, $3  }
0xc6: {  	[dreg:$0x1] =	wrdreg $0xFFFFFFFF  }
0xc7: {  	_ =	task.clear_ibuf [dreg:s7], $0x2FFFF;
	_ =	strace $0x9FFFFFFF  }
0xc8: {  	(tm) =	ssettm $0x7FFFFFFF  }
0xc9: {  	_ =	shalt  }
tec
execute0_lowered:
.L_overlay_start_1:
0x0: {  	(tag) =	ssettag $0x1  }
0x1: {  	s5 =	rddreg [dreg:$0x0]  }
0x2: {  	s2 =	rddreg [dreg:$0x1]  }
0x3: {  	s0 =	rddreg [dreg:$0x2]  }
0x4: {  	s3 =	simm.s32 $0x0;
	s4 =	srdreg.scid;
	s1 =	stileid.u32  }
0x5: {  	s14 =	simm.s32 $0x19800;
	s15 =	simm.s32 $0x5;
	s16 =	simm.s32 $0x1  }
0x6: {  	s17 =	simm.s32 $0x80;
	s18 =	simm.s32 $0x400;
	s19 =	simm.s32 $0x1A800  }
0x7: {  	s20 =	simm.s32 $0x2;
	s21 =	simm.s32 $0x1B800;
	s22 =	simm.s32 $0x3  }
0x8: {  	s23 =	simm.s32 $0x4;
	s24 =	simm.s32 $0x0;
	[smem:$0x7FF] =	sst s3  }
0x9: {  	s4 =	sand.u32 $0x1, s4;
	s6 =	sshll.u32 s1, $0x1;
	s10 =	sadd.s32 $0xFDA00, s5  }
0xa: {  	s31 =	sshll.u32 s1, $0xA;
	_ =	strace $0x80000047;
	s7 =	ssub.s32 $0x2, s4  }
0xb: {  	s8 =	sor.u32 s4, s6;
	s4 =	sadd.s32 $0x20A00, s5;
	s5 =	sadd.s32 $0x20C00, s5  }
0xc: {  	s29 =	sshrl.u32 s7, $0x1;
	s9 =	smul.u32 $0x3100, s8;
	s30 =	sshll.u32 s8, $0x4  }
0xd: {  	s11 =	sor.u32 $0x20, s8;
	s8 =	sand.u32 $0x3000, s31;
	s12 =	ssub.s32 s7, s29  }
0xe: {  	s7 =	sand.u32 $0x70, s30;
	s13 =	smul.u32 $0x3100, s11;
	s11 =	sshll.u32 s11, $0x9  }
0xf: {  	s6 =	sadd.s32 s10, s9;
	s9 =	sadd.s32 $0x8000, s2;
	s11 =	sand.u32 $0x7000, s11  }
0x10: {  	s12 =	smax.u32 s12, $0x1;
	s10 =	sadd.s32 s10, s13;
	s13 =	simm.s32 $0x18800  }
.LBB2_1:
0x11: {  	[tilespmem:s13], [sflag:$0x1] =	stream.linear.gather [hbm4b:s4+s3], $0x1000, $0x38;
	[tilespmem:$0x1C800] =	vst v63  }
0x12: {  	_ = 	snop  }
0x13: {  	[tilespmem:s14], [sflag:$0x2] =	stream.linear.gather [hbm4b:s5+s3], $0x1000, $0x38;
	[tilespmem:$0x1C800] =	vst v63  }
0x14: {  	_ = 	snop  }
0x15: {  	[tilespmem:s3], [sflag:$0x5] =	stream.linear.gather [hbm4b:s6+s3], $0x18800, $0x38;
	[tilespmem:$0x1C800] =	vst v63  }
0x16: {  	_ =	swait.ge [sflag:s15], $0x18800  }
0x17: {  	[sflag:s15] =	ssyncset.done $0x0  }
0x18: {  	s25 =	simm.s32 $0x0;
	[sflag:s15] =	ssyncadd.s32 $0xFFFE7800  }
.LBB2_2:
0x19: {  	_ =	swait.ge [sflag:s16], $0x1000  }
0x1a: {  	p0 =	seq.s32 s25, $0x0;
	[sflag:s16] =	ssyncset.done $0x0  }
0x1b: {  	s26 =	simm.s32 @!p0 $0x3;
	[sflag:s16] =	ssyncadd.s32 $0xFFFFF000  }
0x1c: {  	_ =	swait.ge @!p0 [sflag:s26], $0x1000  }
0x1d: {  	[sflag:s26] =	ssyncset.done @!p0 $0x0  }
0x1e: {  	s29 =	simm.s32 $0x0;
	[sflag:s26] =	ssyncadd.s32 @!p0 $0xFFFFF000  }
0x1f: {  	v14 =	vld [tilespmem:s29+$0x18800]  }
0x20: {  	v0 =	vld [tilespmem:s29+$0x18810]  }
0x21: {  	v1 =	vld [tilespmem:s29+$0x18820]  }
0x22: {  	v2 =	vld [tilespmem:s29+$0x18830]  }
0x23: {  	v3 =	vld [tilespmem:s29+$0x18840]  }
0x24: {  	v4 =	vld [tilespmem:s29+$0x18850]  }
0x25: {  	v5 =	vld [tilespmem:s29+$0x18860]  }
0x26: {  	v7 =	vld [tilespmem:s29+$0x18870]  }
0x27: {  	v9 =	vld [tilespmem:s29+$0x18880]  }
0x28: {  	v6 =	vld [tilespmem:s29+$0x18890]  }
0x29: {  	v8 =	vld [tilespmem:s29+$0x188A0]  }
0x2a: {  	v10 =	vld [tilespmem:s29+$0x188B0]  }
0x2b: {  	v11 =	vld [tilespmem:s29+$0x188C0]  }
0x2c: {  	v12 =	vld [tilespmem:s29+$0x188D0]  }
0x2d: {  	v13 =	vld [tilespmem:s29+$0x188E0]  }
0x2e: {  	v15 =	vld [tilespmem:s29+$0x188F0]  }
0x2f: {  	s28 =	simm.s32 $0x400;
	s26 =	sshll.u32 s25, $0xA;
	v14 =	vld.idx.msk [tilespmem:v14+s3+$0x0], $0xffff  }
.LBB2_3:
0x30: {  	p1 =	sne.s32 s28, $0x3C00;
	v16 =	vld.idx.msk [tilespmem:v0+s3+$0x0], $0xffff  }
0x31: {  	v17 =	vld.idx.msk [tilespmem:v1+s3+$0x0], $0xffff  }
0x32: {  	v18 =	vld.idx.msk [tilespmem:v2+s3+$0x0], $0xffff  }
0x33: {  	v19 =	vld.idx.msk [tilespmem:v3+s3+$0x0], $0xffff  }
0x34: {  	v20 =	vld.idx.msk [tilespmem:v4+s3+$0x0], $0xffff  }
0x35: {  	v21 =	vld.idx.msk [tilespmem:v5+s3+$0x0], $0xffff  }
0x36: {  	v22 =	vld.idx.msk [tilespmem:v7+s3+$0x0], $0xffff  }
0x37: {  	v23 =	vld.idx.msk [tilespmem:v9+s3+$0x0], $0xffff  }
0x38: {  	v0 =	vld.idx.msk [tilespmem:v15+s3+$0x0], $0xffff  }
0x39: {  	v15 =	vld.idx.msk [tilespmem:v6+s3+$0x0], $0xffff  }
0x3a: {  	v24 =	vld.idx.msk [tilespmem:v8+s3+$0x0], $0xffff  }
0x3b: {  	v25 =	vld.idx.msk [tilespmem:v10+s3+$0x0], $0xffff  }
0x3c: {  	v26 =	vld.idx.msk [tilespmem:v11+s3+$0x0], $0xffff  }
0x3d: {  	v27 =	vld.idx.msk [tilespmem:v12+s3+$0x0], $0xffff  }
0x3e: {  	s30 =	sshra.s32 s28, $0x2;
	v28 =	vld.idx.msk [tilespmem:v13+s3+$0x0], $0xffff;
	[tilespmem:s29+$0x1A8F0] =	vst v0  }
0x3f: {  	v29 =	vld [tilespmem:s30+$0x18800];
	[tilespmem:s29+$0x1A800] =	vst v14  }
0x40: {  	v0 =	vld [tilespmem:s30+$0x18810];
	[tilespmem:s29+$0x1A810] =	vst v16  }
0x41: {  	v1 =	vld [tilespmem:s30+$0x18820];
	[tilespmem:s29+$0x1A820] =	vst v17  }
0x42: {  	v2 =	vld [tilespmem:s30+$0x18830];
	[tilespmem:s29+$0x1A830] =	vst v18  }
0x43: {  	v3 =	vld [tilespmem:s30+$0x18840];
	[tilespmem:s29+$0x1A840] =	vst v19  }
0x44: {  	v4 =	vld [tilespmem:s30+$0x18850];
	[tilespmem:s29+$0x1A850] =	vst v20  }
0x45: {  	v5 =	vld [tilespmem:s30+$0x18860];
	[tilespmem:s29+$0x1A860] =	vst v21  }
0x46: {  	v7 =	vld [tilespmem:s30+$0x18870];
	[tilespmem:s29+$0x1A870] =	vst v22  }
0x47: {  	v9 =	vld [tilespmem:s30+$0x18880];
	[tilespmem:s29+$0x1A880] =	vst v23  }
0x48: {  	v6 =	vld [tilespmem:s30+$0x18890];
	[tilespmem:s29+$0x1A890] =	vst v15  }
0x49: {  	v8 =	vld [tilespmem:s30+$0x188A0];
	[tilespmem:s29+$0x1A8A0] =	vst v24  }
0x4a: {  	v10 =	vld [tilespmem:s30+$0x188B0];
	[tilespmem:s29+$0x1A8B0] =	vst v25  }
.Ltmp0:
0x4b: {  	v11 =	vld [tilespmem:s30+$0x188C0];
	[tilespmem:s29+$0x1A8C0] =	vst v26;
	(pc) =	sbr.rel @p1 .LBB2_3-.Ltmp0, $4  }
0x4c: {  	v12 =	vld [tilespmem:s30+$0x188D0];
	[tilespmem:s29+$0x1A8D0] =	vst v27  }
0x4d: {  	v13 =	vld [tilespmem:s30+$0x188E0];
	[tilespmem:s29+$0x1A8E0] =	vst v28;
	s29 =	smov.u32 s30  }
0x4e: {  	v15 =	vld [tilespmem:s29+$0x188F0]  }
0x4f: {  	s28 =	sadd.s32 $0x400, s28;
	v14 =	vld.idx.msk [tilespmem:v29+s3+$0x0], $0xffff  }
0x50: {  	_ =	sdelay $0x3  }
0x51: {  	v0 =	vld.idx.msk [tilespmem:v0+s3+$0x0], $0xffff  }
0x52: {  	v1 =	vld.idx.msk [tilespmem:v1+s3+$0x0], $0xffff  }
0x53: {  	v2 =	vld.idx.msk [tilespmem:v2+s3+$0x0], $0xffff  }
0x54: {  	v3 =	vld.idx.msk [tilespmem:v3+s3+$0x0], $0xffff  }
0x55: {  	v4 =	vld.idx.msk [tilespmem:v4+s3+$0x0], $0xffff  }
0x56: {  	v5 =	vld.idx.msk [tilespmem:v5+s3+$0x0], $0xffff  }
0x57: {  	v7 =	vld.idx.msk [tilespmem:v7+s3+$0x0], $0xffff  }
0x58: {  	v9 =	vld.idx.msk [tilespmem:v9+s3+$0x0], $0xffff  }
0x59: {  	v6 =	vld.idx.msk [tilespmem:v6+s3+$0x0], $0xffff  }
0x5a: {  	v8 =	vld.idx.msk [tilespmem:v8+s3+$0x0], $0xffff  }
0x5b: {  	v10 =	vld.idx.msk [tilespmem:v10+s3+$0x0], $0xffff  }
0x5c: {  	v11 =	vld.idx.msk [tilespmem:v11+s3+$0x0], $0xffff  }
0x5d: {  	v12 =	vld.idx.msk [tilespmem:v12+s3+$0x0], $0xffff  }
0x5e: {  	v13 =	vld.idx.msk [tilespmem:v13+s3+$0x0], $0xffff  }
0x5f: {  	v15 =	vld.idx.msk [tilespmem:v15+s3+$0x0], $0xffff;
	[tilespmem:s29+$0x1A800] =	vst v14  }
0x60: {  	[tilespmem:s29+$0x1A810] =	vst v0  }
0x61: {  	[tilespmem:s29+$0x1A820] =	vst v1  }
0x62: {  	[tilespmem:s29+$0x1A830] =	vst v2  }
0x63: {  	[tilespmem:s29+$0x1A840] =	vst v3  }
0x64: {  	[tilespmem:s29+$0x1A850] =	vst v4  }
0x65: {  	[tilespmem:s29+$0x1A860] =	vst v5  }
0x66: {  	[tilespmem:s29+$0x1A870] =	vst v7  }
0x67: {  	[tilespmem:s29+$0x1A880] =	vst v9  }
0x68: {  	[tilespmem:s29+$0x1A890] =	vst v6  }
0x69: {  	[tilespmem:s29+$0x1A8A0] =	vst v8  }
0x6a: {  	[tilespmem:s29+$0x1A8B0] =	vst v10  }
0x6b: {  	s28 =	sshll.u32 s25, $0x10;
	[tilespmem:s29+$0x1A8C0] =	vst v11  }
0x6c: {  	s28 =	sor.u32 s28, s8;
	[tilespmem:s29+$0x1A8D0] =	vst v12  }
0x6d: {  	s28 =	sor.u32 s7, s28;
	[tilespmem:s29+$0x1A8E0] =	vst v13  }
0x6e: {  	[tilespmem:s29+$0x1A8F0] =	vst v15;
	s29 =	sadd.s32 s2, s28  }
0x6f: {  	[hbm4b:s29+s17] =	stream.strided.scatter [tilespmem:s19], [sflag:$0x3], $0x1000, s18, s17, $0x38;
	[tilespmem:$0x1C800] =	vst v63  }
0x70: {  	p1 =	seq.s32 s25, $0x63;
	s29 =	sadd.s32 $0x400, s26  }
0x71: {  	s29 =	simm.s32 @p1 $0x0  }
0x72: {  	s29 =	sadd.s32 s4, s29  }
0x73: {  	[tilespmem:s13], [sflag:$0x1] =	stream.linear.gather [hbm4b:s29+s3], $0x1000, $0x38;
	[tilespmem:$0x1C800] =	vst v63  }
0x74: {  	_ =	swait.ge [sflag:s20], $0x1000  }
0x75: {  	[sflag:s20] =	ssyncset.done $0x0  }
0x76: {  	s29 =	simm.s32 @!p0 $0x4;
	[sflag:s20] =	ssyncadd.s32 $0xFFFFF000  }
0x77: {  	_ =	swait.ge @!p0 [sflag:s29], $0x1000  }
0x78: {  	[sflag:s29] =	ssyncset.done @!p0 $0x0  }
0x79: {  	[sflag:s29] =	ssyncadd.s32 @!p0 $0xFFFFF000;
	s29 =	simm.s32 $0x0  }
0x7a: {  	v14 =	vld [tilespmem:s29+$0x19800]  }
0x7b: {  	v0 =	vld [tilespmem:s29+$0x19810]  }
0x7c: {  	v1 =	vld [tilespmem:s29+$0x19820]  }
0x7d: {  	v2 =	vld [tilespmem:s29+$0x19830]  }
0x7e: {  	v3 =	vld [tilespmem:s29+$0x19840]  }
0x7f: {  	v4 =	vld [tilespmem:s29+$0x19850]  }
0x80: {  	v5 =	vld [tilespmem:s29+$0x19860]  }
0x81: {  	v7 =	vld [tilespmem:s29+$0x19870]  }
0x82: {  	v9 =	vld [tilespmem:s29+$0x19880]  }
0x83: {  	v6 =	vld [tilespmem:s29+$0x19890]  }
0x84: {  	v8 =	vld [tilespmem:s29+$0x198A0]  }
0x85: {  	v10 =	vld [tilespmem:s29+$0x198B0]  }
0x86: {  	v11 =	vld [tilespmem:s29+$0x198C0]  }
0x87: {  	v12 =	vld [tilespmem:s29+$0x198D0]  }
0x88: {  	v13 =	vld [tilespmem:s29+$0x198E0]  }
0x89: {  	v15 =	vld [tilespmem:s29+$0x198F0]  }
0x8a: {  	s30 =	simm.s32 $0x400;
	v14 =	vld.idx.msk [tilespmem:v14+s3+$0x0], $0xffff  }
.LBB2_5:
0x8b: {  	p0 =	sne.s32 s30, $0x3C00;
	v16 =	vld.idx.msk [tilespmem:v0+s3+$0x0], $0xffff  }
0x8c: {  	v17 =	vld.idx.msk [tilespmem:v1+s3+$0x0], $0xffff  }
0x8d: {  	v18 =	vld.idx.msk [tilespmem:v2+s3+$0x0], $0xffff  }
0x8e: {  	v19 =	vld.idx.msk [tilespmem:v3+s3+$0x0], $0xffff  }
0x8f: {  	v20 =	vld.idx.msk [tilespmem:v4+s3+$0x0], $0xffff  }
0x90: {  	v21 =	vld.idx.msk [tilespmem:v5+s3+$0x0], $0xffff  }
0x91: {  	v22 =	vld.idx.msk [tilespmem:v7+s3+$0x0], $0xffff  }
0x92: {  	v23 =	vld.idx.msk [tilespmem:v9+s3+$0x0], $0xffff  }
0x93: {  	v0 =	vld.idx.msk [tilespmem:v15+s3+$0x0], $0xffff  }
0x94: {  	v15 =	vld.idx.msk [tilespmem:v6+s3+$0x0], $0xffff  }
0x95: {  	v24 =	vld.idx.msk [tilespmem:v8+s3+$0x0], $0xffff  }
0x96: {  	v25 =	vld.idx.msk [tilespmem:v10+s3+$0x0], $0xffff  }
0x97: {  	v26 =	vld.idx.msk [tilespmem:v11+s3+$0x0], $0xffff  }
0x98: {  	v27 =	vld.idx.msk [tilespmem:v12+s3+$0x0], $0xffff  }
0x99: {  	s31 =	sshra.s32 s30, $0x2;
	v28 =	vld.idx.msk [tilespmem:v13+s3+$0x0], $0xffff;
	[tilespmem:s29+$0x1B8F0] =	vst v0  }
0x9a: {  	v29 =	vld [tilespmem:s31+$0x19800];
	[tilespmem:s29+$0x1B800] =	vst v14  }
0x9b: {  	v0 =	vld [tilespmem:s31+$0x19810];
	[tilespmem:s29+$0x1B810] =	vst v16  }
0x9c: {  	v1 =	vld [tilespmem:s31+$0x19820];
	[tilespmem:s29+$0x1B820] =	vst v17  }
0x9d: {  	v2 =	vld [tilespmem:s31+$0x19830];
	[tilespmem:s29+$0x1B830] =	vst v18  }
0x9e: {  	v3 =	vld [tilespmem:s31+$0x19840];
	[tilespmem:s29+$0x1B840] =	vst v19  }
0x9f: {  	v4 =	vld [tilespmem:s31+$0x19850];
	[tilespmem:s29+$0x1B850] =	vst v20  }
0xa0: {  	v5 =	vld [tilespmem:s31+$0x19860];
	[tilespmem:s29+$0x1B860] =	vst v21  }
0xa1: {  	v7 =	vld [tilespmem:s31+$0x19870];
	[tilespmem:s29+$0x1B870] =	vst v22  }
0xa2: {  	v9 =	vld [tilespmem:s31+$0x19880];
	[tilespmem:s29+$0x1B880] =	vst v23  }
0xa3: {  	v6 =	vld [tilespmem:s31+$0x19890];
	[tilespmem:s29+$0x1B890] =	vst v15  }
0xa4: {  	v8 =	vld [tilespmem:s31+$0x198A0];
	[tilespmem:s29+$0x1B8A0] =	vst v24  }
0xa5: {  	v10 =	vld [tilespmem:s31+$0x198B0];
	[tilespmem:s29+$0x1B8B0] =	vst v25  }
.Ltmp1:
0xa6: {  	v11 =	vld [tilespmem:s31+$0x198C0];
	[tilespmem:s29+$0x1B8C0] =	vst v26;
	(pc) =	sbr.rel @p0 .LBB2_5-.Ltmp1, $4  }
0xa7: {  	v12 =	vld [tilespmem:s31+$0x198D0];
	[tilespmem:s29+$0x1B8D0] =	vst v27  }
0xa8: {  	v13 =	vld [tilespmem:s31+$0x198E0];
	[tilespmem:s29+$0x1B8E0] =	vst v28;
	s29 =	smov.u32 s31  }
0xa9: {  	v15 =	vld [tilespmem:s29+$0x198F0]  }
0xaa: {  	s30 =	sadd.s32 $0x400, s30;
	v14 =	vld.idx.msk [tilespmem:v29+s3+$0x0], $0xffff  }
0xab: {  	_ =	sdelay $0x3  }
0xac: {  	v0 =	vld.idx.msk [tilespmem:v0+s3+$0x0], $0xffff  }
0xad: {  	v1 =	vld.idx.msk [tilespmem:v1+s3+$0x0], $0xffff  }
0xae: {  	v2 =	vld.idx.msk [tilespmem:v2+s3+$0x0], $0xffff  }
0xaf: {  	v3 =	vld.idx.msk [tilespmem:v3+s3+$0x0], $0xffff  }
0xb0: {  	v4 =	vld.idx.msk [tilespmem:v4+s3+$0x0], $0xffff  }
0xb1: {  	v5 =	vld.idx.msk [tilespmem:v5+s3+$0x0], $0xffff  }
0xb2: {  	v7 =	vld.idx.msk [tilespmem:v7+s3+$0x0], $0xffff  }
0xb3: {  	v9 =	vld.idx.msk [tilespmem:v9+s3+$0x0], $0xffff  }
0xb4: {  	v6 =	vld.idx.msk [tilespmem:v6+s3+$0x0], $0xffff  }
0xb5: {  	v8 =	vld.idx.msk [tilespmem:v8+s3+$0x0], $0xffff  }
0xb6: {  	v10 =	vld.idx.msk [tilespmem:v10+s3+$0x0], $0xffff  }
0xb7: {  	v11 =	vld.idx.msk [tilespmem:v11+s3+$0x0], $0xffff  }
0xb8: {  	v12 =	vld.idx.msk [tilespmem:v12+s3+$0x0], $0xffff  }
0xb9: {  	v13 =	vld.idx.msk [tilespmem:v13+s3+$0x0], $0xffff  }
0xba: {  	v15 =	vld.idx.msk [tilespmem:v15+s3+$0x0], $0xffff;
	[tilespmem:s29+$0x1B800] =	vst v14  }
0xbb: {  	[tilespmem:s29+$0x1B810] =	vst v0  }
0xbc: {  	[tilespmem:s29+$0x1B820] =	vst v1  }
0xbd: {  	[tilespmem:s29+$0x1B830] =	vst v2  }
0xbe: {  	[tilespmem:s29+$0x1B840] =	vst v3  }
0xbf: {  	[tilespmem:s29+$0x1B850] =	vst v4  }
0xc0: {  	[tilespmem:s29+$0x1B860] =	vst v5  }
0xc1: {  	[tilespmem:s29+$0x1B870] =	vst v7  }
0xc2: {  	[tilespmem:s29+$0x1B880] =	vst v9  }
0xc3: {  	[tilespmem:s29+$0x1B890] =	vst v6  }
0xc4: {  	[tilespmem:s29+$0x1B8A0] =	vst v8  }
0xc5: {  	[tilespmem:s29+$0x1B8B0] =	vst v10  }
0xc6: {  	s25 =	sadd.s32 $0x1, s25;
	[tilespmem:s29+$0x1B8C0] =	vst v11  }
0xc7: {  	p0 =	sne.s32 s25, $0x64;
	[tilespmem:s29+$0x1B8D0] =	vst v12  }
.Ltmp2:
0xc8: {  	s26 =	sadd.s32 $0x600, s26;
	[tilespmem:s29+$0x1B8E0] =	vst v13;
	(pc) =	sbr.rel @p0 .LBB2_2-.Ltmp2, $4  }
0xc9: {  	s28 =	sadd.s32 s28, s9;
	s26 =	simm.s32 @p1 $0x200;
	[tilespmem:s29+$0x1B8F0] =	vst v15  }
0xca: {  	[hbm4b:s28+s17] =	stream.strided.scatter [tilespmem:s21], [sflag:$0x4], $0x1000, s18, s17, $0x38;
	[tilespmem:$0x1C800] =	vst v63  }
0xcb: {  	s26 =	sadd.s32 s4, s26  }
0xcc: {  	[tilespmem:s14], [sflag:$0x2] =	stream.linear.gather [hbm4b:s26+s3], $0x1000, $0x38;
	[tilespmem:$0x1C800] =	vst v63  }
0xcd: {  	s25 =	simm.s32 $0x0  }
0xce: {  	[tilespmem:s25], [sflag:$0x5] =	stream.linear.gather [hbm4b:s10+s25], $0x18800, $0x38;
	[tilespmem:$0x1C800] =	vst v63  }
0xcf: {  	_ =	swait.ge [sflag:s15], $0x18800  }
0xd0: {  	[sflag:s15] =	ssyncset.done $0x0  }
0xd1: {  	[sflag:s15] =	ssyncadd.s32 $0xFFFE7800  }
.LBB2_8:
0xd2: {  	_ =	swait.ge [sflag:s16], $0x1000  }
0xd3: {  	[sflag:s16] =	ssyncset.done $0x0  }
0xd4: {  	[sflag:s16] =	ssyncadd.s32 $0xFFFFF000  }
0xd5: {  	_ =	swait.ge [sflag:s22], $0x1000  }
0xd6: {  	[sflag:s22] =	ssyncset.done $0x0  }
0xd7: {  	s26 =	simm.s32 $0x0;
	[sflag:s22] =	ssyncadd.s32 $0xFFFFF000  }
0xd8: {  	v14 =	vld [tilespmem:s26+$0x18800]  }
0xd9: {  	v0 =	vld [tilespmem:s26+$0x18810]  }
0xda: {  	v1 =	vld [tilespmem:s26+$0x18820]  }
0xdb: {  	v2 =	vld [tilespmem:s26+$0x18830]  }
0xdc: {  	v3 =	vld [tilespmem:s26+$0x18840]  }
0xdd: {  	v4 =	vld [tilespmem:s26+$0x18850]  }
0xde: {  	v5 =	vld [tilespmem:s26+$0x18860]  }
0xdf: {  	v7 =	vld [tilespmem:s26+$0x18870]  }
0xe0: {  	v9 =	vld [tilespmem:s26+$0x18880]  }
0xe1: {  	v6 =	vld [tilespmem:s26+$0x18890]  }
0xe2: {  	v8 =	vld [tilespmem:s26+$0x188A0]  }
0xe3: {  	v10 =	vld [tilespmem:s26+$0x188B0]  }
0xe4: {  	v11 =	vld [tilespmem:s26+$0x188C0]  }
0xe5: {  	v12 =	vld [tilespmem:s26+$0x188D0]  }
0xe6: {  	v13 =	vld [tilespmem:s26+$0x188E0]  }
0xe7: {  	v15 =	vld [tilespmem:s26+$0x188F0]  }
0xe8: {  	s28 =	simm.s32 $0x400;
	v14 =	vld.idx.msk [tilespmem:v14+s3+$0x0], $0xffff  }
.LBB2_9:
0xe9: {  	p0 =	sne.s32 s28, $0x3C00;
	v16 =	vld.idx.msk [tilespmem:v0+s3+$0x0], $0xffff  }
0xea: {  	v17 =	vld.idx.msk [tilespmem:v1+s3+$0x0], $0xffff  }
0xeb: {  	v18 =	vld.idx.msk [tilespmem:v2+s3+$0x0], $0xffff  }
0xec: {  	v19 =	vld.idx.msk [tilespmem:v3+s3+$0x0], $0xffff  }
0xed: {  	v20 =	vld.idx.msk [tilespmem:v4+s3+$0x0], $0xffff  }
0xee: {  	v21 =	vld.idx.msk [tilespmem:v5+s3+$0x0], $0xffff  }
0xef: {  	v22 =	vld.idx.msk [tilespmem:v7+s3+$0x0], $0xffff  }
0xf0: {  	v23 =	vld.idx.msk [tilespmem:v9+s3+$0x0], $0xffff  }
0xf1: {  	v0 =	vld.idx.msk [tilespmem:v15+s3+$0x0], $0xffff  }
0xf2: {  	v15 =	vld.idx.msk [tilespmem:v6+s3+$0x0], $0xffff  }
0xf3: {  	v24 =	vld.idx.msk [tilespmem:v8+s3+$0x0], $0xffff  }
0xf4: {  	v25 =	vld.idx.msk [tilespmem:v10+s3+$0x0], $0xffff  }
0xf5: {  	v26 =	vld.idx.msk [tilespmem:v11+s3+$0x0], $0xffff  }
0xf6: {  	v27 =	vld.idx.msk [tilespmem:v12+s3+$0x0], $0xffff  }
0xf7: {  	s29 =	sshra.s32 s28, $0x2;
	v28 =	vld.idx.msk [tilespmem:v13+s3+$0x0], $0xffff;
	[tilespmem:s26+$0x1A8F0] =	vst v0  }
0xf8: {  	v29 =	vld [tilespmem:s29+$0x18800];
	[tilespmem:s26+$0x1A800] =	vst v14  }
0xf9: {  	v0 =	vld [tilespmem:s29+$0x18810];
	[tilespmem:s26+$0x1A810] =	vst v16  }
0xfa: {  	v1 =	vld [tilespmem:s29+$0x18820];
	[tilespmem:s26+$0x1A820] =	vst v17  }
0xfb: {  	v2 =	vld [tilespmem:s29+$0x18830];
	[tilespmem:s26+$0x1A830] =	vst v18  }
0xfc: {  	v3 =	vld [tilespmem:s29+$0x18840];
	[tilespmem:s26+$0x1A840] =	vst v19  }
0xfd: {  	v4 =	vld [tilespmem:s29+$0x18850];
	[tilespmem:s26+$0x1A850] =	vst v20  }
0xfe: {  	v5 =	vld [tilespmem:s29+$0x18860];
	[tilespmem:s26+$0x1A860] =	vst v21  }
0xff: {  	v7 =	vld [tilespmem:s29+$0x18870];
	[tilespmem:s26+$0x1A870] =	vst v22  }
0x100: {  	v9 =	vld [tilespmem:s29+$0x18880];
	[tilespmem:s26+$0x1A880] =	vst v23  }
0x101: {  	v6 =	vld [tilespmem:s29+$0x18890];
	[tilespmem:s26+$0x1A890] =	vst v15  }
0x102: {  	v8 =	vld [tilespmem:s29+$0x188A0];
	[tilespmem:s26+$0x1A8A0] =	vst v24  }
0x103: {  	v10 =	vld [tilespmem:s29+$0x188B0];
	[tilespmem:s26+$0x1A8B0] =	vst v25  }
.Ltmp3:
0x104: {  	v11 =	vld [tilespmem:s29+$0x188C0];
	[tilespmem:s26+$0x1A8C0] =	vst v26;
	(pc) =	sbr.rel @p0 .LBB2_9-.Ltmp3, $4  }
0x105: {  	v12 =	vld [tilespmem:s29+$0x188D0];
	[tilespmem:s26+$0x1A8D0] =	vst v27  }
0x106: {  	v13 =	vld [tilespmem:s29+$0x188E0];
	[tilespmem:s26+$0x1A8E0] =	vst v28;
	s26 =	smov.u32 s29  }
0x107: {  	v15 =	vld [tilespmem:s26+$0x188F0]  }
0x108: {  	s28 =	sadd.s32 $0x400, s28;
	v14 =	vld.idx.msk [tilespmem:v29+s3+$0x0], $0xffff  }
0x109: {  	_ =	sdelay $0x3  }
0x10a: {  	v0 =	vld.idx.msk [tilespmem:v0+s3+$0x0], $0xffff  }
0x10b: {  	v1 =	vld.idx.msk [tilespmem:v1+s3+$0x0], $0xffff  }
0x10c: {  	v2 =	vld.idx.msk [tilespmem:v2+s3+$0x0], $0xffff  }
0x10d: {  	v3 =	vld.idx.msk [tilespmem:v3+s3+$0x0], $0xffff  }
0x10e: {  	v4 =	vld.idx.msk [tilespmem:v4+s3+$0x0], $0xffff  }
0x10f: {  	v5 =	vld.idx.msk [tilespmem:v5+s3+$0x0], $0xffff  }
0x110: {  	v7 =	vld.idx.msk [tilespmem:v7+s3+$0x0], $0xffff  }
0x111: {  	v9 =	vld.idx.msk [tilespmem:v9+s3+$0x0], $0xffff  }
0x112: {  	v6 =	vld.idx.msk [tilespmem:v6+s3+$0x0], $0xffff  }
0x113: {  	v8 =	vld.idx.msk [tilespmem:v8+s3+$0x0], $0xffff  }
0x114: {  	v10 =	vld.idx.msk [tilespmem:v10+s3+$0x0], $0xffff  }
0x115: {  	v11 =	vld.idx.msk [tilespmem:v11+s3+$0x0], $0xffff  }
0x116: {  	v12 =	vld.idx.msk [tilespmem:v12+s3+$0x0], $0xffff  }
0x117: {  	v13 =	vld.idx.msk [tilespmem:v13+s3+$0x0], $0xffff  }
0x118: {  	v15 =	vld.idx.msk [tilespmem:v15+s3+$0x0], $0xffff;
	[tilespmem:s26+$0x1A800] =	vst v14  }
0x119: {  	[tilespmem:s26+$0x1A810] =	vst v0  }
0x11a: {  	[tilespmem:s26+$0x1A820] =	vst v1  }
0x11b: {  	[tilespmem:s26+$0x1A830] =	vst v2  }
0x11c: {  	[tilespmem:s26+$0x1A840] =	vst v3  }
0x11d: {  	[tilespmem:s26+$0x1A850] =	vst v4  }
0x11e: {  	[tilespmem:s26+$0x1A860] =	vst v5  }
0x11f: {  	[tilespmem:s26+$0x1A870] =	vst v7  }
0x120: {  	[tilespmem:s26+$0x1A880] =	vst v9  }
0x121: {  	[tilespmem:s26+$0x1A890] =	vst v6  }
0x122: {  	[tilespmem:s26+$0x1A8A0] =	vst v8  }
0x123: {  	[tilespmem:s26+$0x1A8B0] =	vst v10  }
0x124: {  	s28 =	sshll.u32 s25, $0x10;
	[tilespmem:s26+$0x1A8C0] =	vst v11  }
0x125: {  	s28 =	sor.u32 s28, s11;
	[tilespmem:s26+$0x1A8D0] =	vst v12  }
0x126: {  	s28 =	sor.u32 s7, s28;
	[tilespmem:s26+$0x1A8E0] =	vst v13  }
0x127: {  	s29 =	sadd.s32 s2, s28;
	[tilespmem:s26+$0x1A8F0] =	vst v15;
	s26 =	sshll.u32 s25, $0xA  }
0x128: {  	[hbm4b:s29+s17] =	stream.strided.scatter [tilespmem:s19], [sflag:$0x3], $0x1000, s18, s17, $0x38;
	[tilespmem:$0x1C800] =	vst v63  }
0x129: {  	p0 =	seq.s32 s25, $0x63;
	s29 =	sadd.s32 $0x400, s26  }
0x12a: {  	s29 =	simm.s32 @p0 $0x0  }
0x12b: {  	s30 =	simm.s32 $0x0;
	s29 =	sadd.s32 s4, s29  }
0x12c: {  	[tilespmem:s13], [sflag:$0x1] =	stream.linear.gather [hbm4b:s29+s30], $0x1000, $0x38;
	[tilespmem:$0x1C800] =	vst v63  }
0x12d: {  	_ =	swait.ge [sflag:s20], $0x1000  }
0x12e: {  	[sflag:s20] =	ssyncset.done $0x0  }
0x12f: {  	[sflag:s20] =	ssyncadd.s32 $0xFFFFF000  }
0x130: {  	_ =	swait.ge [sflag:s23], $0x1000  }
0x131: {  	[sflag:s23] =	ssyncset.done $0x0  }
0x132: {  	s29 =	simm.s32 $0x0;
	[sflag:s23] =	ssyncadd.s32 $0xFFFFF000  }
0x133: {  	v14 =	vld [tilespmem:s29+$0x19800]  }
0x134: {  	v0 =	vld [tilespmem:s29+$0x19810]  }
0x135: {  	v1 =	vld [tilespmem:s29+$0x19820]  }
0x136: {  	v2 =	vld [tilespmem:s29+$0x19830]  }
0x137: {  	v3 =	vld [tilespmem:s29+$0x19840]  }
0x138: {  	v4 =	vld [tilespmem:s29+$0x19850]  }
0x139: {  	v5 =	vld [tilespmem:s29+$0x19860]  }
0x13a: {  	v7 =	vld [tilespmem:s29+$0x19870]  }
0x13b: {  	v9 =	vld [tilespmem:s29+$0x19880]  }
0x13c: {  	v6 =	vld [tilespmem:s29+$0x19890]  }
0x13d: {  	v8 =	vld [tilespmem:s29+$0x198A0]  }
0x13e: {  	v10 =	vld [tilespmem:s29+$0x198B0]  }
0x13f: {  	v11 =	vld [tilespmem:s29+$0x198C0]  }
0x140: {  	v12 =	vld [tilespmem:s29+$0x198D0]  }
0x141: {  	v13 =	vld [tilespmem:s29+$0x198E0]  }
0x142: {  	v15 =	vld [tilespmem:s29+$0x198F0]  }
0x143: {  	s30 =	simm.s32 $0x400;
	v14 =	vld.idx.msk [tilespmem:v14+s3+$0x0], $0xffff  }
.LBB2_11:
0x144: {  	p1 =	sne.s32 s30, $0x3C00;
	v16 =	vld.idx.msk [tilespmem:v0+s3+$0x0], $0xffff  }
0x145: {  	v17 =	vld.idx.msk [tilespmem:v1+s3+$0x0], $0xffff  }
0x146: {  	v18 =	vld.idx.msk [tilespmem:v2+s3+$0x0], $0xffff  }
0x147: {  	v19 =	vld.idx.msk [tilespmem:v3+s3+$0x0], $0xffff  }
0x148: {  	v20 =	vld.idx.msk [tilespmem:v4+s3+$0x0], $0xffff  }
0x149: {  	v21 =	vld.idx.msk [tilespmem:v5+s3+$0x0], $0xffff  }
0x14a: {  	v22 =	vld.idx.msk [tilespmem:v7+s3+$0x0], $0xffff  }
0x14b: {  	v23 =	vld.idx.msk [tilespmem:v9+s3+$0x0], $0xffff  }
0x14c: {  	v0 =	vld.idx.msk [tilespmem:v15+s3+$0x0], $0xffff  }
0x14d: {  	v15 =	vld.idx.msk [tilespmem:v6+s3+$0x0], $0xffff  }
0x14e: {  	v24 =	vld.idx.msk [tilespmem:v8+s3+$0x0], $0xffff  }
0x14f: {  	v25 =	vld.idx.msk [tilespmem:v10+s3+$0x0], $0xffff  }
0x150: {  	v26 =	vld.idx.msk [tilespmem:v11+s3+$0x0], $0xffff  }
0x151: {  	v27 =	vld.idx.msk [tilespmem:v12+s3+$0x0], $0xffff  }
0x152: {  	s31 =	sshra.s32 s30, $0x2;
	v28 =	vld.idx.msk [tilespmem:v13+s3+$0x0], $0xffff;
	[tilespmem:s29+$0x1B8F0] =	vst v0  }
0x153: {  	v29 =	vld [tilespmem:s31+$0x19800];
	[tilespmem:s29+$0x1B800] =	vst v14  }
0x154: {  	v0 =	vld [tilespmem:s31+$0x19810];
	[tilespmem:s29+$0x1B810] =	vst v16  }
0x155: {  	v1 =	vld [tilespmem:s31+$0x19820];
	[tilespmem:s29+$0x1B820] =	vst v17  }
0x156: {  	v2 =	vld [tilespmem:s31+$0x19830];
	[tilespmem:s29+$0x1B830] =	vst v18  }
0x157: {  	v3 =	vld [tilespmem:s31+$0x19840];
	[tilespmem:s29+$0x1B840] =	vst v19  }
0x158: {  	v4 =	vld [tilespmem:s31+$0x19850];
	[tilespmem:s29+$0x1B850] =	vst v20  }
0x159: {  	v5 =	vld [tilespmem:s31+$0x19860];
	[tilespmem:s29+$0x1B860] =	vst v21  }
0x15a: {  	v7 =	vld [tilespmem:s31+$0x19870];
	[tilespmem:s29+$0x1B870] =	vst v22  }
0x15b: {  	v9 =	vld [tilespmem:s31+$0x19880];
	[tilespmem:s29+$0x1B880] =	vst v23  }
0x15c: {  	v6 =	vld [tilespmem:s31+$0x19890];
	[tilespmem:s29+$0x1B890] =	vst v15  }
0x15d: {  	v8 =	vld [tilespmem:s31+$0x198A0];
	[tilespmem:s29+$0x1B8A0] =	vst v24  }
0x15e: {  	v10 =	vld [tilespmem:s31+$0x198B0];
	[tilespmem:s29+$0x1B8B0] =	vst v25  }
.Ltmp4:
0x15f: {  	v11 =	vld [tilespmem:s31+$0x198C0];
	[tilespmem:s29+$0x1B8C0] =	vst v26;
	(pc) =	sbr.rel @p1 .LBB2_11-.Ltmp4, $4  }
0x160: {  	v12 =	vld [tilespmem:s31+$0x198D0];
	[tilespmem:s29+$0x1B8D0] =	vst v27  }
0x161: {  	v13 =	vld [tilespmem:s31+$0x198E0];
	[tilespmem:s29+$0x1B8E0] =	vst v28;
	s29 =	smov.u32 s31  }
0x162: {  	v15 =	vld [tilespmem:s29+$0x198F0]  }
0x163: {  	s30 =	sadd.s32 $0x400, s30;
	v14 =	vld.idx.msk [tilespmem:v29+s3+$0x0], $0xffff  }
0x164: {  	_ =	sdelay $0x3  }
0x165: {  	v0 =	vld.idx.msk [tilespmem:v0+s3+$0x0], $0xffff  }
0x166: {  	v1 =	vld.idx.msk [tilespmem:v1+s3+$0x0], $0xffff  }
0x167: {  	v2 =	vld.idx.msk [tilespmem:v2+s3+$0x0], $0xffff  }
0x168: {  	v3 =	vld.idx.msk [tilespmem:v3+s3+$0x0], $0xffff  }
0x169: {  	v4 =	vld.idx.msk [tilespmem:v4+s3+$0x0], $0xffff  }
0x16a: {  	v5 =	vld.idx.msk [tilespmem:v5+s3+$0x0], $0xffff  }
0x16b: {  	v7 =	vld.idx.msk [tilespmem:v7+s3+$0x0], $0xffff  }
0x16c: {  	v9 =	vld.idx.msk [tilespmem:v9+s3+$0x0], $0xffff  }
0x16d: {  	v6 =	vld.idx.msk [tilespmem:v6+s3+$0x0], $0xffff  }
0x16e: {  	v8 =	vld.idx.msk [tilespmem:v8+s3+$0x0], $0xffff  }
0x16f: {  	v10 =	vld.idx.msk [tilespmem:v10+s3+$0x0], $0xffff  }
0x170: {  	v11 =	vld.idx.msk [tilespmem:v11+s3+$0x0], $0xffff  }
0x171: {  	v12 =	vld.idx.msk [tilespmem:v12+s3+$0x0], $0xffff  }
0x172: {  	v13 =	vld.idx.msk [tilespmem:v13+s3+$0x0], $0xffff  }
0x173: {  	v15 =	vld.idx.msk [tilespmem:v15+s3+$0x0], $0xffff;
	[tilespmem:s29+$0x1B800] =	vst v14  }
0x174: {  	[tilespmem:s29+$0x1B810] =	vst v0  }
0x175: {  	[tilespmem:s29+$0x1B820] =	vst v1  }
0x176: {  	[tilespmem:s29+$0x1B830] =	vst v2  }
0x177: {  	[tilespmem:s29+$0x1B840] =	vst v3  }
0x178: {  	[tilespmem:s29+$0x1B850] =	vst v4  }
0x179: {  	[tilespmem:s29+$0x1B860] =	vst v5  }
0x17a: {  	[tilespmem:s29+$0x1B870] =	vst v7  }
0x17b: {  	[tilespmem:s29+$0x1B880] =	vst v9  }
0x17c: {  	[tilespmem:s29+$0x1B890] =	vst v6  }
0x17d: {  	[tilespmem:s29+$0x1B8A0] =	vst v8  }
0x17e: {  	[tilespmem:s29+$0x1B8B0] =	vst v10  }
0x17f: {  	s26 =	sadd.s32 $0x600, s26;
	s25 =	sadd.s32 $0x1, s25;
	[tilespmem:s29+$0x1B8C0] =	vst v11  }
0x180: {  	s26 =	simm.s32 @p0 $0x200;
	p0 =	sne.s32 s25, $0x64;
	[tilespmem:s29+$0x1B8D0] =	vst v12  }
.Ltmp5:
0x181: {  	[tilespmem:s29+$0x1B8E0] =	vst v13;
	(pc) =	sbr.rel @p0 .LBB2_8-.Ltmp5, $4  }
0x182: {  	s28 =	sadd.s32 s28, s9;
	[tilespmem:s29+$0x1B8F0] =	vst v15  }
0x183: {  	[hbm4b:s28+s17] =	stream.strided.scatter [tilespmem:s21], [sflag:$0x4], $0x1000, s18, s17, $0x38;
	[tilespmem:$0x1C800] =	vst v63  }
0x184: {  	s26 =	sadd.s32 s4, s26  }
0x185: {  	[tilespmem:s14], [sflag:$0x2] =	stream.linear.gather [hbm4b:s26+s3], $0x1000, $0x38;
	[tilespmem:$0x1C800] =	vst v63  }
0x186: {  	_ =	swait.ge [sflag:s22], $0x1000  }
0x187: {  	[sflag:s22] =	ssyncset.done $0x0  }
0x188: {  	[sflag:s22] =	ssyncadd.s32 $0xFFFFF000  }
0x189: {  	_ =	swait.ge [sflag:s16], $0x1000  }
0x18a: {  	[sflag:s16] =	ssyncset.done $0x0  }
0x18b: {  	s24 =	sadd.s32 $0x1, s24;
	[sflag:s16] =	ssyncadd.s32 $0xFFFFF000  }
0x18c: {  	p0 =	sne.s32 s24, s12;
	_ =	swait.ge [sflag:s23], $0x1000  }
.Ltmp6:
0x18d: {  	[sflag:s23] =	ssyncset.done $0x0;
	(pc) =	sbr.rel @p0 .LBB2_1-.Ltmp6, $4  }
0x18e: {  	[sflag:s23] =	ssyncadd.s32 $0xFFFFF000  }
0x18f: {  	_ =	swait.ge [sflag:s20], $0x1000  }
0x190: {  	[sflag:s20] =	ssyncset.done $0x0  }
0x191: {  	[sflag:s20] =	ssyncadd.s32 $0xFFFFF000  }
0x192: {  	_ =	sfence.sel $0x180000  }
0x193: {  	[bflag:$0x0] =	sbarrier.arrive $0xFFFF  }
0x194: {  	p0 =	sne.s32 s1, $0x0;
	_ =	strace $0x90000047  }
0x195: {  	s0 =	sadd.s32 @!p0 $0x100000, s0;
	[bflag:$0x2] =	sbarrier.arrive $0xFFFF  }
0x196: {  	[sflag:s0] =	ssyncadd.tile.s32 @!p0 $0x1;
	_ =	shalt  }
.Lfunc_end2:
_tile_overlayer_lowered:
.L_overlay_start_2:
0x197: {  	(tag) =	ssettag $0x2  }
0x198: {  	s0 =	rddreg [dreg:$0x0];
	s2 =	stileid.u32  }
0x199: {  	s1 =	rddreg [dreg:$0x1];
	p0 =	sne.s32 s2, $0x0  }
0x19a: {  	s3 =	rddreg [dreg:$0x2];
	[bflag:$0x3] =	sbarrier.arrive $0xFFFF;
	s2 =	simm.s32 @!p0 $0x1C05  }
0x19b: {  	[timem:s3], [sflag:s2] =	dma.local @!p0 [hbm:s0], s1  }
0x19c: {  	s0 =	simm.s32 @!p0 $0x5  }
0x19d: {  	_ =	swait.ge @!p0 [sflag:s0], s1  }
0x19e: {  	s1 =	ssub.s32 @!p0 $0x0, s1;
	[sflag:s0] =	ssyncset.done @!p0 $0x0  }
0x19f: {  	[sflag:s0] =	ssyncadd.s32 @!p0 s1  }
0x1a0: {  	[bflag:$0x3] =	sbarrier.arrive $0xFFFF  }
0x1a1: {  	_ =	shalt  }

</sc_bundles>
